<compile_context>
chip_gen: v7x
topology: tpu7x:2x2x1
jax: 0.10.2.dev20260603
libtpu: 0.0.44.dev20260713+nightly
codegen_flags: <defaults>
</compile_context>

<pallas_src>
import functools

import jax
import jax.numpy as jnp
from jax.experimental import pallas as pl
from jax.experimental.pallas import tpu as pltpu
from jax.experimental.pallas import tpu_sc as plsc

S = 2048
D = 768
H = 12
DK = 64
DFF = 3072
E = 8
EPAD = 128
TOPK = 2
LN_EPS = 1e-5

_F32 = jnp.float32
_BF16 = jnp.bfloat16


def _dot_t(a, b):
    return jax.lax.dot_general(a, b, (((1,), (1,)), ((), ())),
                               preferred_element_type=_F32)


def _ln_qkv_kernel(x_ref, g_ref, b_ref, w_ref, q_ref, k_ref, v_ref):
    x = x_ref[...]
    m = jnp.mean(x, axis=-1, keepdims=True)
    v = jnp.mean((x - m) * (x - m), axis=-1, keepdims=True)
    nx = (x - m) / jnp.sqrt(v + LN_EPS) * g_ref[0:1, :] + b_ref[0:1, :]
    qkv = _dot_t(nx.astype(_BF16), w_ref[...])
    q_ref[...] = (qkv[:, 0:D] * (1.0 / float(DK) ** 0.5)).astype(_BF16)
    k_ref[...] = qkv[:, D:2 * D].astype(_BF16)
    v_ref[...] = qkv[:, 2 * D:3 * D].astype(_BF16)


def _ln_qkv(x, g, b, w_bf):
    bt = 256
    return pl.pallas_call(
        _ln_qkv_kernel,
        grid=(S // bt,),
        in_specs=[
            pl.BlockSpec((bt, D), lambda i: (i, 0)),
            pl.BlockSpec((8, D), lambda i: (0, 0)),
            pl.BlockSpec((8, D), lambda i: (0, 0)),
            pl.BlockSpec((3 * D, D), lambda i: (0, 0)),
        ],
        out_specs=[pl.BlockSpec((bt, D), lambda i: (i, 0))] * 3,
        out_shape=[jax.ShapeDtypeStruct((S, D), _BF16)] * 3,
        compiler_params=pltpu.CompilerParams(
            dimension_semantics=("arbitrary",)),
    )(x, g, b, w_bf)


def _attn_kernel(q_ref, k_ref, v_ref, o_ref):
    for sub in range(2):
        sl = slice(sub * DK, (sub + 1) * DK)
        s = _dot_t(q_ref[:, sl], k_ref[:, sl])
        p = jnp.exp(s)
        l = jnp.sum(p, axis=-1, keepdims=True)
        ctx = jax.lax.dot_general(p.astype(_BF16), v_ref[:, sl],
                                  (((1,), (0,)), ((), ())),
                                  preferred_element_type=_F32)
        o_ref[:, sl] = (ctx * (1.0 / l)).astype(_BF16)


def _attention(q, k, v):
    bq = 512
    return pl.pallas_call(
        _attn_kernel,
        grid=(H // 2, S // bq),
        in_specs=[
            pl.BlockSpec((bq, 2 * DK), lambda h, i: (i, h)),
            pl.BlockSpec((S, 2 * DK), lambda h, i: (0, h)),
            pl.BlockSpec((S, 2 * DK), lambda h, i: (0, h)),
        ],
        out_specs=pl.BlockSpec((bq, 2 * DK), lambda h, i: (i, h)),
        out_shape=jax.ShapeDtypeStruct((S, D), _BF16),
        compiler_params=pltpu.CompilerParams(
            dimension_semantics=("arbitrary", "arbitrary")),
    )(q, k, v)


def _proj_router_kernel(ctx_ref, x_ref, wout_ref, g_ref, b_ref, wg_ref,
                        x1_ref, flat_ref, logits_ref, ewm_ref, ent_ref,
                        start_ref, eb_ref, cnt_ref):
    i = pl.program_id(0)
    attn = _dot_t(ctx_ref[...], wout_ref[...])
    x1 = x_ref[...] + attn
    x1_ref[...] = x1
    m = jnp.mean(x1, axis=-1, keepdims=True)
    va = jnp.mean((x1 - m) * (x1 - m), axis=-1, keepdims=True)
    nx2 = (x1 - m) / jnp.sqrt(va + LN_EPS) * g_ref[0:1, :] + b_ref[0:1, :]
    flat_ref[...] = nx2.astype(_BF16)
    logits = jax.lax.dot_general(nx2, wg_ref[...], (((1,), (1,)), ((), ())),
                                 preferred_element_type=_F32)
    logits_ref[...] = logits
    lane = jax.lax.broadcasted_iota(jnp.int32, logits.shape, 1)
    emask = lane < E
    lgm = jnp.where(emask, logits, -1e30)
    mx = jnp.max(lgm, axis=-1, keepdims=True)
    ex = jnp.where(emask, jnp.exp(lgm - mx), 0.0)
    p = ex / jnp.sum(ex, axis=-1, keepdims=True)
    sel = jnp.zeros_like(p)
    for e in range(E):
        pe = p[:, e:e + 1]
        gt = jnp.sum(jnp.where(emask & (p > pe), 1.0, 0.0),
                     axis=-1, keepdims=True)
        eq_lt = jnp.sum(jnp.where(emask & (p == pe) & (lane < e), 1.0, 0.0),
                        axis=-1, keepdims=True)
        is_sel = (gt + eq_lt) < TOPK
        sel = sel + jnp.where((lane == e) & is_sel, 1.0, 0.0)
    top2sum = jnp.sum(sel * p, axis=-1, keepdims=True)
    ewm = sel * p / top2sum
    ewm_ref[...] = ewm
    logp = jnp.log(jnp.clip(p, 1e-6, None))
    ent_part = -jnp.sum(p * logp) / float(S)

    @pl.when(i == 0)
    def _():
        ent_ref[...] = jnp.zeros_like(ent_ref)
        cnt_ref[...] = jnp.zeros_like(cnt_ref)

    ent_ref[...] += ent_part
    cnt_ref[0:1, :] += jnp.sum(jnp.where(ewm > 0.0, 1.0, 0.0), axis=0,
                               keepdims=True)

    @pl.when(i == S // 256 - 1)
    def _():
        counts = cnt_ref[0:1, :]
        ci = counts.astype(jnp.int32)
        pc = (((ci + (BLK - 1)) // BLK) * BLK).astype(_F32)
        lrow = jax.lax.broadcasted_iota(jnp.int32, pc.shape, 1)
        start = jnp.zeros_like(pc)
        for e in range(E):
            se = jnp.sum(jnp.where(lrow < e, pc, 0.0), axis=1, keepdims=True)
            start = start + jnp.where(lrow == e, se, 0.0)
        start_ref[...] = jnp.broadcast_to(start, start_ref.shape)
        cum = start + pc
        blf = (jax.lax.broadcasted_iota(jnp.int32, pc.shape, 1)
               * BLK).astype(_F32)
        acc = jnp.zeros_like(lrow)
        for e in range(E):
            ce = jnp.sum(jnp.where(lrow == e, cum, 0.0), axis=1,
                         keepdims=True)
            acc = acc + jnp.where(blf >= ce, 1, 0)
        eb_ref[...] = jnp.broadcast_to(jnp.minimum(acc, E - 1),
                                       eb_ref.shape)


def _proj_router(ctx, x, wout_bf, g2, b2, wg_pad):
    bt = 256
    return pl.pallas_call(
        _proj_router_kernel,
        grid=(S // bt,),
        in_specs=[
            pl.BlockSpec((bt, D), lambda i: (i, 0)),
            pl.BlockSpec((bt, D), lambda i: (i, 0)),
            pl.BlockSpec((D, D), lambda i: (0, 0)),
            pl.BlockSpec((8, D), lambda i: (0, 0)),
            pl.BlockSpec((8, D), lambda i: (0, 0)),
            pl.BlockSpec((EPAD, D), lambda i: (0, 0)),
        ],
        out_specs=[
            pl.BlockSpec((bt, D), lambda i: (i, 0)),
            pl.BlockSpec((bt, D), lambda i: (i, 0)),
            pl.BlockSpec((bt, EPAD), lambda i: (i, 0)),
            pl.BlockSpec((bt, EPAD), lambda i: (i, 0)),
            pl.BlockSpec((8, 128), lambda i: (0, 0)),
            pl.BlockSpec((8, 128), lambda i: (0, 0)),
            pl.BlockSpec((8, 128), lambda i: (0, 0)),
        ],
        out_shape=[
            jax.ShapeDtypeStruct((S, D), _F32),
            jax.ShapeDtypeStruct((S, D), _BF16),
            jax.ShapeDtypeStruct((S, EPAD), _F32),
            jax.ShapeDtypeStruct((S, EPAD), _F32),
            jax.ShapeDtypeStruct((8, 128), _F32),
            jax.ShapeDtypeStruct((8, 128), _F32),
            jax.ShapeDtypeStruct((8, 128), jnp.int32),
        ],
        scratch_shapes=[pltpu.VMEM((8, 128), _F32)],
        compiler_params=pltpu.CompilerParams(
            dimension_semantics=("arbitrary",)),
    )(ctx, x, wout_bf, g2, b2, wg_pad)


BLK = 128
G = TOPK * S + E * BLK
NB = G // BLK
BR = 256


def _route_kernel(ewm_ref, start_ref, slot0_ref, slot1_ref, rw0_ref,
                  rw1_ref, rt_ref):
    i = pl.program_id(0)
    ewm = ewm_ref[...]
    lane = jax.lax.broadcasted_iota(jnp.int32, ewm.shape, 1)
    sel = (ewm > 0.0) & (lane < E)
    self32 = jnp.where(sel, 1.0, 0.0)

    @pl.when(i == 0)
    def _():
        rt_ref[...] = jnp.zeros_like(rt_ref)

    carry = rt_ref[0:1, :]
    rt_ref[0:1, :] = carry + jnp.sum(self32, axis=0, keepdims=True)

    r = jax.lax.broadcasted_iota(jnp.int32, (BR, BR), 0)
    c = jax.lax.broadcasted_iota(jnp.int32, (BR, BR), 1)
    tri = jnp.where(r > c, 1.0, 0.0)
    csum = jax.lax.dot_general(tri, self32, (((1,), (0,)), ((), ())),
                               preferred_element_type=_F32)
    slot_f = start_ref[0:1, :] + carry + csum
    m0 = jnp.min(jnp.where(sel, lane, 99), axis=1, keepdims=True)
    mask0 = sel & (lane == m0)
    m1 = jnp.min(jnp.where(sel & (lane > m0), lane, 99), axis=1,
                 keepdims=True)
    mask1 = sel & (lane == m1)
    s0 = jnp.sum(jnp.where(mask0, slot_f, 0.0), axis=1, keepdims=True)
    w0 = jnp.sum(jnp.where(mask0, ewm, 0.0), axis=1, keepdims=True)
    s1 = jnp.sum(jnp.where(mask1, slot_f, 0.0), axis=1, keepdims=True)
    w1 = jnp.sum(jnp.where(mask1, ewm, 0.0), axis=1, keepdims=True)
    s1 = jnp.where(m1 >= E, float(G - 1), s1)
    shp = slot0_ref.shape
    slot0_ref[...] = jnp.broadcast_to(s0.astype(jnp.int32), shp)
    slot1_ref[...] = jnp.broadcast_to(s1.astype(jnp.int32), shp)
    rw0_ref[...] = jnp.broadcast_to(w0, shp)
    rw1_ref[...] = jnp.broadcast_to(w1, shp)


def _route(ewm, start):
    return pl.pallas_call(
        _route_kernel,
        grid=(S // BR,),
        in_specs=[
            pl.BlockSpec((BR, EPAD), lambda i: (i, 0)),
            pl.BlockSpec((8, 128), lambda i: (0, 0)),
        ],
        out_specs=[
            pl.BlockSpec((BR, EPAD), lambda i: (i, 0)),
            pl.BlockSpec((BR, EPAD), lambda i: (i, 0)),
            pl.BlockSpec((BR, EPAD), lambda i: (i, 0)),
            pl.BlockSpec((BR, EPAD), lambda i: (i, 0)),
        ],
        out_shape=[
            jax.ShapeDtypeStruct((S, EPAD), jnp.int32),
            jax.ShapeDtypeStruct((S, EPAD), jnp.int32),
            jax.ShapeDtypeStruct((S, EPAD), _F32),
            jax.ShapeDtypeStruct((S, EPAD), _F32),
        ],
        scratch_shapes=[pltpu.VMEM((8, 128), _F32)],
        compiler_params=pltpu.CompilerParams(
            dimension_semantics=("arbitrary",)),
    )(ewm, start)


_SCW = 128


def _sc_dispatch(flat_bf, sidx):
    d2 = D // 2
    flat_i = jax.lax.bitcast_convert_type(
        flat_bf.reshape(S, d2, 2), jnp.int32)
    vector_mesh = plsc.VectorSubcoreMesh(core_axis_name="core",
                                         subcore_axis_name="subcore")

    @pl.kernel(out_type=jax.ShapeDtypeStruct((G, d2), jnp.int32),
               mesh=vector_mesh)
    def kern(x_hbm, i_hbm, o_hbm):
        def body(x_vmem, i_vmem):
            pltpu.sync_copy(x_vmem, o_hbm.at[i_vmem.at[0]])

        pltpu.emit_pipeline(
            body,
            grid=(2 * S // _SCW,),
            in_specs=[
                pl.BlockSpec((_SCW, d2),
                             index_map=lambda i: (i % (S // _SCW), 0)),
                pl.BlockSpec((1, _SCW), index_map=lambda i: (0, i)),
            ],
            out_specs=[],
            core_axis_name=("core", "subcore"),
            dimension_semantics=(pltpu.PARALLEL,),
        )(x_hbm, i_hbm)

    xg_i = kern(flat_i, sidx)
    return jax.lax.bitcast_convert_type(xg_i, _BF16).reshape(G, D)


def _ffn_kernel(eb_ref, xg_ref, w1_ref, w2_ref, y_ref):
    h = _dot_t(xg_ref[...], w1_ref[0])
    h = 0.5 * h * (1.0 + jax.lax.erf(h * (0.5 ** 0.5)))
    y = _dot_t(h.astype(_BF16), w2_ref[0])
    y_ref[...] = y.astype(_BF16)


def _ffn(eb, xg, w1_bf, w2_bf):
    grid_spec = pltpu.PrefetchScalarGridSpec(
        num_scalar_prefetch=1,
        grid=(NB,),
        in_specs=[
            pl.BlockSpec((BLK, D), lambda b, eb: (b, 0)),
            pl.BlockSpec((1, DFF, D), lambda b, eb: (eb[b], 0, 0)),
            pl.BlockSpec((1, D, DFF), lambda b, eb: (eb[b], 0, 0)),
        ],
        out_specs=pl.BlockSpec((BLK, D), lambda b, eb: (b, 0)),
    )
    return pl.pallas_call(
        _ffn_kernel,
        grid_spec=grid_spec,
        out_shape=jax.ShapeDtypeStruct((G, D), _BF16),
        compiler_params=pltpu.CompilerParams(
            dimension_semantics=("arbitrary",)),
    )(eb, xg, w1_bf, w2_bf)


_CCH = 512


def _combine_kernel(x1_ref, y_ref, slot0_ref, slot1_ref, rw0_ref, rw1_ref,
                    out_ref):
    acc = x1_ref[...]
    s0 = slot0_ref[...][:, 0:1]
    s1 = slot1_ref[...][:, 0:1]
    w0 = rw0_ref[...][:, 0:1]
    w1 = rw1_ref[...][:, 0:1]
    bt = acc.shape[0]
    for ch in range(G // _CCH):
        gio = jax.lax.broadcasted_iota(jnp.int32, (bt, _CCH), 1) + ch * _CCH
        cm = (jnp.where(s0 == gio, w0, 0.0) +
              jnp.where(s1 == gio, w1, 0.0)).astype(_BF16)
        acc = acc + jax.lax.dot_general(
            cm, y_ref[ch * _CCH:(ch + 1) * _CCH, :],
            (((1,), (0,)), ((), ())), preferred_element_type=_F32)
    out_ref[...] = acc


def _combine(x1, y, slot0, slot1, rw0, rw1):
    bt = 256
    return pl.pallas_call(
        _combine_kernel,
        grid=(S // bt,),
        in_specs=[
            pl.BlockSpec((bt, D), lambda i: (i, 0)),
            pl.BlockSpec((G, D), lambda i: (0, 0)),
            pl.BlockSpec((bt, EPAD), lambda i: (i, 0)),
            pl.BlockSpec((bt, EPAD), lambda i: (i, 0)),
            pl.BlockSpec((bt, EPAD), lambda i: (i, 0)),
            pl.BlockSpec((bt, EPAD), lambda i: (i, 0)),
        ],
        out_specs=pl.BlockSpec((bt, D), lambda i: (i, 0)),
        out_shape=jax.ShapeDtypeStruct((S, D), _F32),
        compiler_params=pltpu.CompilerParams(
            dimension_semantics=("arbitrary",)),
    )(x1, y, slot0, slot1, rw0, rw1)


def kernel(x, ln1_scale, ln1_bias, Wqkv, Wout, ln2_scale, ln2_bias, Wg, W1,
           W2, residual_scale):
    x2d = x.reshape(S, D)
    rs = residual_scale[0]
    g1 = jnp.broadcast_to(ln1_scale[None, :], (8, D))
    b1 = jnp.broadcast_to(ln1_bias[None, :], (8, D))
    g2 = jnp.broadcast_to(ln2_scale[None, :], (8, D))
    b2 = jnp.broadcast_to(ln2_bias[None, :], (8, D))
    wqkv_bf = Wqkv.astype(_BF16)
    wout_bf = (Wout * rs).astype(_BF16)
    wg_pad = jnp.zeros((EPAD, D), _F32).at[:E].set(Wg)
    w1_bf = W1.astype(_BF16)
    w2_bf = (W2 * rs).astype(_BF16)

    q, k, v = _ln_qkv(x2d, g1, b1, wqkv_bf)
    ctx = _attention(q, k, v)
    x1, flat_bf, logits_pad, ewm, ent, start, eb2d = _proj_router(
        ctx, x2d, wout_bf, g2, b2, wg_pad)
    slot0, slot1, rw0, rw1 = _route(ewm, start)
    eb = eb2d[0, :NB]
    sidx = jnp.concatenate([slot0[:, 0], slot1[:, 0]]).reshape(1, 2 * S)
    xg = _sc_dispatch(flat_bf, sidx)
    y = _ffn(eb, xg, w1_bf, w2_bf)
    out2d = _combine(x1, y, slot0, slot1, rw0, rw1)

    out = out2d.reshape(1, S, D)
    router_logits = logits_pad[:, :E]
    entropy_loss = ent[0, 0]
    return (out, router_logits, entropy_loss)

# --- scband reference (transcript-rebuilt; emitter-appended) ---
"""Pipeline reference for scband-encoder-layer-76759655514827 (READ-ONLY COPY).

The authoritative reference and input builder live on the scoring server;
editing this copy changes nothing except your own understanding.
"""

import jax, jax.numpy as jnp
import numpy as np

B, S, D, H, DFF, E, TOPK = 1, 2048, 768, 12, 3072, 8, 2

def _layernorm(x, scale, bias, eps=1e-5):
    m = jnp.mean(x, axis=-1, keepdims=True)
    v = jnp.var(x, axis=-1, keepdims=True)
    return (x - m) / jnp.sqrt(v + eps) * scale + bias

def setup_inputs(seed: int = 0) -> dict:
    key = jax.random.key(seed)
    ks = jax.random.split(key, 8)
    x = jax.random.normal(ks[0], (B, S, D), dtype=jnp.float32)
    Wqkv = jax.random.normal(ks[1], (3 * D, D), dtype=jnp.float32) * 0.02
    Wout = jax.random.normal(ks[2], (D, D), dtype=jnp.float32) * 0.02
    Wg = jax.random.normal(ks[3], (E, D), dtype=jnp.float32) * 0.02
    W1 = jax.random.normal(ks[4], (E, DFF, D), dtype=jnp.float32) * 0.02
    W2 = jax.random.normal(ks[5], (E, D, DFF), dtype=jnp.float32) * 0.02
    return {
        'x': x,
        'ln1_scale': jnp.ones((D,), jnp.float32), 'ln1_bias': jnp.zeros((D,), jnp.float32),
        'Wqkv': Wqkv, 'Wout': Wout,
        'ln2_scale': jnp.ones((D,), jnp.float32), 'ln2_bias': jnp.zeros((D,), jnp.float32),
        'Wg': Wg, 'W1': W1, 'W2': W2,
        'residual_scale': jnp.ones((1,), jnp.float32),
    }

def reference(x, ln1_scale, ln1_bias, Wqkv, Wout, ln2_scale, ln2_bias, Wg, W1, W2, residual_scale):
    Bsz, Sl, Dm = x.shape
    dk = Dm // H
    # --- self-attention block (pre-norm) ---
    nx = _layernorm(x, ln1_scale, ln1_bias)
    qkv = nx @ Wqkv.T
    q, k, v = jnp.split(qkv, 3, axis=-1)
    def _split_heads(t):
        return t.reshape(Bsz, Sl, H, dk).transpose(0, 2, 1, 3)
    q, k, v = _split_heads(q), _split_heads(k), _split_heads(v)
    scale = 1.0 / np.sqrt(dk)
    scores = jnp.einsum('bhqd,bhkd->bhqk', q, k) * scale
    attn_w = jax.nn.softmax(scores, axis=-1)
    ctx = jnp.einsum('bhqk,bhkd->bhqd', attn_w, v)
    ctx = ctx.transpose(0, 2, 1, 3).reshape(Bsz, Sl, Dm)
    attn_out = ctx @ Wout.T
    x1 = x + attn_out * residual_scale
    # --- MoE block (pre-norm); dense: ALL experts on ALL tokens ---
    nx2 = _layernorm(x1, ln2_scale, ln2_bias)
    T = Bsz * Sl
    flat = nx2.reshape(T, Dm)
    router_logits = flat @ Wg.T
    probs = jax.nn.softmax(router_logits, axis=-1)
    rw, sel = jax.lax.top_k(probs, TOPK)
    rw = rw / jnp.sum(rw, axis=-1, keepdims=True)
    h = jnp.einsum('td,efd->tef', flat, W1)
    h = jax.nn.gelu(h, approximate=False)
    expert_outputs = jnp.einsum('tef,edf->ted', h, W2)  # [T, E, D]
    ewm = jnp.zeros((T, E), dtype=flat.dtype)
    rows = jnp.arange(T)
    for kk in range(TOPK):
        ewm = ewm.at[rows, sel[:, kk]].add(rw[:, kk])
    combined = jnp.einsum('te,ted->td', ewm, expert_outputs)
    moe_out = combined.reshape(Bsz, Sl, Dm)
    logp = jnp.log(jnp.clip(probs, 1e-6, None))
    entropy_loss = jnp.mean(-jnp.sum(probs * logp, axis=-1))
    out = x1 + moe_out * residual_scale
    return (out, router_logits, entropy_loss)

if __name__ == "__main__":
    import jax
    _d = setup_inputs()
    print(jax.jit(kernel)(*tuple(_d.values())))

</pallas_src>

<mosaic_0001>
#map = affine_map<(d0, d1) -> (0, 0)>
module attributes {stable_mosaic.version = 14 : i64} {
  func.func @kern(%arg0: i32, %arg1: i32, %arg2: memref<2048x384xi32, #tpu.memory_space<hbm>>, %arg3: memref<1x4096xi32, #tpu.memory_space<hbm>>, %arg4: memref<5120x384xi32, #tpu.memory_space<hbm>>) attributes {dimension_semantics = [#tpu.dimension_semantics<core_parallel>, #tpu.dimension_semantics<subcore_parallel>], iteration_bounds = array<i64: 2, 16>, scalar_prefetch = 0 : i64, scratch_operands = 0 : i64, tpu.core_type = #tpu.core_type<sc_vector_subcore>, window_params = [{transform_indices = #map}, {transform_indices = #map}, {transform_indices = #map}]} {
    %mul3A = arith.constant 1 : i32
    %mul3A_0 = arith.muli %arg1, %mul3A : i32
    %add3A = arith.constant 0 : i32
    %add3A_1 = arith.addi %add3A, %mul3A_0 : i32
    %mul3A_2 = arith.constant 16 : i32
    %mul3A_3 = arith.muli %arg0, %mul3A_2 : i32
    %add3A_4 = arith.addi %add3A_1, %mul3A_3 : i32
    %mul3A_5 = arith.constant 1 : i32
    %mul3A_6 = arith.muli %add3A_4, %mul3A_5 : i32
    "tpu.region"() ({
      %run_scoped3A = memref.alloca() : memref<2x128x384xi32, #tpu.memory_space<vmem>>
      %run_scoped3A_7 = tpu.sem_alloc : memref<2x!tpu.dma_semaphore, #tpu.memory_space<semaphore_mem>>
      %run_scoped3A_8 = memref.alloca() : memref<2x1x128xi32, #tpu.memory_space<vmem>>
      %run_scoped3A_9 = tpu.sem_alloc : memref<2x!tpu.dma_semaphore, #tpu.memory_space<semaphore_mem>>
      %add3A_10 = arith.constant 0 : i32
      %add3A_11 = arith.addi %add3A_10, %mul3A_6 : i32
      %select_n3A = arith.constant true
      %select_n3A_12 = arith.constant 0 : i32
      %select_n3A_13 = arith.constant -1 : i32
      %select_n3A_14 = arith.select %select_n3A, %select_n3A_13, %select_n3A_12 : i32
      %eq3A = arith.constant -1 : i32
      %eq3A_15 = arith.cmpi eq, %select_n3A_14, %eq3A : i32
      %select_n3A_16 = arith.constant 0 : i32
      %select_n3A_17 = arith.select %eq3A_15, %select_n3A_16, %select_n3A_14 : i32
      %add3A_18 = arith.constant 0 : i32
      %add3A_19 = arith.addi %add3A_18, %mul3A_6 : i32
      %select_n3A_20 = arith.constant true
      %select_n3A_21 = arith.constant 0 : i32
      %select_n3A_22 = arith.constant 1 : i32
      %select_n3A_23 = arith.select %select_n3A_20, %select_n3A_22, %select_n3A_21 : i32
      %eq3A_24 = arith.constant 1 : i32
      %eq3A_25 = arith.cmpi eq, %select_n3A_23, %eq3A_24 : i32
      %select_n3A_26 = arith.constant 0 : i32
      %select_n3A_27 = arith.select %eq3A_25, %select_n3A_26, %select_n3A_23 : i32
      %add3A_28 = arith.constant 0 : i32
      %add3A_29 = arith.addi %add3A_28, %mul3A_6 : i32
      %select_n3A_30 = arith.constant true
      %select_n3A_31 = arith.constant 0 : i32
      %select_n3A_32 = arith.constant 1 : i32
      %select_n3A_33 = arith.select %select_n3A_30, %select_n3A_32, %select_n3A_31 : i32
      %eq3A_34 = arith.constant 1 : i32
      %eq3A_35 = arith.cmpi eq, %select_n3A_33, %eq3A_34 : i32
      %select_n3A_36 = arith.constant 0 : i32
      %select_n3A_37 = arith.select %eq3A_35, %select_n3A_36, %select_n3A_33 : i32
      %add3A_38 = arith.constant 0 : i32
      %add3A_39 = arith.addi %add3A_38, %mul3A_6 : i32
      "tpu.trace_start"() <{level = 10 : i32, message = "ep_initialize_0"}> : () -> ()
      %rem3A = arith.constant 0 : i32
      %rem3A_40 = arith.constant 2 : i32
      %rem3A_41 = arith.remui %rem3A, %rem3A_40 : i32
      %jit3A = arith.constant 16 : i32
      %eq3A_42 = arith.constant 0 : i32
      %eq3A_43 = arith.cmpi eq, %jit3A, %eq3A_42 : i32
      %jit3A_44 = arith.constant 1 : i32
      %select_n3A_45 = arith.select %eq3A_43, %jit3A_44, %jit3A : i32
      %rem3A_46 = arith.remsi %add3A_11, %select_n3A_45 : i32
      %ne3A = arith.constant 0 : i32
      %ne3A_47 = arith.cmpi ne, %rem3A_46, %ne3A : i32
      %lt3A = arith.constant 0 : i32
      %lt3A_48 = arith.cmpi slt, %rem3A_46, %lt3A : i32
      %lt3A_49 = arith.constant 0 : i32
      %lt3A_50 = arith.cmpi slt, %select_n3A_45, %lt3A_49 : i32
      %ne3A_51 = arith.xori %lt3A_48, %lt3A_50 : i1
      %and3A = arith.andi %ne3A_51, %ne3A_47 : i1
      %add3A_52 = arith.addi %rem3A_46, %select_n3A_45 : i32
      %select_n3A_53 = arith.select %and3A, %add3A_52, %rem3A_46 : i32
      %mul3A_54 = arith.constant 128 : i32
      %mul3A_55 = arith.muli %mul3A_54, %select_n3A_53 : i32
      %dma_start3A = arith.constant 0 : i32
      %dma_start3A_56 = arith.constant 0 : i32
      %dma_start3A_57 = tpu.memref_slice %run_scoped3A[%rem3A_41, %dma_start3A, %dma_start3A_56] : memref<2x128x384xi32, #tpu.memory_space<vmem>> -> memref<1x128x384xi32, #tpu.memory_space<vmem>>
      %dma_start3A_58 = tpu.memref_squeeze %dma_start3A_57 : memref<1x128x384xi32, #tpu.memory_space<vmem>> -> memref<128x384xi32, #tpu.memory_space<vmem>>
      %dma_start3A_59 = arith.constant 0 : i32
      %dma_start3A_60 = tpu.memref_slice %arg2[%mul3A_55, %dma_start3A_59] : memref<2048x384xi32, #tpu.memory_space<hbm>> -> memref<128x384xi32, #tpu.memory_space<hbm>>
      %dma_start3A_61 = tpu.memref_slice %run_scoped3A_7[%rem3A_41] : memref<2x!tpu.dma_semaphore, #tpu.memory_space<semaphore_mem>> -> memref<1x!tpu.dma_semaphore, #tpu.memory_space<semaphore_mem>>
      %dma_start3A_62 = tpu.memref_squeeze %dma_start3A_61 : memref<1x!tpu.dma_semaphore, #tpu.memory_space<semaphore_mem>> -> memref<!tpu.dma_semaphore, #tpu.memory_space<semaphore_mem>>
      %dma_start3A_63 = arith.constant 0 : i32
      %dma_start3A_64 = arith.constant 0 : i32
      %dma_start3A_65 = tpu.memref_slice %run_scoped3A[%rem3A_41, %dma_start3A_63, %dma_start3A_64] : memref<2x128x384xi32, #tpu.memory_space<vmem>> -> memref<1x128x384xi32, #tpu.memory_space<vmem>>
      %dma_start3A_66 = tpu.memref_squeeze %dma_start3A_65 : memref<1x128x384xi32, #tpu.memory_space<vmem>> -> memref<128x384xi32, #tpu.memory_space<vmem>>
      %dma_start3A_67 = arith.constant 0 : i32
      %dma_start3A_68 = tpu.memref_slice %arg2[%mul3A_55, %dma_start3A_67] : memref<2048x384xi32, #tpu.memory_space<hbm>> -> memref<128x384xi32, #tpu.memory_space<hbm>>
      tpu.enqueue_dma source(%dma_start3A_68 : memref<128x384xi32, #tpu.memory_space<hbm>>) target(%dma_start3A_66 : memref<128x384xi32, #tpu.memory_space<vmem>>) target_semaphore(%dma_start3A_62 : memref<!tpu.dma_semaphore, #tpu.memory_space<semaphore_mem>>)
      %add3A_69 = arith.constant 0 : i32
      %add3A_70 = arith.constant 1 : i32
      %add3A_71 = arith.addi %add3A_69, %add3A_70 : i32
      %select_n3A_72 = arith.constant true
      %select_n3A_73 = arith.constant 0 : i32
      %select_n3A_74 = arith.select %select_n3A_72, %add3A_71, %select_n3A_73 : i32
      %rem3A_75 = arith.constant 0 : i32
      %rem3A_76 = arith.constant 2 : i32
      %rem3A_77 = arith.remui %rem3A_75, %rem3A_76 : i32
      %mul3A_78 = arith.constant 128 : i32
      %mul3A_79 = arith.muli %mul3A_78, %add3A_11 : i32
      %dma_start3A_80 = arith.constant 0 : i32
      %dma_start3A_81 = arith.constant 0 : i32
      %dma_start3A_82 = tpu.memref_slice %run_scoped3A_8[%rem3A_77, %dma_start3A_80, %dma_start3A_81] : memref<2x1x128xi32, #tpu.memory_space<vmem>> -> memref<1x1x128xi32, #tpu.memory_space<vmem>>
      %dma_start3A_83 = tpu.memref_squeeze %dma_start3A_82 : memref<1x1x128xi32, #tpu.memory_space<vmem>> -> memref<1x128xi32, #tpu.memory_space<vmem>>
      %dma_start3A_84 = arith.constant 0 : i32
      %dma_start3A_85 = tpu.memref_slice %arg3[%dma_start3A_84, %mul3A_79] : memref<1x4096xi32, #tpu.memory_space<hbm>> -> memref<1x128xi32, #tpu.memory_space<hbm>>
      %dma_start3A_86 = tpu.memref_slice %run_scoped3A_9[%rem3A_77] : memref<2x!tpu.dma_semaphore, #tpu.memory_space<semaphore_mem>> -> memref<1x!tpu.dma_semaphore, #tpu.memory_space<semaphore_mem>>
      %dma_start3A_87 = tpu.memref_squeeze %dma_start3A_86 : memref<1x!tpu.dma_semaphore, #tpu.memory_space<semaphore_mem>> -> memref<!tpu.dma_semaphore, #tpu.memory_space<semaphore_mem>>
      %dma_start3A_88 = arith.constant 0 : i32
      %dma_start3A_89 = arith.constant 0 : i32
      %dma_start3A_90 = tpu.memref_slice %run_scoped3A_8[%rem3A_77, %dma_start3A_88, %dma_start3A_89] : memref<2x1x128xi32, #tpu.memory_space<vmem>> -> memref<1x1x128xi32, #tpu.memory_space<vmem>>
      %dma_start3A_91 = tpu.memref_squeeze %dma_start3A_90 : memref<1x1x128xi32, #tpu.memory_space<vmem>> -> memref<1x128xi32, #tpu.memory_space<vmem>>
      %dma_start3A_92 = arith.constant 0 : i32
      %dma_start3A_93 = tpu.memref_slice %arg3[%dma_start3A_92, %mul3A_79] : memref<1x4096xi32, #tpu.memory_space<hbm>> -> memref<1x128xi32, #tpu.memory_space<hbm>>
      tpu.enqueue_dma source(%dma_start3A_93 : memref<1x128xi32, #tpu.memory_space<hbm>>) target(%dma_start3A_91 : memref<1x128xi32, #tpu.memory_space<vmem>>) target_semaphore(%dma_start3A_87 : memref<!tpu.dma_semaphore, #tpu.memory_space<semaphore_mem>>)
      %add3A_94 = arith.constant 0 : i32
      %add3A_95 = arith.constant 1 : i32
      %add3A_96 = arith.addi %add3A_94, %add3A_95 : i32
      %select_n3A_97 = arith.constant true
      %select_n3A_98 = arith.constant 0 : i32
      %select_n3A_99 = arith.select %select_n3A_97, %add3A_96, %select_n3A_98 : i32
      "tpu.trace_stop"() : () -> ()
      %scan3A = arith.constant 0 : i32
      %scan3A_100 = arith.constant 0 : i32
      %scan3A_101 = arith.constant 0 : i32
      %scan3A_102 = arith.constant 0 : i32
      %eq3A_103 = arith.constant 0 : i32
      %eq3A_104 = arith.cmpi eq, %scan3A_102, %eq3A_103 : i32
      %eq3A_105 = arith.constant 0 : i32
      %eq3A_106 = arith.cmpi eq, %scan3A_102, %eq3A_105 : i32
      %add3A_107 = arith.constant 0 : i32
      %add3A_108 = arith.addi %add3A_107, %mul3A_6 : i32
      %select_n3A_109 = arith.constant true
      %select_n3A_110 = arith.constant 0 : i32
      %select_n3A_111 = arith.constant -1 : i32
      %select_n3A_112 = arith.select %select_n3A_109, %select_n3A_111, %select_n3A_110 : i32
      %eq3A_113 = arith.constant -1 : i32
      %eq3A_114 = arith.cmpi eq, %select_n3A_112, %eq3A_113 : i32
      %select_n3A_115 = arith.constant 0 : i32
      %select_n3A_116 = arith.select %eq3A_114, %select_n3A_115, %select_n3A_112 : i32
      %add3A_117 = arith.constant 0 : i32
      %add3A_118 = arith.addi %add3A_117, %mul3A_6 : i32
      %select_n3A_119 = arith.constant true
      %select_n3A_120 = arith.constant 0 : i32
      %select_n3A_121 = arith.constant 1 : i32
      %select_n3A_122 = arith.select %select_n3A_119, %select_n3A_121, %select_n3A_120 : i32
      %eq3A_123 = arith.constant 1 : i32
      %eq3A_124 = arith.cmpi eq, %select_n3A_122, %eq3A_123 : i32
      %select_n3A_125 = arith.constant 0 : i32
      %select_n3A_126 = arith.select %eq3A_124, %select_n3A_125, %select_n3A_122 : i32
      %add3A_127 = arith.constant 0 : i32
      %add3A_128 = arith.addi %add3A_127, %mul3A_6 : i32
      %select_n3A_129 = arith.constant true
      %select_n3A_130 = arith.constant 0 : i32
      %select_n3A_131 = arith.constant 1 : i32
      %select_n3A_132 = arith.select %select_n3A_129, %select_n3A_131, %select_n3A_130 : i32
      %eq3A_133 = arith.constant 1 : i32
      %eq3A_134 = arith.cmpi eq, %select_n3A_132, %eq3A_133 : i32
      %select_n3A_135 = arith.constant 0 : i32
      %select_n3A_136 = arith.select %eq3A_134, %select_n3A_135, %select_n3A_132 : i32
      %add3A_137 = arith.constant 0 : i32
      %add3A_138 = arith.addi %add3A_137, %mul3A_6 : i32
      %jit3A_139 = arith.constant 16 : i32
      %eq3A_140 = arith.constant 0 : i32
      %eq3A_141 = arith.cmpi eq, %jit3A_139, %eq3A_140 : i32
      %jit3A_142 = arith.constant 1 : i32
      %select_n3A_143 = arith.select %eq3A_141, %jit3A_142, %jit3A_139 : i32
      %rem3A_144 = arith.remsi %add3A_108, %select_n3A_143 : i32
      %ne3A_145 = arith.constant 0 : i32
      %ne3A_146 = arith.cmpi ne, %rem3A_144, %ne3A_145 : i32
      %lt3A_147 = arith.constant 0 : i32
      %lt3A_148 = arith.cmpi slt, %rem3A_144, %lt3A_147 : i32
      %lt3A_149 = arith.constant 0 : i32
      %lt3A_150 = arith.cmpi slt, %select_n3A_143, %lt3A_149 : i32
      %ne3A_151 = arith.xori %lt3A_148, %lt3A_150 : i1
      %and3A_152 = arith.andi %ne3A_151, %ne3A_146 : i1
      %add3A_153 = arith.addi %rem3A_144, %select_n3A_143 : i32
      %select_n3A_154 = arith.select %and3A_152, %add3A_153, %rem3A_144 : i32
      %jit3A_155 = arith.constant 16 : i32
      %eq3A_156 = arith.constant 0 : i32
      %eq3A_157 = arith.cmpi eq, %jit3A_155, %eq3A_156 : i32
      %jit3A_158 = arith.constant 1 : i32
      %select_n3A_159 = arith.select %eq3A_157, %jit3A_158, %jit3A_155 : i32
      %rem3A_160 = arith.remsi %add3A_128, %select_n3A_159 : i32
      %ne3A_161 = arith.constant 0 : i32
      %ne3A_162 = arith.cmpi ne, %rem3A_160, %ne3A_161 : i32
      %lt3A_163 = arith.constant 0 : i32
      %lt3A_164 = arith.cmpi slt, %rem3A_160, %lt3A_163 : i32
      %lt3A_165 = arith.constant 0 : i32
      %lt3A_166 = arith.cmpi slt, %select_n3A_159, %lt3A_165 : i32
      %ne3A_167 = arith.xori %lt3A_164, %lt3A_166 : i1
      %and3A_168 = arith.andi %ne3A_167, %ne3A_162 : i1
      %add3A_169 = arith.addi %rem3A_160, %select_n3A_159 : i32
      %select_n3A_170 = arith.select %and3A_168, %add3A_169, %rem3A_160 : i32
      %ne3A_171 = arith.cmpi ne, %select_n3A_154, %select_n3A_170 : i32
      %or3A = arith.constant false
      %or3A_172 = arith.ori %or3A, %ne3A_171 : i1
      %or3A_173 = arith.constant false
      %or3A_174 = arith.ori %or3A_172, %or3A_173 : i1
      %ge3A = arith.constant 0 : i32
      %ge3A_175 = arith.cmpi sge, %scan3A_102, %ge3A : i32
      %not3A = arith.constant true
      %not3A_176 = arith.xori %ge3A_175, %not3A : i1
      %and3A_177 = arith.andi %or3A_174, %not3A_176 : i1
      %convert_element_type3A = arith.extui %and3A_177 : i1 to i32
      %cond3A = arith.constant 0 : i32
      %cond3A_178 = arith.cmpi ne, %convert_element_type3A, %cond3A : i32
      scf.if %cond3A_178 {
        "tpu.trace_start"() <{level = 10 : i32, message = "ep_copy_in"}> : () -> ()
        %rem3A_458 = arith.constant 2 : i32
        %rem3A_459 = arith.remui %select_n3A_74, %rem3A_458 : i32
        %jit3A_460 = arith.constant 16 : i32
        %eq3A_461 = arith.constant 0 : i32
        %eq3A_462 = arith.cmpi eq, %jit3A_460, %eq3A_461 : i32
        %jit3A_463 = arith.constant 1 : i32
        %select_n3A_464 = arith.select %eq3A_462, %jit3A_463, %jit3A_460 : i32
        %rem3A_465 = arith.remsi %add3A_128, %select_n3A_464 : i32
        %ne3A_466 = arith.constant 0 : i32
        %ne3A_467 = arith.cmpi ne, %rem3A_465, %ne3A_466 : i32
        %lt3A_468 = arith.constant 0 : i32
        %lt3A_469 = arith.cmpi slt, %rem3A_465, %lt3A_468 : i32
        %lt3A_470 = arith.constant 0 : i32
        %lt3A_471 = arith.cmpi slt, %select_n3A_464, %lt3A_470 : i32
        %ne3A_472 = arith.xori %lt3A_469, %lt3A_471 : i1
        %and3A_473 = arith.andi %ne3A_472, %ne3A_467 : i1
        %add3A_474 = arith.addi %rem3A_465, %select_n3A_464 : i32
        %select_n3A_475 = arith.select %and3A_473, %add3A_474, %rem3A_465 : i32
        %mul3A_476 = arith.constant 128 : i32
        %mul3A_477 = arith.muli %mul3A_476, %select_n3A_475 : i32
        %dma_start3A_478 = arith.constant 0 : i32
        %dma_start3A_479 = arith.constant 0 : i32
        %dma_start3A_480 = tpu.memref_slice %run_scoped3A[%rem3A_459, %dma_start3A_478, %dma_start3A_479] : memref<2x128x384xi32, #tpu.memory_space<vmem>> -> memref<1x128x384xi32, #tpu.memory_space<vmem>>
        %dma_start3A_481 = tpu.memref_squeeze %dma_start3A_480 : memref<1x128x384xi32, #tpu.memory_space<vmem>> -> memref<128x384xi32, #tpu.memory_space<vmem>>
        %dma_start3A_482 = arith.constant 0 : i32
        %dma_start3A_483 = tpu.memref_slice %arg2[%mul3A_477, %dma_start3A_482] : memref<2048x384xi32, #tpu.memory_space<hbm>> -> memref<128x384xi32, #tpu.memory_space<hbm>>
        %dma_start3A_484 = tpu.memref_slice %run_scoped3A_7[%rem3A_459] : memref<2x!tpu.dma_semaphore, #tpu.memory_space<semaphore_mem>> -> memref<1x!tpu.dma_semaphore, #tpu.memory_space<semaphore_mem>>
        %dma_start3A_485 = tpu.memref_squeeze %dma_start3A_484 : memref<1x!tpu.dma_semaphore, #tpu.memory_space<semaphore_mem>> -> memref<!tpu.dma_semaphore, #tpu.memory_space<semaphore_mem>>
        %dma_start3A_486 = arith.constant 0 : i32
        %dma_start3A_487 = arith.constant 0 : i32
        %dma_start3A_488 = tpu.memref_slice %run_scoped3A[%rem3A_459, %dma_start3A_486, %dma_start3A_487] : memref<2x128x384xi32, #tpu.memory_space<vmem>> -> memref<1x128x384xi32, #tpu.memory_space<vmem>>
        %dma_start3A_489 = tpu.memref_squeeze %dma_start3A_488 : memref<1x128x384xi32, #tpu.memory_space<vmem>> -> memref<128x384xi32, #tpu.memory_space<vmem>>
        %dma_start3A_490 = arith.constant 0 : i32
        %dma_start3A_491 = tpu.memref_slice %arg2[%mul3A_477, %dma_start3A_490] : memref<2048x384xi32, #tpu.memory_space<hbm>> -> memref<128x384xi32, #tpu.memory_space<hbm>>
        tpu.enqueue_dma source(%dma_start3A_491 : memref<128x384xi32, #tpu.memory_space<hbm>>) target(%dma_start3A_489 : memref<128x384xi32, #tpu.memory_space<vmem>>) target_semaphore(%dma_start3A_485 : memref<!tpu.dma_semaphore, #tpu.memory_space<semaphore_mem>>)
        "tpu.trace_stop"() : () -> ()
      } else {
      }
      %and3A_179 = arith.constant true
      %and3A_180 = arith.andi %and3A_177, %and3A_179 : i1
      %add3A_181 = arith.constant 1 : i32
      %add3A_182 = arith.addi %select_n3A_74, %add3A_181 : i32
      %select_n3A_183 = arith.select %and3A_180, %add3A_182, %select_n3A_74 : i32
      %ne3A_184 = arith.cmpi ne, %add3A_108, %add3A_128 : i32
      %or3A_185 = arith.constant false
      %or3A_186 = arith.ori %or3A_185, %ne3A_184 : i1
      %ge3A_187 = arith.constant 0 : i32
      %ge3A_188 = arith.cmpi sge, %scan3A_102, %ge3A_187 : i32
      %not3A_189 = arith.constant true
      %not3A_190 = arith.xori %ge3A_188, %not3A_189 : i1
      %and3A_191 = arith.andi %or3A_186, %not3A_190 : i1
      %convert_element_type3A_192 = arith.extui %and3A_191 : i1 to i32
      %cond3A_193 = arith.constant 0 : i32
      %cond3A_194 = arith.cmpi ne, %convert_element_type3A_192, %cond3A_193 : i32
      scf.if %cond3A_194 {
        "tpu.trace_start"() <{level = 10 : i32, message = "ep_copy_in"}> : () -> ()
        %rem3A_458 = arith.constant 2 : i32
        %rem3A_459 = arith.remui %select_n3A_99, %rem3A_458 : i32
        %mul3A_460 = arith.constant 128 : i32
        %mul3A_461 = arith.muli %mul3A_460, %add3A_128 : i32
        %dma_start3A_462 = arith.constant 0 : i32
        %dma_start3A_463 = arith.constant 0 : i32
        %dma_start3A_464 = tpu.memref_slice %run_scoped3A_8[%rem3A_459, %dma_start3A_462, %dma_start3A_463] : memref<2x1x128xi32, #tpu.memory_space<vmem>> -> memref<1x1x128xi32, #tpu.memory_space<vmem>>
        %dma_start3A_465 = tpu.memref_squeeze %dma_start3A_464 : memref<1x1x128xi32, #tpu.memory_space<vmem>> -> memref<1x128xi32, #tpu.memory_space<vmem>>
        %dma_start3A_466 = arith.constant 0 : i32
        %dma_start3A_467 = tpu.memref_slice %arg3[%dma_start3A_466, %mul3A_461] : memref<1x4096xi32, #tpu.memory_space<hbm>> -> memref<1x128xi32, #tpu.memory_space<hbm>>
        %dma_start3A_468 = tpu.memref_slice %run_scoped3A_9[%rem3A_459] : memref<2x!tpu.dma_semaphore, #tpu.memory_space<semaphore_mem>> -> memref<1x!tpu.dma_semaphore, #tpu.memory_space<semaphore_mem>>
        %dma_start3A_469 = tpu.memref_squeeze %dma_start3A_468 : memref<1x!tpu.dma_semaphore, #tpu.memory_space<semaphore_mem>> -> memref<!tpu.dma_semaphore, #tpu.memory_space<semaphore_mem>>
        %dma_start3A_470 = arith.constant 0 : i32
        %dma_start3A_471 = arith.constant 0 : i32
        %dma_start3A_472 = tpu.memref_slice %run_scoped3A_8[%rem3A_459, %dma_start3A_470, %dma_start3A_471] : memref<2x1x128xi32, #tpu.memory_space<vmem>> -> memref<1x1x128xi32, #tpu.memory_space<vmem>>
        %dma_start3A_473 = tpu.memref_squeeze %dma_start3A_472 : memref<1x1x128xi32, #tpu.memory_space<vmem>> -> memref<1x128xi32, #tpu.memory_space<vmem>>
        %dma_start3A_474 = arith.constant 0 : i32
        %dma_start3A_475 = tpu.memref_slice %arg3[%dma_start3A_474, %mul3A_461] : memref<1x4096xi32, #tpu.memory_space<hbm>> -> memref<1x128xi32, #tpu.memory_space<hbm>>
        tpu.enqueue_dma source(%dma_start3A_475 : memref<1x128xi32, #tpu.memory_space<hbm>>) target(%dma_start3A_473 : memref<1x128xi32, #tpu.memory_space<vmem>>) target_semaphore(%dma_start3A_469 : memref<!tpu.dma_semaphore, #tpu.memory_space<semaphore_mem>>)
        "tpu.trace_stop"() : () -> ()
      } else {
      }
      %and3A_195 = arith.constant true
      %and3A_196 = arith.andi %and3A_191, %and3A_195 : i1
      %add3A_197 = arith.constant 1 : i32
      %add3A_198 = arith.addi %select_n3A_99, %add3A_197 : i32
      %select_n3A_199 = arith.select %and3A_196, %add3A_198, %select_n3A_99 : i32
      %jit3A_200 = arith.constant 16 : i32
      %eq3A_201 = arith.constant 0 : i32
      %eq3A_202 = arith.cmpi eq, %jit3A_200, %eq3A_201 : i32
      %jit3A_203 = arith.constant 1 : i32
      %select_n3A_204 = arith.select %eq3A_202, %jit3A_203, %jit3A_200 : i32
      %rem3A_205 = arith.remsi %add3A_108, %select_n3A_204 : i32
      %ne3A_206 = arith.constant 0 : i32
      %ne3A_207 = arith.cmpi ne, %rem3A_205, %ne3A_206 : i32
      %lt3A_208 = arith.constant 0 : i32
      %lt3A_209 = arith.cmpi slt, %rem3A_205, %lt3A_208 : i32
      %lt3A_210 = arith.constant 0 : i32
      %lt3A_211 = arith.cmpi slt, %select_n3A_204, %lt3A_210 : i32
      %ne3A_212 = arith.xori %lt3A_209, %lt3A_211 : i1
      %and3A_213 = arith.andi %ne3A_212, %ne3A_207 : i1
      %add3A_214 = arith.addi %rem3A_205, %select_n3A_204 : i32
      %select_n3A_215 = arith.select %and3A_213, %add3A_214, %rem3A_205 : i32
      %jit3A_216 = arith.constant 16 : i32
      %eq3A_217 = arith.constant 0 : i32
      %eq3A_218 = arith.cmpi eq, %jit3A_216, %eq3A_217 : i32
      %jit3A_219 = arith.constant 1 : i32
      %select_n3A_220 = arith.select %eq3A_218, %jit3A_219, %jit3A_216 : i32
      %rem3A_221 = arith.remsi %add3A_118, %select_n3A_220 : i32
      %ne3A_222 = arith.constant 0 : i32
      %ne3A_223 = arith.cmpi ne, %rem3A_221, %ne3A_222 : i32
      %lt3A_224 = arith.constant 0 : i32
      %lt3A_225 = arith.cmpi slt, %rem3A_221, %lt3A_224 : i32
      %lt3A_226 = arith.constant 0 : i32
      %lt3A_227 = arith.cmpi slt, %select_n3A_220, %lt3A_226 : i32
      %ne3A_228 = arith.xori %lt3A_225, %lt3A_227 : i1
      %and3A_229 = arith.andi %ne3A_228, %ne3A_223 : i1
      %add3A_230 = arith.addi %rem3A_221, %select_n3A_220 : i32
      %select_n3A_231 = arith.select %and3A_229, %add3A_230, %rem3A_221 : i32
      %ne3A_232 = arith.cmpi ne, %select_n3A_215, %select_n3A_231 : i32
      %or3A_233 = arith.constant false
      %or3A_234 = arith.ori %or3A_233, %ne3A_232 : i1
      %or3A_235 = arith.constant false
      %or3A_236 = arith.ori %or3A_234, %or3A_235 : i1
      %or3A_237 = arith.ori %or3A_236, %eq3A_104 : i1
      %convert_element_type3A_238 = arith.extui %or3A_237 : i1 to i32
      %cond3A_239 = arith.constant 0 : i32
      %cond3A_240 = arith.cmpi ne, %convert_element_type3A_238, %cond3A_239 : i32
      scf.if %cond3A_240 {
        %jit3A_458 = arith.constant 16 : i32
        "tpu.trace_start"() <{level = 10 : i32, message = "ep_wait_in"}> : () -> ()
        %eq3A_459 = arith.constant 0 : i32
        %eq3A_460 = arith.cmpi eq, %jit3A_458, %eq3A_459 : i32
        %jit3A_461 = arith.constant 1 : i32
        %select_n3A_462 = arith.select %eq3A_460, %jit3A_461, %jit3A_458 : i32
        %rem3A_463 = arith.remsi %add3A_108, %select_n3A_462 : i32
        %ne3A_464 = arith.constant 0 : i32
        %ne3A_465 = arith.cmpi ne, %rem3A_463, %ne3A_464 : i32
        %lt3A_466 = arith.constant 0 : i32
        %lt3A_467 = arith.cmpi slt, %rem3A_463, %lt3A_466 : i32
        %lt3A_468 = arith.constant 0 : i32
        %lt3A_469 = arith.cmpi slt, %select_n3A_462, %lt3A_468 : i32
        %ne3A_470 = arith.xori %lt3A_467, %lt3A_469 : i1
        %and3A_471 = arith.andi %ne3A_470, %ne3A_465 : i1
        %add3A_472 = arith.addi %rem3A_463, %select_n3A_462 : i32
        %select_n3A_473 = arith.select %and3A_471, %add3A_472, %rem3A_463 : i32
        %mul3A_474 = arith.constant 128 : i32
        %mul3A_475 = arith.muli %mul3A_474, %select_n3A_473 : i32
        %rem3A_476 = arith.constant 2 : i32
        %rem3A_477 = arith.remui %scan3A, %rem3A_476 : i32
        %dma_wait3A = arith.constant 0 : i32
        %dma_wait3A_478 = arith.constant 0 : i32
        %dma_wait3A_479 = tpu.memref_slice %run_scoped3A[%rem3A_477, %dma_wait3A, %dma_wait3A_478] : memref<2x128x384xi32, #tpu.memory_space<vmem>> -> memref<1x128x384xi32, #tpu.memory_space<vmem>>
        %dma_wait3A_480 = tpu.memref_squeeze %dma_wait3A_479 : memref<1x128x384xi32, #tpu.memory_space<vmem>> -> memref<128x384xi32, #tpu.memory_space<vmem>>
        %dma_wait3A_481 = arith.constant 0 : i32
        %dma_wait3A_482 = tpu.memref_slice %arg2[%mul3A_475, %dma_wait3A_481] : memref<2048x384xi32, #tpu.memory_space<hbm>> -> memref<128x384xi32, #tpu.memory_space<hbm>>
        %dma_wait3A_483 = tpu.memref_slice %run_scoped3A_7[%rem3A_477] : memref<2x!tpu.dma_semaphore, #tpu.memory_space<semaphore_mem>> -> memref<1x!tpu.dma_semaphore, #tpu.memory_space<semaphore_mem>>
        %dma_wait3A_484 = tpu.memref_squeeze %dma_wait3A_483 : memref<1x!tpu.dma_semaphore, #tpu.memory_space<semaphore_mem>> -> memref<!tpu.dma_semaphore, #tpu.memory_space<semaphore_mem>>
        %dma_wait3A_485 = arith.constant 0 : i32
        %dma_wait3A_486 = arith.constant 0 : i32
        %dma_wait3A_487 = tpu.memref_slice %run_scoped3A[%rem3A_477, %dma_wait3A_485, %dma_wait3A_486] : memref<2x128x384xi32, #tpu.memory_space<vmem>> -> memref<1x128x384xi32, #tpu.memory_space<vmem>>
        %dma_wait3A_488 = tpu.memref_squeeze %dma_wait3A_487 : memref<1x128x384xi32, #tpu.memory_space<vmem>> -> memref<128x384xi32, #tpu.memory_space<vmem>>
        %dma_wait3A_489 = arith.constant 0 : i32
        %dma_wait3A_490 = tpu.memref_slice %arg2[%mul3A_475, %dma_wait3A_489] : memref<2048x384xi32, #tpu.memory_space<hbm>> -> memref<128x384xi32, #tpu.memory_space<hbm>>
        tpu.wait_dma2 semaphore(%dma_wait3A_484 : memref<!tpu.dma_semaphore, #tpu.memory_space<semaphore_mem>>) src(%dma_wait3A_490 : memref<128x384xi32, #tpu.memory_space<hbm>>) dst(%dma_wait3A_488 : memref<128x384xi32, #tpu.memory_space<vmem>>)
        "tpu.trace_stop"() : () -> ()
      } else {
      }
      %ne3A_241 = arith.cmpi ne, %add3A_108, %add3A_118 : i32
      %or3A_242 = arith.constant false
      %or3A_243 = arith.ori %or3A_242, %ne3A_241 : i1
      %or3A_244 = arith.ori %or3A_243, %eq3A_104 : i1
      %convert_element_type3A_245 = arith.extui %or3A_244 : i1 to i32
      %cond3A_246 = arith.constant 0 : i32
      %cond3A_247 = arith.cmpi ne, %convert_element_type3A_245, %cond3A_246 : i32
      scf.if %cond3A_247 {
        "tpu.trace_start"() <{level = 10 : i32, message = "ep_wait_in"}> : () -> ()
        %mul3A_458 = arith.constant 128 : i32
        %mul3A_459 = arith.muli %mul3A_458, %add3A_108 : i32
        %rem3A_460 = arith.constant 2 : i32
        %rem3A_461 = arith.remui %scan3A_100, %rem3A_460 : i32
        %dma_wait3A = arith.constant 0 : i32
        %dma_wait3A_462 = arith.constant 0 : i32
        %dma_wait3A_463 = tpu.memref_slice %run_scoped3A_8[%rem3A_461, %dma_wait3A, %dma_wait3A_462] : memref<2x1x128xi32, #tpu.memory_space<vmem>> -> memref<1x1x128xi32, #tpu.memory_space<vmem>>
        %dma_wait3A_464 = tpu.memref_squeeze %dma_wait3A_463 : memref<1x1x128xi32, #tpu.memory_space<vmem>> -> memref<1x128xi32, #tpu.memory_space<vmem>>
        %dma_wait3A_465 = arith.constant 0 : i32
        %dma_wait3A_466 = tpu.memref_slice %arg3[%dma_wait3A_465, %mul3A_459] : memref<1x4096xi32, #tpu.memory_space<hbm>> -> memref<1x128xi32, #tpu.memory_space<hbm>>
        %dma_wait3A_467 = tpu.memref_slice %run_scoped3A_9[%rem3A_461] : memref<2x!tpu.dma_semaphore, #tpu.memory_space<semaphore_mem>> -> memref<1x!tpu.dma_semaphore, #tpu.memory_space<semaphore_mem>>
        %dma_wait3A_468 = tpu.memref_squeeze %dma_wait3A_467 : memref<1x!tpu.dma_semaphore, #tpu.memory_space<semaphore_mem>> -> memref<!tpu.dma_semaphore, #tpu.memory_space<semaphore_mem>>
        %dma_wait3A_469 = arith.constant 0 : i32
        %dma_wait3A_470 = arith.constant 0 : i32
        %dma_wait3A_471 = tpu.memref_slice %run_scoped3A_8[%rem3A_461, %dma_wait3A_469, %dma_wait3A_470] : memref<2x1x128xi32, #tpu.memory_space<vmem>> -> memref<1x1x128xi32, #tpu.memory_space<vmem>>
        %dma_wait3A_472 = tpu.memref_squeeze %dma_wait3A_471 : memref<1x1x128xi32, #tpu.memory_space<vmem>> -> memref<1x128xi32, #tpu.memory_space<vmem>>
        %dma_wait3A_473 = arith.constant 0 : i32
        %dma_wait3A_474 = tpu.memref_slice %arg3[%dma_wait3A_473, %mul3A_459] : memref<1x4096xi32, #tpu.memory_space<hbm>> -> memref<1x128xi32, #tpu.memory_space<hbm>>
        tpu.wait_dma2 semaphore(%dma_wait3A_468 : memref<!tpu.dma_semaphore, #tpu.memory_space<semaphore_mem>>) src(%dma_wait3A_474 : memref<1x128xi32, #tpu.memory_space<hbm>>) dst(%dma_wait3A_472 : memref<1x128xi32, #tpu.memory_space<vmem>>)
        "tpu.trace_stop"() : () -> ()
      } else {
      }
      %rem3A_248 = arith.constant 2 : i32
      %rem3A_249 = arith.remui %scan3A, %rem3A_248 : i32
      %rem3A_250 = arith.constant 2 : i32
      %rem3A_251 = arith.remui %scan3A_100, %rem3A_250 : i32
      %run_scoped3A_252 = arith.constant 0 : i32
      "tpu.trace_start"() <{level = 10 : i32, message = "ep_run_kernel"}> : () -> ()
      "tpu.region"() ({
        %run_scoped3A_458 = tpu.sem_alloc : memref<!tpu.dma_semaphore, #tpu.memory_space<semaphore_mem>>
        %dma_start3A_459 = arith.constant 0 : i32
        %dma_start3A_460 = arith.constant 0 : i32
        %dma_start3A_461 = tpu.memref_slice %run_scoped3A[%rem3A_249, %dma_start3A_459, %dma_start3A_460] : memref<2x128x384xi32, #tpu.memory_space<vmem>> -> memref<1x128x384xi32, #tpu.memory_space<vmem>>
        %dma_start3A_462 = tpu.memref_squeeze %dma_start3A_461 : memref<1x128x384xi32, #tpu.memory_space<vmem>> -> memref<128x384xi32, #tpu.memory_space<vmem>>
        %dma_start3A_463 = arith.constant 0 : i32
        %dma_start3A_464 = arith.constant 0 : i32
        %dma_start3A_465 = tpu.memref_slice %run_scoped3A_8[%rem3A_251, %dma_start3A_463, %dma_start3A_464] : memref<2x1x128xi32, #tpu.memory_space<vmem>> -> memref<1x1x128xi32, #tpu.memory_space<vmem>>
        %dma_start3A_466 = tpu.memref_squeeze %dma_start3A_465 : memref<1x1x128xi32, #tpu.memory_space<vmem>> -> memref<1x128xi32, #tpu.memory_space<vmem>>
        %dma_start3A_467 = arith.constant 0 : i32
        %dma_start3A_468 = tpu.memref_slice %dma_start3A_466[%run_scoped3A_252, %dma_start3A_467] : memref<1x128xi32, #tpu.memory_space<vmem>> -> memref<1x128xi32, #tpu.memory_space<vmem>>
        %dma_start3A_469 = tpu.memref_squeeze %dma_start3A_468 : memref<1x128xi32, #tpu.memory_space<vmem>> -> memref<128xi32, #tpu.memory_space<vmem>>
        %dma_start3A_470 = arith.constant 0 : i32
        %dma_start3A_471 = arith.constant 0 : i32
        %dma_start3A_472 = tpu.memref_slice %arg4[%dma_start3A_470, %dma_start3A_471] : memref<5120x384xi32, #tpu.memory_space<hbm>> -> memref<5120x384xi32, #tpu.memory_space<hbm>>
        tpu.enqueue_indirect_dma source(%dma_start3A_462 : memref<128x384xi32, #tpu.memory_space<vmem>>) target(%dma_start3A_472 : memref<5120x384xi32, #tpu.memory_space<hbm>>) offsets(%dma_start3A_469 : memref<128xi32, #tpu.memory_space<vmem>>) semaphore(%run_scoped3A_458 : memref<!tpu.dma_semaphore, #tpu.memory_space<semaphore_mem>>)
        %dma_wait3A = arith.constant 0 : i32
        %dma_wait3A_473 = arith.constant 0 : i32
        %dma_wait3A_474 = tpu.memref_slice %run_scoped3A[%rem3A_249, %dma_wait3A, %dma_wait3A_473] : memref<2x128x384xi32, #tpu.memory_space<vmem>> -> memref<1x128x384xi32, #tpu.memory_space<vmem>>
        %dma_wait3A_475 = tpu.memref_squeeze %dma_wait3A_474 : memref<1x128x384xi32, #tpu.memory_space<vmem>> -> memref<128x384xi32, #tpu.memory_space<vmem>>
        %dma_wait3A_476 = arith.constant 0 : i32
        %dma_wait3A_477 = arith.constant 0 : i32
        %dma_wait3A_478 = tpu.memref_slice %run_scoped3A_8[%rem3A_251, %dma_wait3A_476, %dma_wait3A_477] : memref<2x1x128xi32, #tpu.memory_space<vmem>> -> memref<1x1x128xi32, #tpu.memory_space<vmem>>
        %dma_wait3A_479 = tpu.memref_squeeze %dma_wait3A_478 : memref<1x1x128xi32, #tpu.memory_space<vmem>> -> memref<1x128xi32, #tpu.memory_space<vmem>>
        %dma_wait3A_480 = arith.constant 0 : i32
        %dma_wait3A_481 = tpu.memref_slice %dma_wait3A_479[%run_scoped3A_252, %dma_wait3A_480] : memref<1x128xi32, #tpu.memory_space<vmem>> -> memref<1x128xi32, #tpu.memory_space<vmem>>
        %dma_wait3A_482 = tpu.memref_squeeze %dma_wait3A_481 : memref<1x128xi32, #tpu.memory_space<vmem>> -> memref<128xi32, #tpu.memory_space<vmem>>
        %dma_wait3A_483 = arith.constant 0 : i32
        %dma_wait3A_484 = arith.constant 0 : i32
        %dma_wait3A_485 = tpu.memref_slice %arg4[%dma_wait3A_483, %dma_wait3A_484] : memref<5120x384xi32, #tpu.memory_space<hbm>> -> memref<5120x384xi32, #tpu.memory_space<hbm>>
        tpu.wait_indirect_dma semaphore(%run_scoped3A_458 : memref<!tpu.dma_semaphore, #tpu.memory_space<semaphore_mem>>) src(%dma_wait3A_475 : memref<128x384xi32, #tpu.memory_space<vmem>>) dst(%dma_wait3A_485 : memref<5120x384xi32, #tpu.memory_space<hbm>>)
        tpu.yield
      }) : () -> ()
      %jit3A_253 = arith.constant 16 : i32
      "tpu.trace_stop"() : () -> ()
      %eq3A_254 = arith.constant 0 : i32
      %eq3A_255 = arith.cmpi eq, %jit3A_253, %eq3A_254 : i32
      %jit3A_256 = arith.constant 1 : i32
      %select_n3A_257 = arith.select %eq3A_255, %jit3A_256, %jit3A_253 : i32
      %rem3A_258 = arith.remsi %add3A_108, %select_n3A_257 : i32
      %ne3A_259 = arith.constant 0 : i32
      %ne3A_260 = arith.cmpi ne, %rem3A_258, %ne3A_259 : i32
      %lt3A_261 = arith.constant 0 : i32
      %lt3A_262 = arith.cmpi slt, %rem3A_258, %lt3A_261 : i32
      %lt3A_263 = arith.constant 0 : i32
      %lt3A_264 = arith.cmpi slt, %select_n3A_257, %lt3A_263 : i32
      %ne3A_265 = arith.xori %lt3A_262, %lt3A_264 : i1
      %and3A_266 = arith.andi %ne3A_265, %ne3A_260 : i1
      %add3A_267 = arith.addi %rem3A_258, %select_n3A_257 : i32
      %select_n3A_268 = arith.select %and3A_266, %add3A_267, %rem3A_258 : i32
      %jit3A_269 = arith.constant 16 : i32
      %eq3A_270 = arith.constant 0 : i32
      %eq3A_271 = arith.cmpi eq, %jit3A_269, %eq3A_270 : i32
      %jit3A_272 = arith.constant 1 : i32
      %select_n3A_273 = arith.select %eq3A_271, %jit3A_272, %jit3A_269 : i32
      %rem3A_274 = arith.remsi %add3A_128, %select_n3A_273 : i32
      %ne3A_275 = arith.constant 0 : i32
      %ne3A_276 = arith.cmpi ne, %rem3A_274, %ne3A_275 : i32
      %lt3A_277 = arith.constant 0 : i32
      %lt3A_278 = arith.cmpi slt, %rem3A_274, %lt3A_277 : i32
      %lt3A_279 = arith.constant 0 : i32
      %lt3A_280 = arith.cmpi slt, %select_n3A_273, %lt3A_279 : i32
      %ne3A_281 = arith.xori %lt3A_278, %lt3A_280 : i1
      %and3A_282 = arith.andi %ne3A_281, %ne3A_276 : i1
      %add3A_283 = arith.addi %rem3A_274, %select_n3A_273 : i32
      %select_n3A_284 = arith.select %and3A_282, %add3A_283, %rem3A_274 : i32
      %ne3A_285 = arith.cmpi ne, %select_n3A_268, %select_n3A_284 : i32
      %or3A_286 = arith.constant false
      %or3A_287 = arith.ori %or3A_286, %ne3A_285 : i1
      %or3A_288 = arith.constant false
      %or3A_289 = arith.ori %or3A_287, %or3A_288 : i1
      %or3A_290 = arith.ori %or3A_289, %eq3A_106 : i1
      %convert_element_type3A_291 = arith.extui %or3A_290 : i1 to i32
      %cond3A_292 = arith.constant 0 : i32
      %cond3A_293 = arith.cmpi ne, %convert_element_type3A_291, %cond3A_292 : i32
      scf.if %cond3A_293 {
      } else {
      }
      %and3A_294 = arith.constant false
      %and3A_295 = arith.andi %or3A_290, %and3A_294 : i1
      %ne3A_296 = arith.cmpi ne, %add3A_108, %add3A_128 : i32
      %or3A_297 = arith.constant false
      %or3A_298 = arith.ori %or3A_297, %ne3A_296 : i1
      %or3A_299 = arith.ori %or3A_298, %eq3A_106 : i1
      %convert_element_type3A_300 = arith.extui %or3A_299 : i1 to i32
      %cond3A_301 = arith.constant 0 : i32
      %cond3A_302 = arith.cmpi ne, %convert_element_type3A_300, %cond3A_301 : i32
      scf.if %cond3A_302 {
      } else {
      }
      %and3A_303 = arith.constant false
      %and3A_304 = arith.andi %or3A_299, %and3A_303 : i1
      %jit3A_305 = arith.constant 16 : i32
      %eq3A_306 = arith.constant 0 : i32
      %eq3A_307 = arith.cmpi eq, %jit3A_305, %eq3A_306 : i32
      %jit3A_308 = arith.constant 1 : i32
      %select_n3A_309 = arith.select %eq3A_307, %jit3A_308, %jit3A_305 : i32
      %rem3A_310 = arith.remsi %add3A_108, %select_n3A_309 : i32
      %ne3A_311 = arith.constant 0 : i32
      %ne3A_312 = arith.cmpi ne, %rem3A_310, %ne3A_311 : i32
      %lt3A_313 = arith.constant 0 : i32
      %lt3A_314 = arith.cmpi slt, %rem3A_310, %lt3A_313 : i32
      %lt3A_315 = arith.constant 0 : i32
      %lt3A_316 = arith.cmpi slt, %select_n3A_309, %lt3A_315 : i32
      %ne3A_317 = arith.xori %lt3A_314, %lt3A_316 : i1
      %and3A_318 = arith.andi %ne3A_317, %ne3A_312 : i1
      %add3A_319 = arith.addi %rem3A_310, %select_n3A_309 : i32
      %select_n3A_320 = arith.select %and3A_318, %add3A_319, %rem3A_310 : i32
      %jit3A_321 = arith.constant 16 : i32
      %eq3A_322 = arith.constant 0 : i32
      %eq3A_323 = arith.cmpi eq, %jit3A_321, %eq3A_322 : i32
      %jit3A_324 = arith.constant 1 : i32
      %select_n3A_325 = arith.select %eq3A_323, %jit3A_324, %jit3A_321 : i32
      %rem3A_326 = arith.remsi %add3A_118, %select_n3A_325 : i32
      %ne3A_327 = arith.constant 0 : i32
      %ne3A_328 = arith.cmpi ne, %rem3A_326, %ne3A_327 : i32
      %lt3A_329 = arith.constant 0 : i32
      %lt3A_330 = arith.cmpi slt, %rem3A_326, %lt3A_329 : i32
      %lt3A_331 = arith.constant 0 : i32
      %lt3A_332 = arith.cmpi slt, %select_n3A_325, %lt3A_331 : i32
      %ne3A_333 = arith.xori %lt3A_330, %lt3A_332 : i1
      %and3A_334 = arith.andi %ne3A_333, %ne3A_328 : i1
      %add3A_335 = arith.addi %rem3A_326, %select_n3A_325 : i32
      %select_n3A_336 = arith.select %and3A_334, %add3A_335, %rem3A_326 : i32
      %ne3A_337 = arith.cmpi ne, %select_n3A_320, %select_n3A_336 : i32
      %or3A_338 = arith.constant false
      %or3A_339 = arith.ori %or3A_338, %ne3A_337 : i1
      %or3A_340 = arith.constant false
      %or3A_341 = arith.ori %or3A_339, %or3A_340 : i1
      %not3A_342 = arith.constant true
      %not3A_343 = arith.xori %eq3A_104, %not3A_342 : i1
      %and3A_344 = arith.andi %or3A_341, %not3A_343 : i1
      %convert_element_type3A_345 = arith.extui %and3A_344 : i1 to i32
      %cond3A_346 = arith.constant 0 : i32
      %cond3A_347 = arith.cmpi ne, %convert_element_type3A_345, %cond3A_346 : i32
      scf.if %cond3A_347 {
      } else {
      }
      %and3A_348 = arith.constant false
      %and3A_349 = arith.andi %and3A_344, %and3A_348 : i1
      %ne3A_350 = arith.cmpi ne, %add3A_108, %add3A_118 : i32
      %or3A_351 = arith.constant false
      %or3A_352 = arith.ori %or3A_351, %ne3A_350 : i1
      %not3A_353 = arith.constant true
      %not3A_354 = arith.xori %eq3A_104, %not3A_353 : i1
      %and3A_355 = arith.andi %or3A_352, %not3A_354 : i1
      %convert_element_type3A_356 = arith.extui %and3A_355 : i1 to i32
      %cond3A_357 = arith.constant 0 : i32
      %cond3A_358 = arith.cmpi ne, %convert_element_type3A_356, %cond3A_357 : i32
      scf.if %cond3A_358 {
      } else {
      }
      %and3A_359 = arith.constant false
      %and3A_360 = arith.andi %and3A_355, %and3A_359 : i1
      %jit3A_361 = arith.constant 16 : i32
      %eq3A_362 = arith.constant 0 : i32
      %eq3A_363 = arith.cmpi eq, %jit3A_361, %eq3A_362 : i32
      %jit3A_364 = arith.constant 1 : i32
      %select_n3A_365 = arith.select %eq3A_363, %jit3A_364, %jit3A_361 : i32
      %rem3A_366 = arith.remsi %add3A_108, %select_n3A_365 : i32
      %ne3A_367 = arith.constant 0 : i32
      %ne3A_368 = arith.cmpi ne, %rem3A_366, %ne3A_367 : i32
      %lt3A_369 = arith.constant 0 : i32
      %lt3A_370 = arith.cmpi slt, %rem3A_366, %lt3A_369 : i32
      %lt3A_371 = arith.constant 0 : i32
      %lt3A_372 = arith.cmpi slt, %select_n3A_365, %lt3A_371 : i32
      %ne3A_373 = arith.xori %lt3A_370, %lt3A_372 : i1
      %and3A_374 = arith.andi %ne3A_373, %ne3A_368 : i1
      %add3A_375 = arith.addi %rem3A_366, %select_n3A_365 : i32
      %select_n3A_376 = arith.select %and3A_374, %add3A_375, %rem3A_366 : i32
      %jit3A_377 = arith.constant 16 : i32
      %eq3A_378 = arith.constant 0 : i32
      %eq3A_379 = arith.cmpi eq, %jit3A_377, %eq3A_378 : i32
      %jit3A_380 = arith.constant 1 : i32
      %select_n3A_381 = arith.select %eq3A_379, %jit3A_380, %jit3A_377 : i32
      %rem3A_382 = arith.remsi %add3A_128, %select_n3A_381 : i32
      %ne3A_383 = arith.constant 0 : i32
      %ne3A_384 = arith.cmpi ne, %rem3A_382, %ne3A_383 : i32
      %lt3A_385 = arith.constant 0 : i32
      %lt3A_386 = arith.cmpi slt, %rem3A_382, %lt3A_385 : i32
      %lt3A_387 = arith.constant 0 : i32
      %lt3A_388 = arith.cmpi slt, %select_n3A_381, %lt3A_387 : i32
      %ne3A_389 = arith.xori %lt3A_386, %lt3A_388 : i1
      %and3A_390 = arith.andi %ne3A_389, %ne3A_384 : i1
      %add3A_391 = arith.addi %rem3A_382, %select_n3A_381 : i32
      %select_n3A_392 = arith.select %and3A_390, %add3A_391, %rem3A_382 : i32
      %ne3A_393 = arith.cmpi ne, %select_n3A_376, %select_n3A_392 : i32
      %or3A_394 = arith.constant false
      %or3A_395 = arith.ori %or3A_394, %ne3A_393 : i1
      %or3A_396 = arith.constant false
      %or3A_397 = arith.ori %or3A_395, %or3A_396 : i1
      %or3A_398 = arith.ori %or3A_397, %eq3A_106 : i1
      %add3A_399 = arith.constant 1 : i32
      %add3A_400 = arith.addi %scan3A, %add3A_399 : i32
      %select_n3A_401 = arith.select %or3A_398, %add3A_400, %scan3A : i32
      %ne3A_402 = arith.cmpi ne, %add3A_108, %add3A_128 : i32
      %or3A_403 = arith.constant false
      %or3A_404 = arith.ori %or3A_403, %ne3A_402 : i1
      %or3A_405 = arith.ori %or3A_404, %eq3A_106 : i1
      %add3A_406 = arith.constant 1 : i32
      %add3A_407 = arith.addi %scan3A_100, %add3A_406 : i32
      %select_n3A_408 = arith.select %or3A_405, %add3A_407, %scan3A_100 : i32
      %select_n3A_409 = arith.constant true
      %select_n3A_410 = arith.constant 0 : i32
      %select_n3A_411 = arith.constant 1 : i32
      %select_n3A_412 = arith.select %select_n3A_409, %select_n3A_411, %select_n3A_410 : i32
      %eq3A_413 = arith.constant 1 : i32
      %eq3A_414 = arith.cmpi eq, %select_n3A_412, %eq3A_413 : i32
      %select_n3A_415 = arith.constant 0 : i32
      %select_n3A_416 = arith.select %eq3A_414, %select_n3A_415, %select_n3A_412 : i32
      %scan3A_417 = arith.constant 0 : i32
      %scan3A_418 = arith.constant 1 : i32
      %sub3A = arith.constant 1 : i32
      %sub3A_419 = arith.subi %scan3A_417, %sub3A : i32
      %select_n3A_420 = arith.constant true
      %select_n3A_421 = arith.select %select_n3A_420, %sub3A_419, %scan3A_417 : i32
      %eq3A_422 = arith.constant -1 : i32
      %eq3A_423 = arith.cmpi eq, %select_n3A_421, %eq3A_422 : i32
      %select_n3A_424 = arith.constant 0 : i32
      %select_n3A_425 = arith.select %eq3A_423, %select_n3A_424, %select_n3A_421 : i32
      %add3A_426 = arith.constant 0 : i32
      %add3A_427 = arith.addi %add3A_426, %mul3A_6 : i32
      %select_n3A_428 = arith.constant true
      %select_n3A_429 = arith.constant 0 : i32
      %select_n3A_430 = arith.constant -1 : i32
      %select_n3A_431 = arith.select %select_n3A_428, %select_n3A_430, %select_n3A_429 : i32
      %eq3A_432 = arith.constant -1 : i32
      %eq3A_433 = arith.cmpi eq, %select_n3A_431, %eq3A_432 : i32
      %select_n3A_434 = arith.constant 0 : i32
      %select_n3A_435 = arith.select %eq3A_433, %select_n3A_434, %select_n3A_431 : i32
      %add3A_436 = arith.constant 0 : i32
      %add3A_437 = arith.addi %add3A_436, %mul3A_6 : i32
      %select_n3A_438 = arith.constant true
      %select_n3A_439 = arith.constant 0 : i32
      %select_n3A_440 = arith.constant 1 : i32
      %select_n3A_441 = arith.select %select_n3A_438, %select_n3A_440, %select_n3A_439 : i32
      %eq3A_442 = arith.constant 1 : i32
      %eq3A_443 = arith.cmpi eq, %select_n3A_441, %eq3A_442 : i32
      %select_n3A_444 = arith.constant 0 : i32
      %select_n3A_445 = arith.select %eq3A_443, %select_n3A_444, %select_n3A_441 : i32
      %add3A_446 = arith.constant 0 : i32
      %add3A_447 = arith.addi %add3A_446, %mul3A_6 : i32
      %select_n3A_448 = arith.constant true
      %select_n3A_449 = arith.constant 0 : i32
      %select_n3A_450 = arith.constant 1 : i32
      %select_n3A_451 = arith.select %select_n3A_448, %select_n3A_450, %select_n3A_449 : i32
      %eq3A_452 = arith.constant 1 : i32
      %eq3A_453 = arith.cmpi eq, %select_n3A_451, %eq3A_452 : i32
      %select_n3A_454 = arith.constant 0 : i32
      %select_n3A_455 = arith.select %eq3A_453, %select_n3A_454, %select_n3A_451 : i32
      %add3A_456 = arith.constant 0 : i32
      %add3A_457 = arith.addi %add3A_456, %mul3A_6 : i32
      tpu.yield
    }) : () -> ()
    return
  }
}

module attributes {stable_mosaic.version = 14 : i64} {
  func.func @_attn_kernel(%arg0: i32, %arg1: i32, %arg2: memref<512x128xbf16, #tpu.memory_space<vmem>>, %arg3: memref<2048x128xbf16, #tpu.memory_space<vmem>>, %arg4: memref<2048x128xbf16, #tpu.memory_space<vmem>>, %arg5: memref<512x128xbf16, #tpu.memory_space<vmem>>) attributes {dimension_semantics = [#tpu.dimension_semantics<arbitrary>, #tpu.dimension_semantics<arbitrary>], iteration_bounds = array<i64: 6, 4>, scalar_prefetch = 0 : i64, scratch_operands = 0 : i64, tpu.core_type = #tpu.core_type<tc>, window_params = [{transform_indices = @transform_0, window_bounds = array<i64: 512, 128>}, {transform_indices = @transform_1, window_bounds = array<i64: 2048, 128>}, {transform_indices = @transform_2, window_bounds = array<i64: 2048, 128>}, {transform_indices = @transform_3, window_bounds = array<i64: 512, 128>}]} {
    %get3A = arith.constant 0 : index
    %get3A_0 = arith.constant 0 : index
    %get3A_1 = vector.load %arg2[%get3A, %get3A_0] : memref<512x128xbf16, #tpu.memory_space<vmem>>, vector<512x64xbf16>
    %get3A_2 = arith.constant 0 : index
    %get3A_3 = arith.constant 0 : index
    %get3A_4 = vector.load %arg3[%get3A_2, %get3A_3] : memref<2048x128xbf16, #tpu.memory_space<vmem>>, vector<2048x64xbf16>
    %dot_general3A = arith.constant dense<0.000000e+00> : vector<512x2048xf32>
    %dot_general3A_5 = tpu.matmul %get3A_1, %get3A_4, %dot_general3A {dimension_numbers = #tpu.dot_dimension_numbers<[1], [1], [0], [0], [0, 0, 1, 0], [], []>, transpose_lhs_hint = false} : vector<512x64xbf16>, vector<2048x64xbf16>, vector<512x2048xf32> -> vector<512x2048xf32>
    %exp3A = math.exp %dot_general3A_5 : vector<512x2048xf32>
    %reduce_sum3A = arith.constant dense<0.000000e+00> : vector<512xf32>
    %reduce_sum3A_6 = vector.multi_reduction <add>, %exp3A, %reduce_sum3A [1] : vector<512x2048xf32> to vector<512xf32>
    %broadcast_in_dim3A = vector.shape_cast %reduce_sum3A_6 : vector<512xf32> to vector<512x1xf32>
    %convert_element_type3A = arith.truncf %exp3A : vector<512x2048xf32> to vector<512x2048xbf16>
    %get3A_7 = arith.constant 0 : index
    %get3A_8 = arith.constant 0 : index
    %get3A_9 = vector.load %arg4[%get3A_7, %get3A_8] : memref<2048x128xbf16, #tpu.memory_space<vmem>>, vector<2048x64xbf16>
    %dot_general3A_10 = arith.constant dense<0.000000e+00> : vector<512x64xf32>
    %dot_general3A_11 = tpu.matmul %convert_element_type3A, %get3A_9, %dot_general3A_10 {dimension_numbers = #tpu.dot_dimension_numbers<[1], [0], [0], [1], [0, 0, 1, 1], [], []>, transpose_lhs_hint = false} : vector<512x2048xbf16>, vector<2048x64xbf16>, vector<512x64xf32> -> vector<512x64xf32>
    %div3A = arith.constant 1.000000e+00 : f32
    %div3A_12 = vector.broadcast %div3A : f32 to vector<512x1xf32>
    %div3A_13 = arith.divf %div3A_12, %broadcast_in_dim3A : vector<512x1xf32>
    %mul3A = vector.broadcast %div3A_13 : vector<512x1xf32> to vector<512x64xf32>
    %mul3A_14 = arith.mulf %dot_general3A_11, %mul3A : vector<512x64xf32>
    %convert_element_type3A_15 = arith.truncf %mul3A_14 : vector<512x64xf32> to vector<512x64xbf16>
    %swap3A = arith.constant 0 : index
    %swap3A_16 = arith.constant 0 : index
    %swap3A_17 = vector.load %arg5[%swap3A, %swap3A_16] : memref<512x128xbf16, #tpu.memory_space<vmem>>, vector<512x64xbf16>
    tpu.vector_store %arg5[%swap3A, %swap3A_16], %convert_element_type3A_15 {strides = array<i32>} : memref<512x128xbf16, #tpu.memory_space<vmem>>, vector<512x64xbf16>,
    %get3A_18 = arith.constant 0 : index
    %get3A_19 = arith.constant 64 : index
    %get3A_20 = vector.load %arg2[%get3A_18, %get3A_19] : memref<512x128xbf16, #tpu.memory_space<vmem>>, vector<512x64xbf16>
    %get3A_21 = arith.constant 0 : index
    %get3A_22 = arith.constant 64 : index
    %get3A_23 = vector.load %arg3[%get3A_21, %get3A_22] : memref<2048x128xbf16, #tpu.memory_space<vmem>>, vector<2048x64xbf16>
    %dot_general3A_24 = arith.constant dense<0.000000e+00> : vector<512x2048xf32>
    %dot_general3A_25 = tpu.matmul %get3A_20, %get3A_23, %dot_general3A_24 {dimension_numbers = #tpu.dot_dimension_numbers<[1], [1], [0], [0], [0, 0, 1, 0], [], []>, transpose_lhs_hint = false} : vector<512x64xbf16>, vector<2048x64xbf16>, vector<512x2048xf32> -> vector<512x2048xf32>
    %exp3A_26 = math.exp %dot_general3A_25 : vector<512x2048xf32>
    %reduce_sum3A_27 = arith.constant dense<0.000000e+00> : vector<512xf32>
    %reduce_sum3A_28 = vector.multi_reduction <add>, %exp3A_26, %reduce_sum3A_27 [1] : vector<512x2048xf32> to vector<512xf32>
    %broadcast_in_dim3A_29 = vector.shape_cast %reduce_sum3A_28 : vector<512xf32> to vector<512x1xf32>
    %convert_element_type3A_30 = arith.truncf %exp3A_26 : vector<512x2048xf32> to vector<512x2048xbf16>
    %get3A_31 = arith.constant 0 : index
    %get3A_32 = arith.constant 64 : index
    %get3A_33 = vector.load %arg4[%get3A_31, %get3A_32] : memref<2048x128xbf16, #tpu.memory_space<vmem>>, vector<2048x64xbf16>
    %dot_general3A_34 = arith.constant dense<0.000000e+00> : vector<512x64xf32>
    %dot_general3A_35 = tpu.matmul %convert_element_type3A_30, %get3A_33, %dot_general3A_34 {dimension_numbers = #tpu.dot_dimension_numbers<[1], [0], [0], [1], [0, 0, 1, 1], [], []>, transpose_lhs_hint = false} : vector<512x2048xbf16>, vector<2048x64xbf16>, vector<512x64xf32> -> vector<512x64xf32>
    %div3A_36 = arith.constant 1.000000e+00 : f32
    %div3A_37 = vector.broadcast %div3A_36 : f32 to vector<512x1xf32>
    %div3A_38 = arith.divf %div3A_37, %broadcast_in_dim3A_29 : vector<512x1xf32>
    %mul3A_39 = vector.broadcast %div3A_38 : vector<512x1xf32> to vector<512x64xf32>
    %mul3A_40 = arith.mulf %dot_general3A_35, %mul3A_39 : vector<512x64xf32>
    %convert_element_type3A_41 = arith.truncf %mul3A_40 : vector<512x64xf32> to vector<512x64xbf16>
    %swap3A_42 = arith.constant 0 : index
    %swap3A_43 = arith.constant 64 : index
    %swap3A_44 = vector.load %arg5[%swap3A_42, %swap3A_43] : memref<512x128xbf16, #tpu.memory_space<vmem>>, vector<512x64xbf16>
    tpu.vector_store %arg5[%swap3A_42, %swap3A_43], %convert_element_type3A_41 {strides = array<i32>} : memref<512x128xbf16, #tpu.memory_space<vmem>>, vector<512x64xbf16>,
    return
  }
  func.func @transform_0(%arg0: i32, %arg1: i32) -> (i32, i32) {
    %c0_i32 = arith.constant 0 : i32
    return %arg1, %arg0 : i32, i32
  }
  func.func @transform_1(%arg0: i32, %arg1: i32) -> (i32, i32) {
    %c0_i32 = arith.constant 0 : i32
    %c0_i32_0 = arith.constant 0 : i32
    return %c0_i32, %arg0 : i32, i32
  }
  func.func @transform_2(%arg0: i32, %arg1: i32) -> (i32, i32) {
    %c0_i32 = arith.constant 0 : i32
    %c0_i32_0 = arith.constant 0 : i32
    return %c0_i32, %arg0 : i32, i32
  }
  func.func @transform_3(%arg0: i32, %arg1: i32) -> (i32, i32) {
    %c0_i32 = arith.constant 0 : i32
    return %arg1, %arg0 : i32, i32
  }
}

module attributes {stable_mosaic.version = 14 : i64} {
  func.func @_ln_qkv_kernel(%arg0: i32, %arg1: memref<256x768xf32, #tpu.memory_space<vmem>>, %arg2: memref<8x768xf32, #tpu.memory_space<vmem>>, %arg3: memref<8x768xf32, #tpu.memory_space<vmem>>, %arg4: memref<2304x768xbf16, #tpu.memory_space<vmem>>, %arg5: memref<256x768xbf16, #tpu.memory_space<vmem>>, %arg6: memref<256x768xbf16, #tpu.memory_space<vmem>>, %arg7: memref<256x768xbf16, #tpu.memory_space<vmem>>) attributes {dimension_semantics = [#tpu.dimension_semantics<arbitrary>], iteration_bounds = array<i64: 8>, scalar_prefetch = 0 : i64, scratch_operands = 0 : i64, tpu.core_type = #tpu.core_type<tc>, window_params = [{transform_indices = @transform_0, window_bounds = array<i64: 256, 768>}, {pipeline_mode = #tpu.pipeline_mode<synchronous>, transform_indices = @transform_1, window_bounds = array<i64: 8, 768>}, {pipeline_mode = #tpu.pipeline_mode<synchronous>, transform_indices = @transform_2, window_bounds = array<i64: 8, 768>}, {pipeline_mode = #tpu.pipeline_mode<synchronous>, transform_indices = @transform_3, window_bounds = array<i64: 2304, 768>}, {transform_indices = @transform_4, window_bounds = array<i64: 256, 768>}, {transform_indices = @transform_5, window_bounds = array<i64: 256, 768>}, {transform_indices = @transform_6, window_bounds = array<i64: 256, 768>}]} {
    %get3A = arith.constant 0 : index
    %get3A_0 = arith.constant 0 : index
    %get3A_1 = vector.load %arg1[%get3A, %get3A_0] : memref<256x768xf32, #tpu.memory_space<vmem>>, vector<256x768xf32>
    %reduce_sum3A = arith.constant dense<0.000000e+00> : vector<256xf32>
    %reduce_sum3A_2 = vector.multi_reduction <add>, %get3A_1, %reduce_sum3A [1] : vector<256x768xf32> to vector<256xf32>
    %broadcast_in_dim3A = vector.shape_cast %reduce_sum3A_2 : vector<256xf32> to vector<256x1xf32>
    %div3A = arith.constant 7.680000e+02 : f32
    %div3A_3 = vector.broadcast %div3A : f32 to vector<256x1xf32>
    %div3A_4 = arith.divf %broadcast_in_dim3A, %div3A_3 : vector<256x1xf32>
    %sub3A = vector.broadcast %div3A_4 : vector<256x1xf32> to vector<256x768xf32>
    %sub3A_5 = arith.subf %get3A_1, %sub3A : vector<256x768xf32>
    %sub3A_6 = vector.broadcast %div3A_4 : vector<256x1xf32> to vector<256x768xf32>
    %sub3A_7 = arith.subf %get3A_1, %sub3A_6 : vector<256x768xf32>
    %mul3A = arith.mulf %sub3A_5, %sub3A_7 : vector<256x768xf32>
    %reduce_sum3A_8 = arith.constant dense<0.000000e+00> : vector<256xf32>
    %reduce_sum3A_9 = vector.multi_reduction <add>, %mul3A, %reduce_sum3A_8 [1] : vector<256x768xf32> to vector<256xf32>
    %broadcast_in_dim3A_10 = vector.shape_cast %reduce_sum3A_9 : vector<256xf32> to vector<256x1xf32>
    %div3A_11 = arith.constant 7.680000e+02 : f32
    %div3A_12 = vector.broadcast %div3A_11 : f32 to vector<256x1xf32>
    %div3A_13 = arith.divf %broadcast_in_dim3A_10, %div3A_12 : vector<256x1xf32>
    %sub3A_14 = vector.broadcast %div3A_4 : vector<256x1xf32> to vector<256x768xf32>
    %sub3A_15 = arith.subf %get3A_1, %sub3A_14 : vector<256x768xf32>
    %add3A = arith.constant 9.99999974E-6 : f32
    %add3A_16 = vector.broadcast %add3A : f32 to vector<256x1xf32>
    %add3A_17 = arith.addf %div3A_13, %add3A_16 : vector<256x1xf32>
    %sqrt3A = math.sqrt %add3A_17 : vector<256x1xf32>
    %div3A_18 = vector.broadcast %sqrt3A : vector<256x1xf32> to vector<256x768xf32>
    %div3A_19 = arith.divf %sub3A_15, %div3A_18 : vector<256x768xf32>
    %get3A_20 = arith.constant 0 : index
    %get3A_21 = arith.constant 0 : index
    %get3A_22 = vector.load %arg2[%get3A_20, %get3A_21] : memref<8x768xf32, #tpu.memory_space<vmem>>, vector<1x768xf32>
    %mul3A_23 = vector.broadcast %get3A_22 : vector<1x768xf32> to vector<256x768xf32>
    %mul3A_24 = arith.mulf %div3A_19, %mul3A_23 : vector<256x768xf32>
    %get3A_25 = arith.constant 0 : index
    %get3A_26 = arith.constant 0 : index
    %get3A_27 = vector.load %arg3[%get3A_25, %get3A_26] : memref<8x768xf32, #tpu.memory_space<vmem>>, vector<1x768xf32>
    %add3A_28 = vector.broadcast %get3A_27 : vector<1x768xf32> to vector<256x768xf32>
    %add3A_29 = arith.addf %mul3A_24, %add3A_28 : vector<256x768xf32>
    %convert_element_type3A = arith.truncf %add3A_29 : vector<256x768xf32> to vector<256x768xbf16>
    %get3A_30 = arith.constant 0 : index
    %get3A_31 = arith.constant 0 : index
    %get3A_32 = vector.load %arg4[%get3A_30, %get3A_31] : memref<2304x768xbf16, #tpu.memory_space<vmem>>, vector<2304x768xbf16>
    %dot_general3A = arith.constant dense<0.000000e+00> : vector<256x2304xf32>
    %dot_general3A_33 = tpu.matmul %convert_element_type3A, %get3A_32, %dot_general3A {dimension_numbers = #tpu.dot_dimension_numbers<[1], [1], [0], [0], [0, 0, 1, 0], [], []>, transpose_lhs_hint = false} : vector<256x768xbf16>, vector<2304x768xbf16>, vector<256x2304xf32> -> vector<256x2304xf32>
    %slice3A = vector.extract_strided_slice %dot_general3A_33 {offsets = [0, 0], sizes = [256, 768], strides = [1, 1]} : vector<256x2304xf32> to vector<256x768xf32>
    %mul3A_34 = arith.constant 1.250000e-01 : f32
    %mul3A_35 = vector.broadcast %mul3A_34 : f32 to vector<256x768xf32>
    %mul3A_36 = arith.mulf %slice3A, %mul3A_35 : vector<256x768xf32>
    %convert_element_type3A_37 = arith.truncf %mul3A_36 : vector<256x768xf32> to vector<256x768xbf16>
    %swap3A = arith.constant 0 : index
    %swap3A_38 = arith.constant 0 : index
    %swap3A_39 = vector.load %arg5[%swap3A, %swap3A_38] : memref<256x768xbf16, #tpu.memory_space<vmem>>, vector<256x768xbf16>
    tpu.vector_store %arg5[%swap3A, %swap3A_38], %convert_element_type3A_37 {strides = array<i32>} : memref<256x768xbf16, #tpu.memory_space<vmem>>, vector<256x768xbf16>,
    %slice3A_40 = vector.extract_strided_slice %dot_general3A_33 {offsets = [0, 768], sizes = [256, 768], strides = [1, 1]} : vector<256x2304xf32> to vector<256x768xf32>
    %convert_element_type3A_41 = arith.truncf %slice3A_40 : vector<256x768xf32> to vector<256x768xbf16>
    %swap3A_42 = arith.constant 0 : index
    %swap3A_43 = arith.constant 0 : index
    %swap3A_44 = vector.load %arg6[%swap3A_42, %swap3A_43] : memref<256x768xbf16, #tpu.memory_space<vmem>>, vector<256x768xbf16>
    tpu.vector_store %arg6[%swap3A_42, %swap3A_43], %convert_element_type3A_41 {strides = array<i32>} : memref<256x768xbf16, #tpu.memory_space<vmem>>, vector<256x768xbf16>,
    %slice3A_45 = vector.extract_strided_slice %dot_general3A_33 {offsets = [0, 1536], sizes = [256, 768], strides = [1, 1]} : vector<256x2304xf32> to vector<256x768xf32>
    %convert_element_type3A_46 = arith.truncf %slice3A_45 : vector<256x768xf32> to vector<256x768xbf16>
    %swap3A_47 = arith.constant 0 : index
    %swap3A_48 = arith.constant 0 : index
    %swap3A_49 = vector.load %arg7[%swap3A_47, %swap3A_48] : memref<256x768xbf16, #tpu.memory_space<vmem>>, vector<256x768xbf16>
    tpu.vector_store %arg7[%swap3A_47, %swap3A_48], %convert_element_type3A_46 {strides = array<i32>} : memref<256x768xbf16, #tpu.memory_space<vmem>>, vector<256x768xbf16>,
    return
  }
  func.func @transform_0(%arg0: i32) -> (i32, i32) {
    %c0_i32 = arith.constant 0 : i32
    %c0_i32_0 = arith.constant 0 : i32
    return %arg0, %c0_i32 : i32, i32
  }
  func.func @transform_1(%arg0: i32) -> (i32, i32) {
    %c0_i32 = arith.constant 0 : i32
    %c0_i32_0 = arith.constant 0 : i32
    %c0_i32_1 = arith.constant 0 : i32
    return %c0_i32, %c0_i32_0 : i32, i32
  }
  func.func @transform_2(%arg0: i32) -> (i32, i32) {
    %c0_i32 = arith.constant 0 : i32
    %c0_i32_0 = arith.constant 0 : i32
    %c0_i32_1 = arith.constant 0 : i32
    return %c0_i32, %c0_i32_0 : i32, i32
  }
  func.func @transform_3(%arg0: i32) -> (i32, i32) {
    %c0_i32 = arith.constant 0 : i32
    %c0_i32_0 = arith.constant 0 : i32
    %c0_i32_1 = arith.constant 0 : i32
    return %c0_i32, %c0_i32_0 : i32, i32
  }
  func.func @transform_4(%arg0: i32) -> (i32, i32) {
    %c0_i32 = arith.constant 0 : i32
    %c0_i32_0 = arith.constant 0 : i32
    return %arg0, %c0_i32 : i32, i32
  }
  func.func @transform_5(%arg0: i32) -> (i32, i32) {
    %c0_i32 = arith.constant 0 : i32
    %c0_i32_0 = arith.constant 0 : i32
    return %arg0, %c0_i32 : i32, i32
  }
  func.func @transform_6(%arg0: i32) -> (i32, i32) {
    %c0_i32 = arith.constant 0 : i32
    %c0_i32_0 = arith.constant 0 : i32
    return %arg0, %c0_i32 : i32, i32
  }
}

module attributes {stable_mosaic.version = 14 : i64} {
  func.func @_proj_router_kernel(%arg0: i32, %arg1: memref<256x768xbf16, #tpu.memory_space<vmem>>, %arg2: memref<256x768xf32, #tpu.memory_space<vmem>>, %arg3: memref<768x768xbf16, #tpu.memory_space<vmem>>, %arg4: memref<8x768xf32, #tpu.memory_space<vmem>>, %arg5: memref<8x768xf32, #tpu.memory_space<vmem>>, %arg6: memref<128x768xf32, #tpu.memory_space<vmem>>, %arg7: memref<256x768xf32, #tpu.memory_space<vmem>>, %arg8: memref<256x768xbf16, #tpu.memory_space<vmem>>, %arg9: memref<256x128xf32, #tpu.memory_space<vmem>>, %arg10: memref<256x128xf32, #tpu.memory_space<vmem>>, %arg11: memref<8x128xf32, #tpu.memory_space<vmem>>, %arg12: memref<8x128xf32, #tpu.memory_space<vmem>>, %arg13: memref<8x128xi32, #tpu.memory_space<vmem>>, %arg14: memref<8x128xf32, #tpu.memory_space<vmem>>) attributes {dimension_semantics = [#tpu.dimension_semantics<arbitrary>], iteration_bounds = array<i64: 8>, scalar_prefetch = 0 : i64, scratch_operands = 1 : i64, tpu.core_type = #tpu.core_type<tc>, window_params = [{transform_indices = @transform_0, window_bounds = array<i64: 256, 768>}, {transform_indices = @transform_1, window_bounds = array<i64: 256, 768>}, {pipeline_mode = #tpu.pipeline_mode<synchronous>, transform_indices = @transform_2, window_bounds = array<i64: 768, 768>}, {pipeline_mode = #tpu.pipeline_mode<synchronous>, transform_indices = @transform_3, window_bounds = array<i64: 8, 768>}, {pipeline_mode = #tpu.pipeline_mode<synchronous>, transform_indices = @transform_4, window_bounds = array<i64: 8, 768>}, {pipeline_mode = #tpu.pipeline_mode<synchronous>, transform_indices = @transform_5, window_bounds = array<i64: 128, 768>}, {transform_indices = @transform_6, window_bounds = array<i64: 256, 768>}, {transform_indices = @transform_7, window_bounds = array<i64: 256, 768>}, {transform_indices = @transform_8, window_bounds = array<i64: 256, 128>}, {transform_indices = @transform_9, window_bounds = array<i64: 256, 128>}, {pipeline_mode = #tpu.pipeline_mode<synchronous>, transform_indices = @transform_10, window_bounds = array<i64: 8, 128>}, {pipeline_mode = #tpu.pipeline_mode<synchronous>, transform_indices = @transform_11, window_bounds = array<i64: 8, 128>}, {pipeline_mode = #tpu.pipeline_mode<synchronous>, transform_indices = @transform_12, window_bounds = array<i64: 8, 128>}]} {
    %get3A = arith.constant 0 : index
    %get3A_0 = arith.constant 0 : index
    %get3A_1 = vector.load %arg1[%get3A, %get3A_0] : memref<256x768xbf16, #tpu.memory_space<vmem>>, vector<256x768xbf16>
    %get3A_2 = arith.constant 0 : index
    %get3A_3 = arith.constant 0 : index
    %get3A_4 = vector.load %arg3[%get3A_2, %get3A_3] : memref<768x768xbf16, #tpu.memory_space<vmem>>, vector<768x768xbf16>
    %dot_general3A = arith.constant dense<0.000000e+00> : vector<256x768xf32>
    %dot_general3A_5 = tpu.matmul %get3A_1, %get3A_4, %dot_general3A {dimension_numbers = #tpu.dot_dimension_numbers<[1], [1], [0], [0], [0, 0, 1, 0], [], []>, transpose_lhs_hint = false} : vector<256x768xbf16>, vector<768x768xbf16>, vector<256x768xf32> -> vector<256x768xf32>
    %get3A_6 = arith.constant 0 : index
    %get3A_7 = arith.constant 0 : index
    %get3A_8 = vector.load %arg2[%get3A_6, %get3A_7] : memref<256x768xf32, #tpu.memory_space<vmem>>, vector<256x768xf32>
    %add3A = arith.addf %get3A_8, %dot_general3A_5 : vector<256x768xf32>
    %swap3A = arith.constant 0 : index
    %swap3A_9 = arith.constant 0 : index
    %swap3A_10 = vector.load %arg7[%swap3A, %swap3A_9] : memref<256x768xf32, #tpu.memory_space<vmem>>, vector<256x768xf32>
    tpu.vector_store %arg7[%swap3A, %swap3A_9], %add3A {strides = array<i32>} : memref<256x768xf32, #tpu.memory_space<vmem>>, vector<256x768xf32>,
    %reduce_sum3A = arith.constant dense<0.000000e+00> : vector<256xf32>
    %reduce_sum3A_11 = vector.multi_reduction <add>, %add3A, %reduce_sum3A [1] : vector<256x768xf32> to vector<256xf32>
    %broadcast_in_dim3A = vector.shape_cast %reduce_sum3A_11 : vector<256xf32> to vector<256x1xf32>
    %div3A = arith.constant 7.680000e+02 : f32
    %div3A_12 = vector.broadcast %div3A : f32 to vector<256x1xf32>
    %div3A_13 = arith.divf %broadcast_in_dim3A, %div3A_12 : vector<256x1xf32>
    %sub3A = vector.broadcast %div3A_13 : vector<256x1xf32> to vector<256x768xf32>
    %sub3A_14 = arith.subf %add3A, %sub3A : vector<256x768xf32>
    %sub3A_15 = vector.broadcast %div3A_13 : vector<256x1xf32> to vector<256x768xf32>
    %sub3A_16 = arith.subf %add3A, %sub3A_15 : vector<256x768xf32>
    %mul3A = arith.mulf %sub3A_14, %sub3A_16 : vector<256x768xf32>
    %reduce_sum3A_17 = arith.constant dense<0.000000e+00> : vector<256xf32>
    %reduce_sum3A_18 = vector.multi_reduction <add>, %mul3A, %reduce_sum3A_17 [1] : vector<256x768xf32> to vector<256xf32>
    %broadcast_in_dim3A_19 = vector.shape_cast %reduce_sum3A_18 : vector<256xf32> to vector<256x1xf32>
    %div3A_20 = arith.constant 7.680000e+02 : f32
    %div3A_21 = vector.broadcast %div3A_20 : f32 to vector<256x1xf32>
    %div3A_22 = arith.divf %broadcast_in_dim3A_19, %div3A_21 : vector<256x1xf32>
    %sub3A_23 = vector.broadcast %div3A_13 : vector<256x1xf32> to vector<256x768xf32>
    %sub3A_24 = arith.subf %add3A, %sub3A_23 : vector<256x768xf32>
    %add3A_25 = arith.constant 9.99999974E-6 : f32
    %add3A_26 = vector.broadcast %add3A_25 : f32 to vector<256x1xf32>
    %add3A_27 = arith.addf %div3A_22, %add3A_26 : vector<256x1xf32>
    %sqrt3A = math.sqrt %add3A_27 : vector<256x1xf32>
    %div3A_28 = vector.broadcast %sqrt3A : vector<256x1xf32> to vector<256x768xf32>
    %div3A_29 = arith.divf %sub3A_24, %div3A_28 : vector<256x768xf32>
    %get3A_30 = arith.constant 0 : index
    %get3A_31 = arith.constant 0 : index
    %get3A_32 = vector.load %arg4[%get3A_30, %get3A_31] : memref<8x768xf32, #tpu.memory_space<vmem>>, vector<1x768xf32>
    %mul3A_33 = vector.broadcast %get3A_32 : vector<1x768xf32> to vector<256x768xf32>
    %mul3A_34 = arith.mulf %div3A_29, %mul3A_33 : vector<256x768xf32>
    %get3A_35 = arith.constant 0 : index
    %get3A_36 = arith.constant 0 : index
    %get3A_37 = vector.load %arg5[%get3A_35, %get3A_36] : memref<8x768xf32, #tpu.memory_space<vmem>>, vector<1x768xf32>
    %add3A_38 = vector.broadcast %get3A_37 : vector<1x768xf32> to vector<256x768xf32>
    %add3A_39 = arith.addf %mul3A_34, %add3A_38 : vector<256x768xf32>
    %convert_element_type3A = arith.truncf %add3A_39 : vector<256x768xf32> to vector<256x768xbf16>
    %swap3A_40 = arith.constant 0 : index
    %swap3A_41 = arith.constant 0 : index
    %swap3A_42 = vector.load %arg8[%swap3A_40, %swap3A_41] : memref<256x768xbf16, #tpu.memory_space<vmem>>, vector<256x768xbf16>
    tpu.vector_store %arg8[%swap3A_40, %swap3A_41], %convert_element_type3A {strides = array<i32>} : memref<256x768xbf16, #tpu.memory_space<vmem>>, vector<256x768xbf16>,
    %get3A_43 = arith.constant 0 : index
    %get3A_44 = arith.constant 0 : index
    %get3A_45 = vector.load %arg6[%get3A_43, %get3A_44] : memref<128x768xf32, #tpu.memory_space<vmem>>, vector<128x768xf32>
    %dot_general3A_46 = arith.constant dense<0.000000e+00> : vector<256x128xf32>
    %dot_general3A_47 = tpu.matmul %add3A_39, %get3A_45, %dot_general3A_46 {dimension_numbers = #tpu.dot_dimension_numbers<[1], [1], [0], [0], [0, 0, 1, 0], [], []>, transpose_lhs_hint = false} : vector<256x768xf32>, vector<128x768xf32>, vector<256x128xf32> -> vector<256x128xf32>
    %swap3A_48 = arith.constant 0 : index
    %swap3A_49 = arith.constant 0 : index
    %swap3A_50 = vector.load %arg9[%swap3A_48, %swap3A_49] : memref<256x128xf32, #tpu.memory_space<vmem>>, vector<256x128xf32>
    tpu.vector_store %arg9[%swap3A_48, %swap3A_49], %dot_general3A_47 {strides = array<i32>} : memref<256x128xf32, #tpu.memory_space<vmem>>, vector<256x128xf32>,
    %iota3A = tpu.iota {dimensions = array<i32: 1>} : vector<256x128xi32>
    %lt3A = arith.constant 8 : i32
    %lt3A_51 = vector.broadcast %lt3A : i32 to vector<256x128xi32>
    %lt3A_52 = arith.cmpi slt, %iota3A, %lt3A_51 : vector<256x128xi32>
    %jit3A = arith.constant -1.000000e+30 : f32
    %broadcast_in_dim3A_53 = vector.broadcast %jit3A : f32 to vector<256x128xf32>
    %select_n3A = arith.select %lt3A_52, %dot_general3A_47, %broadcast_in_dim3A_53 : vector<256x128xi1>, vector<256x128xf32>
    %reduce_max3A = arith.constant dense<0xFF800000> : vector<256xf32>
    %reduce_max3A_54 = vector.multi_reduction <maximumf>, %select_n3A, %reduce_max3A [1] : vector<256x128xf32> to vector<256xf32>
    %broadcast_in_dim3A_55 = vector.shape_cast %reduce_max3A_54 : vector<256xf32> to vector<256x1xf32>
    %sub3A_56 = vector.broadcast %broadcast_in_dim3A_55 : vector<256x1xf32> to vector<256x128xf32>
    %sub3A_57 = arith.subf %select_n3A, %sub3A_56 : vector<256x128xf32>
    %exp3A = math.exp %sub3A_57 : vector<256x128xf32>
    %jit3A_58 = arith.constant 0.000000e+00 : f32
    %broadcast_in_dim3A_59 = vector.broadcast %jit3A_58 : f32 to vector<256x128xf32>
    %select_n3A_60 = arith.select %lt3A_52, %exp3A, %broadcast_in_dim3A_59 : vector<256x128xi1>, vector<256x128xf32>
    %reduce_sum3A_61 = arith.constant dense<0.000000e+00> : vector<256xf32>
    %reduce_sum3A_62 = vector.multi_reduction <add>, %select_n3A_60, %reduce_sum3A_61 [1] : vector<256x128xf32> to vector<256xf32>
    %broadcast_in_dim3A_63 = vector.shape_cast %reduce_sum3A_62 : vector<256xf32> to vector<256x1xf32>
    %div3A_64 = vector.broadcast %broadcast_in_dim3A_63 : vector<256x1xf32> to vector<256x128xf32>
    %div3A_65 = arith.divf %select_n3A_60, %div3A_64 : vector<256x128xf32>
    %broadcast_in_dim3A_66 = arith.constant 0.000000e+00 : f32
    %broadcast_in_dim3A_67 = vector.broadcast %broadcast_in_dim3A_66 : f32 to vector<256x128xf32>
    %slice3A = vector.extract_strided_slice %div3A_65 {offsets = [0, 0], sizes = [256, 1], strides = [1, 1]} : vector<256x128xf32> to vector<256x1xf32>
    %gt3A = vector.broadcast %slice3A : vector<256x1xf32> to vector<256x128xf32>
    %gt3A_68 = arith.cmpf ogt, %div3A_65, %gt3A : vector<256x128xf32>
    %and3A = arith.andi %lt3A_52, %gt3A_68 : vector<256x128xi1>
    %jit3A_69 = arith.constant 1.000000e+00 : f32
    %jit3A_70 = arith.constant 0.000000e+00 : f32
    %broadcast_in_dim3A_71 = vector.broadcast %jit3A_69 : f32 to vector<256x128xf32>
    %broadcast_in_dim3A_72 = vector.broadcast %jit3A_70 : f32 to vector<256x128xf32>
    %select_n3A_73 = arith.select %and3A, %broadcast_in_dim3A_71, %broadcast_in_dim3A_72 : vector<256x128xi1>, vector<256x128xf32>
    %reduce_sum3A_74 = arith.constant dense<0.000000e+00> : vector<256xf32>
    %reduce_sum3A_75 = vector.multi_reduction <add>, %select_n3A_73, %reduce_sum3A_74 [1] : vector<256x128xf32> to vector<256xf32>
    %broadcast_in_dim3A_76 = vector.shape_cast %reduce_sum3A_75 : vector<256xf32> to vector<256x1xf32>
    %eq3A = vector.broadcast %slice3A : vector<256x1xf32> to vector<256x128xf32>
    %eq3A_77 = arith.cmpf oeq, %div3A_65, %eq3A : vector<256x128xf32>
    %and3A_78 = arith.andi %lt3A_52, %eq3A_77 : vector<256x128xi1>
    %lt3A_79 = arith.constant 0 : i32
    %lt3A_80 = vector.broadcast %lt3A_79 : i32 to vector<256x128xi32>
    %lt3A_81 = arith.cmpi slt, %iota3A, %lt3A_80 : vector<256x128xi32>
    %and3A_82 = arith.andi %and3A_78, %lt3A_81 : vector<256x128xi1>
    %jit3A_83 = arith.constant 1.000000e+00 : f32
    %jit3A_84 = arith.constant 0.000000e+00 : f32
    %broadcast_in_dim3A_85 = vector.broadcast %jit3A_83 : f32 to vector<256x128xf32>
    %broadcast_in_dim3A_86 = vector.broadcast %jit3A_84 : f32 to vector<256x128xf32>
    %select_n3A_87 = arith.select %and3A_82, %broadcast_in_dim3A_85, %broadcast_in_dim3A_86 : vector<256x128xi1>, vector<256x128xf32>
    %reduce_sum3A_88 = arith.constant dense<0.000000e+00> : vector<256xf32>
    %reduce_sum3A_89 = vector.multi_reduction <add>, %select_n3A_87, %reduce_sum3A_88 [1] : vector<256x128xf32> to vector<256xf32>
    %broadcast_in_dim3A_90 = vector.shape_cast %reduce_sum3A_89 : vector<256xf32> to vector<256x1xf32>
    %add3A_91 = arith.addf %broadcast_in_dim3A_76, %broadcast_in_dim3A_90 : vector<256x1xf32>
    %lt3A_92 = arith.constant 2.000000e+00 : f32
    %lt3A_93 = vector.broadcast %lt3A_92 : f32 to vector<256x1xf32>
    %lt3A_94 = arith.cmpf olt, %add3A_91, %lt3A_93 : vector<256x1xf32>
    %eq3A_95 = arith.constant 0 : i32
    %eq3A_96 = vector.broadcast %eq3A_95 : i32 to vector<256x128xi32>
    %eq3A_97 = arith.cmpi eq, %iota3A, %eq3A_96 : vector<256x128xi32>
    %and3A_98 = vector.broadcast %lt3A_94 : vector<256x1xi1> to vector<256x128xi1>
    %and3A_99 = arith.andi %eq3A_97, %and3A_98 : vector<256x128xi1>
    %jit3A_100 = arith.constant 1.000000e+00 : f32
    %jit3A_101 = arith.constant 0.000000e+00 : f32
    %broadcast_in_dim3A_102 = vector.broadcast %jit3A_100 : f32 to vector<256x128xf32>
    %broadcast_in_dim3A_103 = vector.broadcast %jit3A_101 : f32 to vector<256x128xf32>
    %select_n3A_104 = arith.select %and3A_99, %broadcast_in_dim3A_102, %broadcast_in_dim3A_103 : vector<256x128xi1>, vector<256x128xf32>
    %add3A_105 = arith.addf %broadcast_in_dim3A_67, %select_n3A_104 : vector<256x128xf32>
    %slice3A_106 = vector.extract_strided_slice %div3A_65 {offsets = [0, 1], sizes = [256, 1], strides = [1, 1]} : vector<256x128xf32> to vector<256x1xf32>
    %gt3A_107 = vector.broadcast %slice3A_106 : vector<256x1xf32> to vector<256x128xf32>
    %gt3A_108 = arith.cmpf ogt, %div3A_65, %gt3A_107 : vector<256x128xf32>
    %and3A_109 = arith.andi %lt3A_52, %gt3A_108 : vector<256x128xi1>
    %jit3A_110 = arith.constant 1.000000e+00 : f32
    %jit3A_111 = arith.constant 0.000000e+00 : f32
    %broadcast_in_dim3A_112 = vector.broadcast %jit3A_110 : f32 to vector<256x128xf32>
    %broadcast_in_dim3A_113 = vector.broadcast %jit3A_111 : f32 to vector<256x128xf32>
    %select_n3A_114 = arith.select %and3A_109, %broadcast_in_dim3A_112, %broadcast_in_dim3A_113 : vector<256x128xi1>, vector<256x128xf32>
    %reduce_sum3A_115 = arith.constant dense<0.000000e+00> : vector<256xf32>
    %reduce_sum3A_116 = vector.multi_reduction <add>, %select_n3A_114, %reduce_sum3A_115 [1] : vector<256x128xf32> to vector<256xf32>
    %broadcast_in_dim3A_117 = vector.shape_cast %reduce_sum3A_116 : vector<256xf32> to vector<256x1xf32>
    %eq3A_118 = vector.broadcast %slice3A_106 : vector<256x1xf32> to vector<256x128xf32>
    %eq3A_119 = arith.cmpf oeq, %div3A_65, %eq3A_118 : vector<256x128xf32>
    %and3A_120 = arith.andi %lt3A_52, %eq3A_119 : vector<256x128xi1>
    %lt3A_121 = arith.constant 1 : i32
    %lt3A_122 = vector.broadcast %lt3A_121 : i32 to vector<256x128xi32>
    %lt3A_123 = arith.cmpi slt, %iota3A, %lt3A_122 : vector<256x128xi32>
    %and3A_124 = arith.andi %and3A_120, %lt3A_123 : vector<256x128xi1>
    %jit3A_125 = arith.constant 1.000000e+00 : f32
    %jit3A_126 = arith.constant 0.000000e+00 : f32
    %broadcast_in_dim3A_127 = vector.broadcast %jit3A_125 : f32 to vector<256x128xf32>
    %broadcast_in_dim3A_128 = vector.broadcast %jit3A_126 : f32 to vector<256x128xf32>
    %select_n3A_129 = arith.select %and3A_124, %broadcast_in_dim3A_127, %broadcast_in_dim3A_128 : vector<256x128xi1>, vector<256x128xf32>
    %reduce_sum3A_130 = arith.constant dense<0.000000e+00> : vector<256xf32>
    %reduce_sum3A_131 = vector.multi_reduction <add>, %select_n3A_129, %reduce_sum3A_130 [1] : vector<256x128xf32> to vector<256xf32>
    %broadcast_in_dim3A_132 = vector.shape_cast %reduce_sum3A_131 : vector<256xf32> to vector<256x1xf32>
    %add3A_133 = arith.addf %broadcast_in_dim3A_117, %broadcast_in_dim3A_132 : vector<256x1xf32>
    %lt3A_134 = arith.constant 2.000000e+00 : f32
    %lt3A_135 = vector.broadcast %lt3A_134 : f32 to vector<256x1xf32>
    %lt3A_136 = arith.cmpf olt, %add3A_133, %lt3A_135 : vector<256x1xf32>
    %eq3A_137 = arith.constant 1 : i32
    %eq3A_138 = vector.broadcast %eq3A_137 : i32 to vector<256x128xi32>
    %eq3A_139 = arith.cmpi eq, %iota3A, %eq3A_138 : vector<256x128xi32>
    %and3A_140 = vector.broadcast %lt3A_136 : vector<256x1xi1> to vector<256x128xi1>
    %and3A_141 = arith.andi %eq3A_139, %and3A_140 : vector<256x128xi1>
    %jit3A_142 = arith.constant 1.000000e+00 : f32
    %jit3A_143 = arith.constant 0.000000e+00 : f32
    %broadcast_in_dim3A_144 = vector.broadcast %jit3A_142 : f32 to vector<256x128xf32>
    %broadcast_in_dim3A_145 = vector.broadcast %jit3A_143 : f32 to vector<256x128xf32>
    %select_n3A_146 = arith.select %and3A_141, %broadcast_in_dim3A_144, %broadcast_in_dim3A_145 : vector<256x128xi1>, vector<256x128xf32>
    %add3A_147 = arith.addf %add3A_105, %select_n3A_146 : vector<256x128xf32>
    %slice3A_148 = vector.extract_strided_slice %div3A_65 {offsets = [0, 2], sizes = [256, 1], strides = [1, 1]} : vector<256x128xf32> to vector<256x1xf32>
    %gt3A_149 = vector.broadcast %slice3A_148 : vector<256x1xf32> to vector<256x128xf32>
    %gt3A_150 = arith.cmpf ogt, %div3A_65, %gt3A_149 : vector<256x128xf32>
    %and3A_151 = arith.andi %lt3A_52, %gt3A_150 : vector<256x128xi1>
    %jit3A_152 = arith.constant 1.000000e+00 : f32
    %jit3A_153 = arith.constant 0.000000e+00 : f32
    %broadcast_in_dim3A_154 = vector.broadcast %jit3A_152 : f32 to vector<256x128xf32>
    %broadcast_in_dim3A_155 = vector.broadcast %jit3A_153 : f32 to vector<256x128xf32>
    %select_n3A_156 = arith.select %and3A_151, %broadcast_in_dim3A_154, %broadcast_in_dim3A_155 : vector<256x128xi1>, vector<256x128xf32>
    %reduce_sum3A_157 = arith.constant dense<0.000000e+00> : vector<256xf32>
    %reduce_sum3A_158 = vector.multi_reduction <add>, %select_n3A_156, %reduce_sum3A_157 [1] : vector<256x128xf32> to vector<256xf32>
    %broadcast_in_dim3A_159 = vector.shape_cast %reduce_sum3A_158 : vector<256xf32> to vector<256x1xf32>
    %eq3A_160 = vector.broadcast %slice3A_148 : vector<256x1xf32> to vector<256x128xf32>
    %eq3A_161 = arith.cmpf oeq, %div3A_65, %eq3A_160 : vector<256x128xf32>
    %and3A_162 = arith.andi %lt3A_52, %eq3A_161 : vector<256x128xi1>
    %lt3A_163 = arith.constant 2 : i32
    %lt3A_164 = vector.broadcast %lt3A_163 : i32 to vector<256x128xi32>
    %lt3A_165 = arith.cmpi slt, %iota3A, %lt3A_164 : vector<256x128xi32>
    %and3A_166 = arith.andi %and3A_162, %lt3A_165 : vector<256x128xi1>
    %jit3A_167 = arith.constant 1.000000e+00 : f32
    %jit3A_168 = arith.constant 0.000000e+00 : f32
    %broadcast_in_dim3A_169 = vector.broadcast %jit3A_167 : f32 to vector<256x128xf32>
    %broadcast_in_dim3A_170 = vector.broadcast %jit3A_168 : f32 to vector<256x128xf32>
    %select_n3A_171 = arith.select %and3A_166, %broadcast_in_dim3A_169, %broadcast_in_dim3A_170 : vector<256x128xi1>, vector<256x128xf32>
    %reduce_sum3A_172 = arith.constant dense<0.000000e+00> : vector<256xf32>
    %reduce_sum3A_173 = vector.multi_reduction <add>, %select_n3A_171, %reduce_sum3A_172 [1] : vector<256x128xf32> to vector<256xf32>
    %broadcast_in_dim3A_174 = vector.shape_cast %reduce_sum3A_173 : vector<256xf32> to vector<256x1xf32>
    %add3A_175 = arith.addf %broadcast_in_dim3A_159, %broadcast_in_dim3A_174 : vector<256x1xf32>
    %lt3A_176 = arith.constant 2.000000e+00 : f32
    %lt3A_177 = vector.broadcast %lt3A_176 : f32 to vector<256x1xf32>
    %lt3A_178 = arith.cmpf olt, %add3A_175, %lt3A_177 : vector<256x1xf32>
    %eq3A_179 = arith.constant 2 : i32
    %eq3A_180 = vector.broadcast %eq3A_179 : i32 to vector<256x128xi32>
    %eq3A_181 = arith.cmpi eq, %iota3A, %eq3A_180 : vector<256x128xi32>
    %and3A_182 = vector.broadcast %lt3A_178 : vector<256x1xi1> to vector<256x128xi1>
    %and3A_183 = arith.andi %eq3A_181, %and3A_182 : vector<256x128xi1>
    %jit3A_184 = arith.constant 1.000000e+00 : f32
    %jit3A_185 = arith.constant 0.000000e+00 : f32
    %broadcast_in_dim3A_186 = vector.broadcast %jit3A_184 : f32 to vector<256x128xf32>
    %broadcast_in_dim3A_187 = vector.broadcast %jit3A_185 : f32 to vector<256x128xf32>
    %select_n3A_188 = arith.select %and3A_183, %broadcast_in_dim3A_186, %broadcast_in_dim3A_187 : vector<256x128xi1>, vector<256x128xf32>
    %add3A_189 = arith.addf %add3A_147, %select_n3A_188 : vector<256x128xf32>
    %slice3A_190 = vector.extract_strided_slice %div3A_65 {offsets = [0, 3], sizes = [256, 1], strides = [1, 1]} : vector<256x128xf32> to vector<256x1xf32>
    %gt3A_191 = vector.broadcast %slice3A_190 : vector<256x1xf32> to vector<256x128xf32>
    %gt3A_192 = arith.cmpf ogt, %div3A_65, %gt3A_191 : vector<256x128xf32>
    %and3A_193 = arith.andi %lt3A_52, %gt3A_192 : vector<256x128xi1>
    %jit3A_194 = arith.constant 1.000000e+00 : f32
    %jit3A_195 = arith.constant 0.000000e+00 : f32
    %broadcast_in_dim3A_196 = vector.broadcast %jit3A_194 : f32 to vector<256x128xf32>
    %broadcast_in_dim3A_197 = vector.broadcast %jit3A_195 : f32 to vector<256x128xf32>
    %select_n3A_198 = arith.select %and3A_193, %broadcast_in_dim3A_196, %broadcast_in_dim3A_197 : vector<256x128xi1>, vector<256x128xf32>
    %reduce_sum3A_199 = arith.constant dense<0.000000e+00> : vector<256xf32>
    %reduce_sum3A_200 = vector.multi_reduction <add>, %select_n3A_198, %reduce_sum3A_199 [1] : vector<256x128xf32> to vector<256xf32>
    %broadcast_in_dim3A_201 = vector.shape_cast %reduce_sum3A_200 : vector<256xf32> to vector<256x1xf32>
    %eq3A_202 = vector.broadcast %slice3A_190 : vector<256x1xf32> to vector<256x128xf32>
    %eq3A_203 = arith.cmpf oeq, %div3A_65, %eq3A_202 : vector<256x128xf32>
    %and3A_204 = arith.andi %lt3A_52, %eq3A_203 : vector<256x128xi1>
    %lt3A_205 = arith.constant 3 : i32
    %lt3A_206 = vector.broadcast %lt3A_205 : i32 to vector<256x128xi32>
    %lt3A_207 = arith.cmpi slt, %iota3A, %lt3A_206 : vector<256x128xi32>
    %and3A_208 = arith.andi %and3A_204, %lt3A_207 : vector<256x128xi1>
    %jit3A_209 = arith.constant 1.000000e+00 : f32
    %jit3A_210 = arith.constant 0.000000e+00 : f32
    %broadcast_in_dim3A_211 = vector.broadcast %jit3A_209 : f32 to vector<256x128xf32>
    %broadcast_in_dim3A_212 = vector.broadcast %jit3A_210 : f32 to vector<256x128xf32>
    %select_n3A_213 = arith.select %and3A_208, %broadcast_in_dim3A_211, %broadcast_in_dim3A_212 : vector<256x128xi1>, vector<256x128xf32>
    %reduce_sum3A_214 = arith.constant dense<0.000000e+00> : vector<256xf32>
    %reduce_sum3A_215 = vector.multi_reduction <add>, %select_n3A_213, %reduce_sum3A_214 [1] : vector<256x128xf32> to vector<256xf32>
    %broadcast_in_dim3A_216 = vector.shape_cast %reduce_sum3A_215 : vector<256xf32> to vector<256x1xf32>
    %add3A_217 = arith.addf %broadcast_in_dim3A_201, %broadcast_in_dim3A_216 : vector<256x1xf32>
    %lt3A_218 = arith.constant 2.000000e+00 : f32
    %lt3A_219 = vector.broadcast %lt3A_218 : f32 to vector<256x1xf32>
    %lt3A_220 = arith.cmpf olt, %add3A_217, %lt3A_219 : vector<256x1xf32>
    %eq3A_221 = arith.constant 3 : i32
    %eq3A_222 = vector.broadcast %eq3A_221 : i32 to vector<256x128xi32>
    %eq3A_223 = arith.cmpi eq, %iota3A, %eq3A_222 : vector<256x128xi32>
    %and3A_224 = vector.broadcast %lt3A_220 : vector<256x1xi1> to vector<256x128xi1>
    %and3A_225 = arith.andi %eq3A_223, %and3A_224 : vector<256x128xi1>
    %jit3A_226 = arith.constant 1.000000e+00 : f32
    %jit3A_227 = arith.constant 0.000000e+00 : f32
    %broadcast_in_dim3A_228 = vector.broadcast %jit3A_226 : f32 to vector<256x128xf32>
    %broadcast_in_dim3A_229 = vector.broadcast %jit3A_227 : f32 to vector<256x128xf32>
    %select_n3A_230 = arith.select %and3A_225, %broadcast_in_dim3A_228, %broadcast_in_dim3A_229 : vector<256x128xi1>, vector<256x128xf32>
    %add3A_231 = arith.addf %add3A_189, %select_n3A_230 : vector<256x128xf32>
    %slice3A_232 = vector.extract_strided_slice %div3A_65 {offsets = [0, 4], sizes = [256, 1], strides = [1, 1]} : vector<256x128xf32> to vector<256x1xf32>
    %gt3A_233 = vector.broadcast %slice3A_232 : vector<256x1xf32> to vector<256x128xf32>
    %gt3A_234 = arith.cmpf ogt, %div3A_65, %gt3A_233 : vector<256x128xf32>
    %and3A_235 = arith.andi %lt3A_52, %gt3A_234 : vector<256x128xi1>
    %jit3A_236 = arith.constant 1.000000e+00 : f32
    %jit3A_237 = arith.constant 0.000000e+00 : f32
    %broadcast_in_dim3A_238 = vector.broadcast %jit3A_236 : f32 to vector<256x128xf32>
    %broadcast_in_dim3A_239 = vector.broadcast %jit3A_237 : f32 to vector<256x128xf32>
    %select_n3A_240 = arith.select %and3A_235, %broadcast_in_dim3A_238, %broadcast_in_dim3A_239 : vector<256x128xi1>, vector<256x128xf32>
    %reduce_sum3A_241 = arith.constant dense<0.000000e+00> : vector<256xf32>
    %reduce_sum3A_242 = vector.multi_reduction <add>, %select_n3A_240, %reduce_sum3A_241 [1] : vector<256x128xf32> to vector<256xf32>
    %broadcast_in_dim3A_243 = vector.shape_cast %reduce_sum3A_242 : vector<256xf32> to vector<256x1xf32>
    %eq3A_244 = vector.broadcast %slice3A_232 : vector<256x1xf32> to vector<256x128xf32>
    %eq3A_245 = arith.cmpf oeq, %div3A_65, %eq3A_244 : vector<256x128xf32>
    %and3A_246 = arith.andi %lt3A_52, %eq3A_245 : vector<256x128xi1>
    %lt3A_247 = arith.constant 4 : i32
    %lt3A_248 = vector.broadcast %lt3A_247 : i32 to vector<256x128xi32>
    %lt3A_249 = arith.cmpi slt, %iota3A, %lt3A_248 : vector<256x128xi32>
    %and3A_250 = arith.andi %and3A_246, %lt3A_249 : vector<256x128xi1>
    %jit3A_251 = arith.constant 1.000000e+00 : f32
    %jit3A_252 = arith.constant 0.000000e+00 : f32
    %broadcast_in_dim3A_253 = vector.broadcast %jit3A_251 : f32 to vector<256x128xf32>
    %broadcast_in_dim3A_254 = vector.broadcast %jit3A_252 : f32 to vector<256x128xf32>
    %select_n3A_255 = arith.select %and3A_250, %broadcast_in_dim3A_253, %broadcast_in_dim3A_254 : vector<256x128xi1>, vector<256x128xf32>
    %reduce_sum3A_256 = arith.constant dense<0.000000e+00> : vector<256xf32>
    %reduce_sum3A_257 = vector.multi_reduction <add>, %select_n3A_255, %reduce_sum3A_256 [1] : vector<256x128xf32> to vector<256xf32>
    %broadcast_in_dim3A_258 = vector.shape_cast %reduce_sum3A_257 : vector<256xf32> to vector<256x1xf32>
    %add3A_259 = arith.addf %broadcast_in_dim3A_243, %broadcast_in_dim3A_258 : vector<256x1xf32>
    %lt3A_260 = arith.constant 2.000000e+00 : f32
    %lt3A_261 = vector.broadcast %lt3A_260 : f32 to vector<256x1xf32>
    %lt3A_262 = arith.cmpf olt, %add3A_259, %lt3A_261 : vector<256x1xf32>
    %eq3A_263 = arith.constant 4 : i32
    %eq3A_264 = vector.broadcast %eq3A_263 : i32 to vector<256x128xi32>
    %eq3A_265 = arith.cmpi eq, %iota3A, %eq3A_264 : vector<256x128xi32>
    %and3A_266 = vector.broadcast %lt3A_262 : vector<256x1xi1> to vector<256x128xi1>
    %and3A_267 = arith.andi %eq3A_265, %and3A_266 : vector<256x128xi1>
    %jit3A_268 = arith.constant 1.000000e+00 : f32
    %jit3A_269 = arith.constant 0.000000e+00 : f32
    %broadcast_in_dim3A_270 = vector.broadcast %jit3A_268 : f32 to vector<256x128xf32>
    %broadcast_in_dim3A_271 = vector.broadcast %jit3A_269 : f32 to vector<256x128xf32>
    %select_n3A_272 = arith.select %and3A_267, %broadcast_in_dim3A_270, %broadcast_in_dim3A_271 : vector<256x128xi1>, vector<256x128xf32>
    %add3A_273 = arith.addf %add3A_231, %select_n3A_272 : vector<256x128xf32>
    %slice3A_274 = vector.extract_strided_slice %div3A_65 {offsets = [0, 5], sizes = [256, 1], strides = [1, 1]} : vector<256x128xf32> to vector<256x1xf32>
    %gt3A_275 = vector.broadcast %slice3A_274 : vector<256x1xf32> to vector<256x128xf32>
    %gt3A_276 = arith.cmpf ogt, %div3A_65, %gt3A_275 : vector<256x128xf32>
    %and3A_277 = arith.andi %lt3A_52, %gt3A_276 : vector<256x128xi1>
    %jit3A_278 = arith.constant 1.000000e+00 : f32
    %jit3A_279 = arith.constant 0.000000e+00 : f32
    %broadcast_in_dim3A_280 = vector.broadcast %jit3A_278 : f32 to vector<256x128xf32>
    %broadcast_in_dim3A_281 = vector.broadcast %jit3A_279 : f32 to vector<256x128xf32>
    %select_n3A_282 = arith.select %and3A_277, %broadcast_in_dim3A_280, %broadcast_in_dim3A_281 : vector<256x128xi1>, vector<256x128xf32>
    %reduce_sum3A_283 = arith.constant dense<0.000000e+00> : vector<256xf32>
    %reduce_sum3A_284 = vector.multi_reduction <add>, %select_n3A_282, %reduce_sum3A_283 [1] : vector<256x128xf32> to vector<256xf32>
    %broadcast_in_dim3A_285 = vector.shape_cast %reduce_sum3A_284 : vector<256xf32> to vector<256x1xf32>
    %eq3A_286 = vector.broadcast %slice3A_274 : vector<256x1xf32> to vector<256x128xf32>
    %eq3A_287 = arith.cmpf oeq, %div3A_65, %eq3A_286 : vector<256x128xf32>
    %and3A_288 = arith.andi %lt3A_52, %eq3A_287 : vector<256x128xi1>
    %lt3A_289 = arith.constant 5 : i32
    %lt3A_290 = vector.broadcast %lt3A_289 : i32 to vector<256x128xi32>
    %lt3A_291 = arith.cmpi slt, %iota3A, %lt3A_290 : vector<256x128xi32>
    %and3A_292 = arith.andi %and3A_288, %lt3A_291 : vector<256x128xi1>
    %jit3A_293 = arith.constant 1.000000e+00 : f32
    %jit3A_294 = arith.constant 0.000000e+00 : f32
    %broadcast_in_dim3A_295 = vector.broadcast %jit3A_293 : f32 to vector<256x128xf32>
    %broadcast_in_dim3A_296 = vector.broadcast %jit3A_294 : f32 to vector<256x128xf32>
    %select_n3A_297 = arith.select %and3A_292, %broadcast_in_dim3A_295, %broadcast_in_dim3A_296 : vector<256x128xi1>, vector<256x128xf32>
    %reduce_sum3A_298 = arith.constant dense<0.000000e+00> : vector<256xf32>
    %reduce_sum3A_299 = vector.multi_reduction <add>, %select_n3A_297, %reduce_sum3A_298 [1] : vector<256x128xf32> to vector<256xf32>
    %broadcast_in_dim3A_300 = vector.shape_cast %reduce_sum3A_299 : vector<256xf32> to vector<256x1xf32>
    %add3A_301 = arith.addf %broadcast_in_dim3A_285, %broadcast_in_dim3A_300 : vector<256x1xf32>
    %lt3A_302 = arith.constant 2.000000e+00 : f32
    %lt3A_303 = vector.broadcast %lt3A_302 : f32 to vector<256x1xf32>
    %lt3A_304 = arith.cmpf olt, %add3A_301, %lt3A_303 : vector<256x1xf32>
    %eq3A_305 = arith.constant 5 : i32
    %eq3A_306 = vector.broadcast %eq3A_305 : i32 to vector<256x128xi32>
    %eq3A_307 = arith.cmpi eq, %iota3A, %eq3A_306 : vector<256x128xi32>
    %and3A_308 = vector.broadcast %lt3A_304 : vector<256x1xi1> to vector<256x128xi1>
    %and3A_309 = arith.andi %eq3A_307, %and3A_308 : vector<256x128xi1>
    %jit3A_310 = arith.constant 1.000000e+00 : f32
    %jit3A_311 = arith.constant 0.000000e+00 : f32
    %broadcast_in_dim3A_312 = vector.broadcast %jit3A_310 : f32 to vector<256x128xf32>
    %broadcast_in_dim3A_313 = vector.broadcast %jit3A_311 : f32 to vector<256x128xf32>
    %select_n3A_314 = arith.select %and3A_309, %broadcast_in_dim3A_312, %broadcast_in_dim3A_313 : vector<256x128xi1>, vector<256x128xf32>
    %add3A_315 = arith.addf %add3A_273, %select_n3A_314 : vector<256x128xf32>
    %slice3A_316 = vector.extract_strided_slice %div3A_65 {offsets = [0, 6], sizes = [256, 1], strides = [1, 1]} : vector<256x128xf32> to vector<256x1xf32>
    %gt3A_317 = vector.broadcast %slice3A_316 : vector<256x1xf32> to vector<256x128xf32>
    %gt3A_318 = arith.cmpf ogt, %div3A_65, %gt3A_317 : vector<256x128xf32>
    %and3A_319 = arith.andi %lt3A_52, %gt3A_318 : vector<256x128xi1>
    %jit3A_320 = arith.constant 1.000000e+00 : f32
    %jit3A_321 = arith.constant 0.000000e+00 : f32
    %broadcast_in_dim3A_322 = vector.broadcast %jit3A_320 : f32 to vector<256x128xf32>
    %broadcast_in_dim3A_323 = vector.broadcast %jit3A_321 : f32 to vector<256x128xf32>
    %select_n3A_324 = arith.select %and3A_319, %broadcast_in_dim3A_322, %broadcast_in_dim3A_323 : vector<256x128xi1>, vector<256x128xf32>
    %reduce_sum3A_325 = arith.constant dense<0.000000e+00> : vector<256xf32>
    %reduce_sum3A_326 = vector.multi_reduction <add>, %select_n3A_324, %reduce_sum3A_325 [1] : vector<256x128xf32> to vector<256xf32>
    %broadcast_in_dim3A_327 = vector.shape_cast %reduce_sum3A_326 : vector<256xf32> to vector<256x1xf32>
    %eq3A_328 = vector.broadcast %slice3A_316 : vector<256x1xf32> to vector<256x128xf32>
    %eq3A_329 = arith.cmpf oeq, %div3A_65, %eq3A_328 : vector<256x128xf32>
    %and3A_330 = arith.andi %lt3A_52, %eq3A_329 : vector<256x128xi1>
    %lt3A_331 = arith.constant 6 : i32
    %lt3A_332 = vector.broadcast %lt3A_331 : i32 to vector<256x128xi32>
    %lt3A_333 = arith.cmpi slt, %iota3A, %lt3A_332 : vector<256x128xi32>
    %and3A_334 = arith.andi %and3A_330, %lt3A_333 : vector<256x128xi1>
    %jit3A_335 = arith.constant 1.000000e+00 : f32
    %jit3A_336 = arith.constant 0.000000e+00 : f32
    %broadcast_in_dim3A_337 = vector.broadcast %jit3A_335 : f32 to vector<256x128xf32>
    %broadcast_in_dim3A_338 = vector.broadcast %jit3A_336 : f32 to vector<256x128xf32>
    %select_n3A_339 = arith.select %and3A_334, %broadcast_in_dim3A_337, %broadcast_in_dim3A_338 : vector<256x128xi1>, vector<256x128xf32>
    %reduce_sum3A_340 = arith.constant dense<0.000000e+00> : vector<256xf32>
    %reduce_sum3A_341 = vector.multi_reduction <add>, %select_n3A_339, %reduce_sum3A_340 [1] : vector<256x128xf32> to vector<256xf32>
    %broadcast_in_dim3A_342 = vector.shape_cast %reduce_sum3A_341 : vector<256xf32> to vector<256x1xf32>
    %add3A_343 = arith.addf %broadcast_in_dim3A_327, %broadcast_in_dim3A_342 : vector<256x1xf32>
    %lt3A_344 = arith.constant 2.000000e+00 : f32
    %lt3A_345 = vector.broadcast %lt3A_344 : f32 to vector<256x1xf32>
    %lt3A_346 = arith.cmpf olt, %add3A_343, %lt3A_345 : vector<256x1xf32>
    %eq3A_347 = arith.constant 6 : i32
    %eq3A_348 = vector.broadcast %eq3A_347 : i32 to vector<256x128xi32>
    %eq3A_349 = arith.cmpi eq, %iota3A, %eq3A_348 : vector<256x128xi32>
    %and3A_350 = vector.broadcast %lt3A_346 : vector<256x1xi1> to vector<256x128xi1>
    %and3A_351 = arith.andi %eq3A_349, %and3A_350 : vector<256x128xi1>
    %jit3A_352 = arith.constant 1.000000e+00 : f32
    %jit3A_353 = arith.constant 0.000000e+00 : f32
    %broadcast_in_dim3A_354 = vector.broadcast %jit3A_352 : f32 to vector<256x128xf32>
    %broadcast_in_dim3A_355 = vector.broadcast %jit3A_353 : f32 to vector<256x128xf32>
    %select_n3A_356 = arith.select %and3A_351, %broadcast_in_dim3A_354, %broadcast_in_dim3A_355 : vector<256x128xi1>, vector<256x128xf32>
    %add3A_357 = arith.addf %add3A_315, %select_n3A_356 : vector<256x128xf32>
    %slice3A_358 = vector.extract_strided_slice %div3A_65 {offsets = [0, 7], sizes = [256, 1], strides = [1, 1]} : vector<256x128xf32> to vector<256x1xf32>
    %gt3A_359 = vector.broadcast %slice3A_358 : vector<256x1xf32> to vector<256x128xf32>
    %gt3A_360 = arith.cmpf ogt, %div3A_65, %gt3A_359 : vector<256x128xf32>
    %and3A_361 = arith.andi %lt3A_52, %gt3A_360 : vector<256x128xi1>
    %jit3A_362 = arith.constant 1.000000e+00 : f32
    %jit3A_363 = arith.constant 0.000000e+00 : f32
    %broadcast_in_dim3A_364 = vector.broadcast %jit3A_362 : f32 to vector<256x128xf32>
    %broadcast_in_dim3A_365 = vector.broadcast %jit3A_363 : f32 to vector<256x128xf32>
    %select_n3A_366 = arith.select %and3A_361, %broadcast_in_dim3A_364, %broadcast_in_dim3A_365 : vector<256x128xi1>, vector<256x128xf32>
    %reduce_sum3A_367 = arith.constant dense<0.000000e+00> : vector<256xf32>
    %reduce_sum3A_368 = vector.multi_reduction <add>, %select_n3A_366, %reduce_sum3A_367 [1] : vector<256x128xf32> to vector<256xf32>
    %broadcast_in_dim3A_369 = vector.shape_cast %reduce_sum3A_368 : vector<256xf32> to vector<256x1xf32>
    %eq3A_370 = vector.broadcast %slice3A_358 : vector<256x1xf32> to vector<256x128xf32>
    %eq3A_371 = arith.cmpf oeq, %div3A_65, %eq3A_370 : vector<256x128xf32>
    %and3A_372 = arith.andi %lt3A_52, %eq3A_371 : vector<256x128xi1>
    %lt3A_373 = arith.constant 7 : i32
    %lt3A_374 = vector.broadcast %lt3A_373 : i32 to vector<256x128xi32>
    %lt3A_375 = arith.cmpi slt, %iota3A, %lt3A_374 : vector<256x128xi32>
    %and3A_376 = arith.andi %and3A_372, %lt3A_375 : vector<256x128xi1>
    %jit3A_377 = arith.constant 1.000000e+00 : f32
    %jit3A_378 = arith.constant 0.000000e+00 : f32
    %broadcast_in_dim3A_379 = vector.broadcast %jit3A_377 : f32 to vector<256x128xf32>
    %broadcast_in_dim3A_380 = vector.broadcast %jit3A_378 : f32 to vector<256x128xf32>
    %select_n3A_381 = arith.select %and3A_376, %broadcast_in_dim3A_379, %broadcast_in_dim3A_380 : vector<256x128xi1>, vector<256x128xf32>
    %reduce_sum3A_382 = arith.constant dense<0.000000e+00> : vector<256xf32>
    %reduce_sum3A_383 = vector.multi_reduction <add>, %select_n3A_381, %reduce_sum3A_382 [1] : vector<256x128xf32> to vector<256xf32>
    %broadcast_in_dim3A_384 = vector.shape_cast %reduce_sum3A_383 : vector<256xf32> to vector<256x1xf32>
    %add3A_385 = arith.addf %broadcast_in_dim3A_369, %broadcast_in_dim3A_384 : vector<256x1xf32>
    %lt3A_386 = arith.constant 2.000000e+00 : f32
    %lt3A_387 = vector.broadcast %lt3A_386 : f32 to vector<256x1xf32>
    %lt3A_388 = arith.cmpf olt, %add3A_385, %lt3A_387 : vector<256x1xf32>
    %eq3A_389 = arith.constant 7 : i32
    %eq3A_390 = vector.broadcast %eq3A_389 : i32 to vector<256x128xi32>
    %eq3A_391 = arith.cmpi eq, %iota3A, %eq3A_390 : vector<256x128xi32>
    %and3A_392 = vector.broadcast %lt3A_388 : vector<256x1xi1> to vector<256x128xi1>
    %and3A_393 = arith.andi %eq3A_391, %and3A_392 : vector<256x128xi1>
    %jit3A_394 = arith.constant 1.000000e+00 : f32
    %jit3A_395 = arith.constant 0.000000e+00 : f32
    %broadcast_in_dim3A_396 = vector.broadcast %jit3A_394 : f32 to vector<256x128xf32>
    %broadcast_in_dim3A_397 = vector.broadcast %jit3A_395 : f32 to vector<256x128xf32>
    %select_n3A_398 = arith.select %and3A_393, %broadcast_in_dim3A_396, %broadcast_in_dim3A_397 : vector<256x128xi1>, vector<256x128xf32>
    %add3A_399 = arith.addf %add3A_357, %select_n3A_398 : vector<256x128xf32>
    %mul3A_400 = arith.mulf %add3A_399, %div3A_65 : vector<256x128xf32>
    %reduce_sum3A_401 = arith.constant dense<0.000000e+00> : vector<256xf32>
    %reduce_sum3A_402 = vector.multi_reduction <add>, %mul3A_400, %reduce_sum3A_401 [1] : vector<256x128xf32> to vector<256xf32>
    %broadcast_in_dim3A_403 = vector.shape_cast %reduce_sum3A_402 : vector<256xf32> to vector<256x1xf32>
    %mul3A_404 = arith.mulf %add3A_399, %div3A_65 : vector<256x128xf32>
    %div3A_405 = vector.broadcast %broadcast_in_dim3A_403 : vector<256x1xf32> to vector<256x128xf32>
    %div3A_406 = arith.divf %mul3A_404, %div3A_405 : vector<256x128xf32>
    %swap3A_407 = arith.constant 0 : index
    %swap3A_408 = arith.constant 0 : index
    %swap3A_409 = vector.load %arg10[%swap3A_407, %swap3A_408] : memref<256x128xf32, #tpu.memory_space<vmem>>, vector<256x128xf32>
    tpu.vector_store %arg10[%swap3A_407, %swap3A_408], %div3A_406 {strides = array<i32>} : memref<256x128xf32, #tpu.memory_space<vmem>>, vector<256x128xf32>,
    %jit3A_410 = arith.constant 9.99999997E-7 : f32
    %max3A = vector.broadcast %jit3A_410 : f32 to vector<256x128xf32>
    %max3A_411 = arith.maximumf %max3A, %div3A_65 : vector<256x128xf32>
    %log3A = math.log %max3A_411 : vector<256x128xf32>
    %mul3A_412 = arith.mulf %div3A_65, %log3A : vector<256x128xf32>
    %reduce_sum3A_413 = vector.shape_cast %mul3A_412 : vector<256x128xf32> to vector<1x256x128xf32>
    %reduce_sum3A_414 = arith.constant dense<0.000000e+00> : vector<1xf32>
    %reduce_sum3A_415 = vector.multi_reduction <add>, %reduce_sum3A_413, %reduce_sum3A_414 [1, 2] : vector<1x256x128xf32> to vector<1xf32>
    %reduce_sum3A_416 = vector.shape_cast %reduce_sum3A_415 : vector<1xf32> to vector<1x1x1xf32>
    %reduce_sum3A_417 = vector.extract %reduce_sum3A_416[0, 0, 0] : f32 from vector<1x1x1xf32>
    %neg3A = arith.constant 0.000000e+00 : f32
    %neg3A_418 = arith.subf %neg3A, %reduce_sum3A_417 : f32
    %div3A_419 = arith.constant 2.048000e+03 : f32
    %div3A_420 = arith.divf %neg3A_418, %div3A_419 : f32
    %eq3A_421 = arith.constant 0 : i32
    %eq3A_422 = arith.cmpi eq, %arg0, %eq3A_421 : i32
    %convert_element_type3A_423 = arith.extui %eq3A_422 : i1 to i32
    %cond3A = arith.constant 0 : i32
    %cond3A_424 = arith.cmpi ne, %convert_element_type3A_423, %cond3A : i32
    scf.if %cond3A_424 {
      %broadcast_in_dim3A_456 = arith.constant 0.000000e+00 : f32
      %broadcast_in_dim3A_457 = vector.broadcast %broadcast_in_dim3A_456 : f32 to vector<8x128xf32>
      %swap3A_458 = arith.constant 0 : index
      %swap3A_459 = arith.constant 0 : index
      %swap3A_460 = vector.load %arg11[%swap3A_458, %swap3A_459] : memref<8x128xf32, #tpu.memory_space<vmem>>, vector<8x128xf32>
      tpu.vector_store %arg11[%swap3A_458, %swap3A_459], %broadcast_in_dim3A_457 {strides = array<i32>} : memref<8x128xf32, #tpu.memory_space<vmem>>, vector<8x128xf32>,
      %broadcast_in_dim3A_461 = arith.constant 0.000000e+00 : f32
      %broadcast_in_dim3A_462 = vector.broadcast %broadcast_in_dim3A_461 : f32 to vector<8x128xf32>
      %swap3A_463 = arith.constant 0 : index
      %swap3A_464 = arith.constant 0 : index
      %swap3A_465 = vector.load %arg14[%swap3A_463, %swap3A_464] : memref<8x128xf32, #tpu.memory_space<vmem>>, vector<8x128xf32>
      tpu.vector_store %arg14[%swap3A_463, %swap3A_464], %broadcast_in_dim3A_462 {strides = array<i32>} : memref<8x128xf32, #tpu.memory_space<vmem>>, vector<8x128xf32>,
    } else {
    }
    %get3A_425 = arith.constant 0 : index
    %get3A_426 = arith.constant 0 : index
    %get3A_427 = vector.load %arg11[%get3A_425, %get3A_426] : memref<8x128xf32, #tpu.memory_space<vmem>>, vector<8x128xf32>
    %add3A_428 = vector.broadcast %div3A_420 : f32 to vector<8x128xf32>
    %add3A_429 = arith.addf %get3A_427, %add3A_428 : vector<8x128xf32>
    %swap3A_430 = arith.constant 0 : index
    %swap3A_431 = arith.constant 0 : index
    %swap3A_432 = vector.load %arg11[%swap3A_430, %swap3A_431] : memref<8x128xf32, #tpu.memory_space<vmem>>, vector<8x128xf32>
    tpu.vector_store %arg11[%swap3A_430, %swap3A_431], %add3A_429 {strides = array<i32>} : memref<8x128xf32, #tpu.memory_space<vmem>>, vector<8x128xf32>,
    %get3A_433 = arith.constant 0 : index
    %get3A_434 = arith.constant 0 : index
    %get3A_435 = vector.load %arg14[%get3A_433, %get3A_434] : memref<8x128xf32, #tpu.memory_space<vmem>>, vector<1x128xf32>
    %gt3A_436 = arith.constant 0.000000e+00 : f32
    %gt3A_437 = vector.broadcast %gt3A_436 : f32 to vector<256x128xf32>
    %gt3A_438 = arith.cmpf ogt, %div3A_406, %gt3A_437 : vector<256x128xf32>
    %jit3A_439 = arith.constant 1.000000e+00 : f32
    %jit3A_440 = arith.constant 0.000000e+00 : f32
    %broadcast_in_dim3A_441 = vector.broadcast %jit3A_439 : f32 to vector<256x128xf32>
    %broadcast_in_dim3A_442 = vector.broadcast %jit3A_440 : f32 to vector<256x128xf32>
    %select_n3A_443 = arith.select %gt3A_438, %broadcast_in_dim3A_441, %broadcast_in_dim3A_442 : vector<256x128xi1>, vector<256x128xf32>
    %reduce_sum3A_444 = arith.constant dense<0.000000e+00> : vector<128xf32>
    %reduce_sum3A_445 = vector.multi_reduction <add>, %select_n3A_443, %reduce_sum3A_444 [0] : vector<256x128xf32> to vector<128xf32>
    %broadcast_in_dim3A_446 = vector.shape_cast %reduce_sum3A_445 : vector<128xf32> to vector<1x128xf32>
    %add3A_447 = arith.addf %get3A_435, %broadcast_in_dim3A_446 : vector<1x128xf32>
    %swap3A_448 = arith.constant 0 : index
    %swap3A_449 = arith.constant 0 : index
    %swap3A_450 = vector.load %arg14[%swap3A_448, %swap3A_449] : memref<8x128xf32, #tpu.memory_space<vmem>>, vector<1x128xf32>
    tpu.vector_store %arg14[%swap3A_448, %swap3A_449], %add3A_447 {strides = array<i32>} : memref<8x128xf32, #tpu.memory_space<vmem>>, vector<1x128xf32>,
    %eq3A_451 = arith.constant 7 : i32
    %eq3A_452 = arith.cmpi eq, %arg0, %eq3A_451 : i32
    %convert_element_type3A_453 = arith.extui %eq3A_452 : i1 to i32
    %cond3A_454 = arith.constant 0 : i32
    %cond3A_455 = arith.cmpi ne, %convert_element_type3A_453, %cond3A_454 : i32
    scf.if %cond3A_455 {
      %get3A_456 = arith.constant 0 : index
      %get3A_457 = arith.constant 0 : index
      %get3A_458 = vector.load %arg14[%get3A_456, %get3A_457] : memref<8x128xf32, #tpu.memory_space<vmem>>, vector<1x128xf32>
      %convert_element_type3A_459 = arith.fptosi %get3A_458 : vector<1x128xf32> to vector<1x128xi32>
      %add3A_460 = arith.constant 127 : i32
      %add3A_461 = vector.broadcast %add3A_460 : i32 to vector<1x128xi32>
      %add3A_462 = arith.addi %convert_element_type3A_459, %add3A_461 : vector<1x128xi32>
      %jit3A_463 = arith.constant 128 : i32
      %div3A_464 = vector.broadcast %jit3A_463 : i32 to vector<1x128xi32>
      %div3A_465 = arith.divsi %add3A_462, %div3A_464 : vector<1x128xi32>
      %sign3A = arith.constant 0 : i32
      %sign3A_466 = vector.broadcast %sign3A : i32 to vector<1x128xi32>
      %sign3A_467 = arith.cmpi sgt, %add3A_462, %sign3A_466 : vector<1x128xi32>
      %sign3A_468 = arith.extui %sign3A_467 : vector<1x128xi1> to vector<1x128xi32>
      %sign3A_469 = arith.constant 0 : i32
      %sign3A_470 = vector.broadcast %sign3A_469 : i32 to vector<1x128xi32>
      %sign3A_471 = arith.cmpi slt, %add3A_462, %sign3A_470 : vector<1x128xi32>
      %sign3A_472 = arith.extui %sign3A_471 : vector<1x128xi1> to vector<1x128xi32>
      %sign3A_473 = arith.subi %sign3A_468, %sign3A_472 : vector<1x128xi32>
      %sign3A_474 = arith.constant 0 : i32
      %sign3A_475 = arith.cmpi sgt, %jit3A_463, %sign3A_474 : i32
      %sign3A_476 = arith.extui %sign3A_475 : i1 to i32
      %sign3A_477 = arith.constant 0 : i32
      %sign3A_478 = arith.cmpi slt, %jit3A_463, %sign3A_477 : i32
      %sign3A_479 = arith.extui %sign3A_478 : i1 to i32
      %sign3A_480 = arith.subi %sign3A_476, %sign3A_479 : i32
      %ne3A = vector.broadcast %sign3A_480 : i32 to vector<1x128xi32>
      %ne3A_481 = arith.cmpi ne, %sign3A_473, %ne3A : vector<1x128xi32>
      %rem3A = vector.broadcast %jit3A_463 : i32 to vector<1x128xi32>
      %rem3A_482 = arith.remsi %add3A_462, %rem3A : vector<1x128xi32>
      %ne3A_483 = arith.constant 0 : i32
      %ne3A_484 = vector.broadcast %ne3A_483 : i32 to vector<1x128xi32>
      %ne3A_485 = arith.cmpi ne, %rem3A_482, %ne3A_484 : vector<1x128xi32>
      %and3A_486 = arith.andi %ne3A_481, %ne3A_485 : vector<1x128xi1>
      %sub3A_487 = arith.constant 1 : i32
      %sub3A_488 = vector.broadcast %sub3A_487 : i32 to vector<1x128xi32>
      %sub3A_489 = arith.subi %div3A_465, %sub3A_488 : vector<1x128xi32>
      %select_n3A_490 = arith.select %and3A_486, %sub3A_489, %div3A_465 : vector<1x128xi1>, vector<1x128xi32>
      %mul3A_491 = arith.constant 128 : i32
      %mul3A_492 = vector.broadcast %mul3A_491 : i32 to vector<1x128xi32>
      %mul3A_493 = arith.muli %select_n3A_490, %mul3A_492 : vector<1x128xi32>
      %convert_element_type3A_494 = arith.sitofp %mul3A_493 : vector<1x128xi32> to vector<1x128xf32>
      %iota3A_495 = tpu.iota {dimensions = array<i32: 1>} : vector<1x128xi32>
      %broadcast_in_dim3A_496 = arith.constant 0.000000e+00 : f32
      %broadcast_in_dim3A_497 = vector.broadcast %broadcast_in_dim3A_496 : f32 to vector<1x128xf32>
      %lt3A_498 = arith.constant 0 : i32
      %lt3A_499 = vector.broadcast %lt3A_498 : i32 to vector<1x128xi32>
      %lt3A_500 = arith.cmpi slt, %iota3A_495, %lt3A_499 : vector<1x128xi32>
      %jit3A_501 = arith.constant 0.000000e+00 : f32
      %broadcast_in_dim3A_502 = vector.broadcast %jit3A_501 : f32 to vector<1x128xf32>
      %select_n3A_503 = arith.select %lt3A_500, %convert_element_type3A_494, %broadcast_in_dim3A_502 : vector<1x128xi1>, vector<1x128xf32>
      %reduce_sum3A_504 = arith.constant dense<0.000000e+00> : vector<1xf32>
      %reduce_sum3A_505 = vector.multi_reduction <add>, %select_n3A_503, %reduce_sum3A_504 [1] : vector<1x128xf32> to vector<1xf32>
      %broadcast_in_dim3A_506 = vector.shape_cast %reduce_sum3A_505 : vector<1xf32> to vector<1x1xf32>
      %eq3A_507 = arith.constant 0 : i32
      %eq3A_508 = vector.broadcast %eq3A_507 : i32 to vector<1x128xi32>
      %eq3A_509 = arith.cmpi eq, %iota3A_495, %eq3A_508 : vector<1x128xi32>
      %jit3A_510 = arith.constant 0.000000e+00 : f32
      %broadcast_in_dim3A_511 = vector.shape_cast %broadcast_in_dim3A_506 : vector<1x1xf32> to vector<1x1xf32>
      %broadcast_in_dim3A_512 = vector.broadcast %broadcast_in_dim3A_511 : vector<1x1xf32> to vector<1x128xf32>
      %broadcast_in_dim3A_513 = vector.broadcast %jit3A_510 : f32 to vector<1x128xf32>
      %select_n3A_514 = arith.select %eq3A_509, %broadcast_in_dim3A_512, %broadcast_in_dim3A_513 : vector<1x128xi1>, vector<1x128xf32>
      %add3A_515 = arith.addf %broadcast_in_dim3A_497, %select_n3A_514 : vector<1x128xf32>
      %lt3A_516 = arith.constant 1 : i32
      %lt3A_517 = vector.broadcast %lt3A_516 : i32 to vector<1x128xi32>
      %lt3A_518 = arith.cmpi slt, %iota3A_495, %lt3A_517 : vector<1x128xi32>
      %jit3A_519 = arith.constant 0.000000e+00 : f32
      %broadcast_in_dim3A_520 = vector.broadcast %jit3A_519 : f32 to vector<1x128xf32>
      %select_n3A_521 = arith.select %lt3A_518, %convert_element_type3A_494, %broadcast_in_dim3A_520 : vector<1x128xi1>, vector<1x128xf32>
      %reduce_sum3A_522 = arith.constant dense<0.000000e+00> : vector<1xf32>
      %reduce_sum3A_523 = vector.multi_reduction <add>, %select_n3A_521, %reduce_sum3A_522 [1] : vector<1x128xf32> to vector<1xf32>
      %broadcast_in_dim3A_524 = vector.shape_cast %reduce_sum3A_523 : vector<1xf32> to vector<1x1xf32>
      %eq3A_525 = arith.constant 1 : i32
      %eq3A_526 = vector.broadcast %eq3A_525 : i32 to vector<1x128xi32>
      %eq3A_527 = arith.cmpi eq, %iota3A_495, %eq3A_526 : vector<1x128xi32>
      %jit3A_528 = arith.constant 0.000000e+00 : f32
      %broadcast_in_dim3A_529 = vector.shape_cast %broadcast_in_dim3A_524 : vector<1x1xf32> to vector<1x1xf32>
      %broadcast_in_dim3A_530 = vector.broadcast %broadcast_in_dim3A_529 : vector<1x1xf32> to vector<1x128xf32>
      %broadcast_in_dim3A_531 = vector.broadcast %jit3A_528 : f32 to vector<1x128xf32>
      %select_n3A_532 = arith.select %eq3A_527, %broadcast_in_dim3A_530, %broadcast_in_dim3A_531 : vector<1x128xi1>, vector<1x128xf32>
      %add3A_533 = arith.addf %add3A_515, %select_n3A_532 : vector<1x128xf32>
      %lt3A_534 = arith.constant 2 : i32
      %lt3A_535 = vector.broadcast %lt3A_534 : i32 to vector<1x128xi32>
      %lt3A_536 = arith.cmpi slt, %iota3A_495, %lt3A_535 : vector<1x128xi32>
      %jit3A_537 = arith.constant 0.000000e+00 : f32
      %broadcast_in_dim3A_538 = vector.broadcast %jit3A_537 : f32 to vector<1x128xf32>
      %select_n3A_539 = arith.select %lt3A_536, %convert_element_type3A_494, %broadcast_in_dim3A_538 : vector<1x128xi1>, vector<1x128xf32>
      %reduce_sum3A_540 = arith.constant dense<0.000000e+00> : vector<1xf32>
      %reduce_sum3A_541 = vector.multi_reduction <add>, %select_n3A_539, %reduce_sum3A_540 [1] : vector<1x128xf32> to vector<1xf32>
      %broadcast_in_dim3A_542 = vector.shape_cast %reduce_sum3A_541 : vector<1xf32> to vector<1x1xf32>
      %eq3A_543 = arith.constant 2 : i32
      %eq3A_544 = vector.broadcast %eq3A_543 : i32 to vector<1x128xi32>
      %eq3A_545 = arith.cmpi eq, %iota3A_495, %eq3A_544 : vector<1x128xi32>
      %jit3A_546 = arith.constant 0.000000e+00 : f32
      %broadcast_in_dim3A_547 = vector.shape_cast %broadcast_in_dim3A_542 : vector<1x1xf32> to vector<1x1xf32>
      %broadcast_in_dim3A_548 = vector.broadcast %broadcast_in_dim3A_547 : vector<1x1xf32> to vector<1x128xf32>
      %broadcast_in_dim3A_549 = vector.broadcast %jit3A_546 : f32 to vector<1x128xf32>
      %select_n3A_550 = arith.select %eq3A_545, %broadcast_in_dim3A_548, %broadcast_in_dim3A_549 : vector<1x128xi1>, vector<1x128xf32>
      %add3A_551 = arith.addf %add3A_533, %select_n3A_550 : vector<1x128xf32>
      %lt3A_552 = arith.constant 3 : i32
      %lt3A_553 = vector.broadcast %lt3A_552 : i32 to vector<1x128xi32>
      %lt3A_554 = arith.cmpi slt, %iota3A_495, %lt3A_553 : vector<1x128xi32>
      %jit3A_555 = arith.constant 0.000000e+00 : f32
      %broadcast_in_dim3A_556 = vector.broadcast %jit3A_555 : f32 to vector<1x128xf32>
      %select_n3A_557 = arith.select %lt3A_554, %convert_element_type3A_494, %broadcast_in_dim3A_556 : vector<1x128xi1>, vector<1x128xf32>
      %reduce_sum3A_558 = arith.constant dense<0.000000e+00> : vector<1xf32>
      %reduce_sum3A_559 = vector.multi_reduction <add>, %select_n3A_557, %reduce_sum3A_558 [1] : vector<1x128xf32> to vector<1xf32>
      %broadcast_in_dim3A_560 = vector.shape_cast %reduce_sum3A_559 : vector<1xf32> to vector<1x1xf32>
      %eq3A_561 = arith.constant 3 : i32
      %eq3A_562 = vector.broadcast %eq3A_561 : i32 to vector<1x128xi32>
      %eq3A_563 = arith.cmpi eq, %iota3A_495, %eq3A_562 : vector<1x128xi32>
      %jit3A_564 = arith.constant 0.000000e+00 : f32
      %broadcast_in_dim3A_565 = vector.shape_cast %broadcast_in_dim3A_560 : vector<1x1xf32> to vector<1x1xf32>
      %broadcast_in_dim3A_566 = vector.broadcast %broadcast_in_dim3A_565 : vector<1x1xf32> to vector<1x128xf32>
      %broadcast_in_dim3A_567 = vector.broadcast %jit3A_564 : f32 to vector<1x128xf32>
      %select_n3A_568 = arith.select %eq3A_563, %broadcast_in_dim3A_566, %broadcast_in_dim3A_567 : vector<1x128xi1>, vector<1x128xf32>
      %add3A_569 = arith.addf %add3A_551, %select_n3A_568 : vector<1x128xf32>
      %lt3A_570 = arith.constant 4 : i32
      %lt3A_571 = vector.broadcast %lt3A_570 : i32 to vector<1x128xi32>
      %lt3A_572 = arith.cmpi slt, %iota3A_495, %lt3A_571 : vector<1x128xi32>
      %jit3A_573 = arith.constant 0.000000e+00 : f32
      %broadcast_in_dim3A_574 = vector.broadcast %jit3A_573 : f32 to vector<1x128xf32>
      %select_n3A_575 = arith.select %lt3A_572, %convert_element_type3A_494, %broadcast_in_dim3A_574 : vector<1x128xi1>, vector<1x128xf32>
      %reduce_sum3A_576 = arith.constant dense<0.000000e+00> : vector<1xf32>
      %reduce_sum3A_577 = vector.multi_reduction <add>, %select_n3A_575, %reduce_sum3A_576 [1] : vector<1x128xf32> to vector<1xf32>
      %broadcast_in_dim3A_578 = vector.shape_cast %reduce_sum3A_577 : vector<1xf32> to vector<1x1xf32>
      %eq3A_579 = arith.constant 4 : i32
      %eq3A_580 = vector.broadcast %eq3A_579 : i32 to vector<1x128xi32>
      %eq3A_581 = arith.cmpi eq, %iota3A_495, %eq3A_580 : vector<1x128xi32>
      %jit3A_582 = arith.constant 0.000000e+00 : f32
      %broadcast_in_dim3A_583 = vector.shape_cast %broadcast_in_dim3A_578 : vector<1x1xf32> to vector<1x1xf32>
      %broadcast_in_dim3A_584 = vector.broadcast %broadcast_in_dim3A_583 : vector<1x1xf32> to vector<1x128xf32>
      %broadcast_in_dim3A_585 = vector.broadcast %jit3A_582 : f32 to vector<1x128xf32>
      %select_n3A_586 = arith.select %eq3A_581, %broadcast_in_dim3A_584, %broadcast_in_dim3A_585 : vector<1x128xi1>, vector<1x128xf32>
      %add3A_587 = arith.addf %add3A_569, %select_n3A_586 : vector<1x128xf32>
      %lt3A_588 = arith.constant 5 : i32
      %lt3A_589 = vector.broadcast %lt3A_588 : i32 to vector<1x128xi32>
      %lt3A_590 = arith.cmpi slt, %iota3A_495, %lt3A_589 : vector<1x128xi32>
      %jit3A_591 = arith.constant 0.000000e+00 : f32
      %broadcast_in_dim3A_592 = vector.broadcast %jit3A_591 : f32 to vector<1x128xf32>
      %select_n3A_593 = arith.select %lt3A_590, %convert_element_type3A_494, %broadcast_in_dim3A_592 : vector<1x128xi1>, vector<1x128xf32>
      %reduce_sum3A_594 = arith.constant dense<0.000000e+00> : vector<1xf32>
      %reduce_sum3A_595 = vector.multi_reduction <add>, %select_n3A_593, %reduce_sum3A_594 [1] : vector<1x128xf32> to vector<1xf32>
      %broadcast_in_dim3A_596 = vector.shape_cast %reduce_sum3A_595 : vector<1xf32> to vector<1x1xf32>
      %eq3A_597 = arith.constant 5 : i32
      %eq3A_598 = vector.broadcast %eq3A_597 : i32 to vector<1x128xi32>
      %eq3A_599 = arith.cmpi eq, %iota3A_495, %eq3A_598 : vector<1x128xi32>
      %jit3A_600 = arith.constant 0.000000e+00 : f32
      %broadcast_in_dim3A_601 = vector.shape_cast %broadcast_in_dim3A_596 : vector<1x1xf32> to vector<1x1xf32>
      %broadcast_in_dim3A_602 = vector.broadcast %broadcast_in_dim3A_601 : vector<1x1xf32> to vector<1x128xf32>
      %broadcast_in_dim3A_603 = vector.broadcast %jit3A_600 : f32 to vector<1x128xf32>
      %select_n3A_604 = arith.select %eq3A_599, %broadcast_in_dim3A_602, %broadcast_in_dim3A_603 : vector<1x128xi1>, vector<1x128xf32>
      %add3A_605 = arith.addf %add3A_587, %select_n3A_604 : vector<1x128xf32>
      %lt3A_606 = arith.constant 6 : i32
      %lt3A_607 = vector.broadcast %lt3A_606 : i32 to vector<1x128xi32>
      %lt3A_608 = arith.cmpi slt, %iota3A_495, %lt3A_607 : vector<1x128xi32>
      %jit3A_609 = arith.constant 0.000000e+00 : f32
      %broadcast_in_dim3A_610 = vector.broadcast %jit3A_609 : f32 to vector<1x128xf32>
      %select_n3A_611 = arith.select %lt3A_608, %convert_element_type3A_494, %broadcast_in_dim3A_610 : vector<1x128xi1>, vector<1x128xf32>
      %reduce_sum3A_612 = arith.constant dense<0.000000e+00> : vector<1xf32>
      %reduce_sum3A_613 = vector.multi_reduction <add>, %select_n3A_611, %reduce_sum3A_612 [1] : vector<1x128xf32> to vector<1xf32>
      %broadcast_in_dim3A_614 = vector.shape_cast %reduce_sum3A_613 : vector<1xf32> to vector<1x1xf32>
      %eq3A_615 = arith.constant 6 : i32
      %eq3A_616 = vector.broadcast %eq3A_615 : i32 to vector<1x128xi32>
      %eq3A_617 = arith.cmpi eq, %iota3A_495, %eq3A_616 : vector<1x128xi32>
      %jit3A_618 = arith.constant 0.000000e+00 : f32
      %broadcast_in_dim3A_619 = vector.shape_cast %broadcast_in_dim3A_614 : vector<1x1xf32> to vector<1x1xf32>
      %broadcast_in_dim3A_620 = vector.broadcast %broadcast_in_dim3A_619 : vector<1x1xf32> to vector<1x128xf32>
      %broadcast_in_dim3A_621 = vector.broadcast %jit3A_618 : f32 to vector<1x128xf32>
      %select_n3A_622 = arith.select %eq3A_617, %broadcast_in_dim3A_620, %broadcast_in_dim3A_621 : vector<1x128xi1>, vector<1x128xf32>
      %add3A_623 = arith.addf %add3A_605, %select_n3A_622 : vector<1x128xf32>
      %lt3A_624 = arith.constant 7 : i32
      %lt3A_625 = vector.broadcast %lt3A_624 : i32 to vector<1x128xi32>
      %lt3A_626 = arith.cmpi slt, %iota3A_495, %lt3A_625 : vector<1x128xi32>
      %jit3A_627 = arith.constant 0.000000e+00 : f32
      %broadcast_in_dim3A_628 = vector.broadcast %jit3A_627 : f32 to vector<1x128xf32>
      %select_n3A_629 = arith.select %lt3A_626, %convert_element_type3A_494, %broadcast_in_dim3A_628 : vector<1x128xi1>, vector<1x128xf32>
      %reduce_sum3A_630 = arith.constant dense<0.000000e+00> : vector<1xf32>
      %reduce_sum3A_631 = vector.multi_reduction <add>, %select_n3A_629, %reduce_sum3A_630 [1] : vector<1x128xf32> to vector<1xf32>
      %broadcast_in_dim3A_632 = vector.shape_cast %reduce_sum3A_631 : vector<1xf32> to vector<1x1xf32>
      %eq3A_633 = arith.constant 7 : i32
      %eq3A_634 = vector.broadcast %eq3A_633 : i32 to vector<1x128xi32>
      %eq3A_635 = arith.cmpi eq, %iota3A_495, %eq3A_634 : vector<1x128xi32>
      %jit3A_636 = arith.constant 0.000000e+00 : f32
      %broadcast_in_dim3A_637 = vector.shape_cast %broadcast_in_dim3A_632 : vector<1x1xf32> to vector<1x1xf32>
      %broadcast_in_dim3A_638 = vector.broadcast %broadcast_in_dim3A_637 : vector<1x1xf32> to vector<1x128xf32>
      %broadcast_in_dim3A_639 = vector.broadcast %jit3A_636 : f32 to vector<1x128xf32>
      %select_n3A_640 = arith.select %eq3A_635, %broadcast_in_dim3A_638, %broadcast_in_dim3A_639 : vector<1x128xi1>, vector<1x128xf32>
      %add3A_641 = arith.addf %add3A_623, %select_n3A_640 : vector<1x128xf32>
      %broadcast_in_dim3A_642 = vector.shape_cast %add3A_641 : vector<1x128xf32> to vector<1x128xf32>
      %broadcast_in_dim3A_643 = vector.broadcast %broadcast_in_dim3A_642 : vector<1x128xf32> to vector<8x128xf32>
      %swap3A_644 = arith.constant 0 : index
      %swap3A_645 = arith.constant 0 : index
      %swap3A_646 = vector.load %arg12[%swap3A_644, %swap3A_645] : memref<8x128xf32, #tpu.memory_space<vmem>>, vector<8x128xf32>
      tpu.vector_store %arg12[%swap3A_644, %swap3A_645], %broadcast_in_dim3A_643 {strides = array<i32>} : memref<8x128xf32, #tpu.memory_space<vmem>>, vector<8x128xf32>,
      %add3A_647 = arith.addf %add3A_641, %convert_element_type3A_494 : vector<1x128xf32>
      %iota3A_648 = tpu.iota {dimensions = array<i32: 1>} : vector<1x128xi32>
      %mul3A_649 = arith.constant 128 : i32
      %mul3A_650 = vector.broadcast %mul3A_649 : i32 to vector<1x128xi32>
      %mul3A_651 = arith.muli %iota3A_648, %mul3A_650 : vector<1x128xi32>
      %convert_element_type3A_652 = arith.sitofp %mul3A_651 : vector<1x128xi32> to vector<1x128xf32>
      %broadcast_in_dim3A_653 = arith.constant 0 : i32
      %broadcast_in_dim3A_654 = vector.broadcast %broadcast_in_dim3A_653 : i32 to vector<1x128xi32>
      %eq3A_655 = arith.constant 0 : i32
      %eq3A_656 = vector.broadcast %eq3A_655 : i32 to vector<1x128xi32>
      %eq3A_657 = arith.cmpi eq, %iota3A_495, %eq3A_656 : vector<1x128xi32>
      %jit3A_658 = arith.constant 0.000000e+00 : f32
      %broadcast_in_dim3A_659 = vector.broadcast %jit3A_658 : f32 to vector<1x128xf32>
      %select_n3A_660 = arith.select %eq3A_657, %add3A_647, %broadcast_in_dim3A_659 : vector<1x128xi1>, vector<1x128xf32>
      %reduce_sum3A_661 = arith.constant dense<0.000000e+00> : vector<1xf32>
      %reduce_sum3A_662 = vector.multi_reduction <add>, %select_n3A_660, %reduce_sum3A_661 [1] : vector<1x128xf32> to vector<1xf32>
      %broadcast_in_dim3A_663 = vector.shape_cast %reduce_sum3A_662 : vector<1xf32> to vector<1x1xf32>
      %ge3A = vector.broadcast %broadcast_in_dim3A_663 : vector<1x1xf32> to vector<1x128xf32>
      %ge3A_664 = arith.cmpf oge, %convert_element_type3A_652, %ge3A : vector<1x128xf32>
      %jit3A_665 = arith.constant 1 : i32
      %jit3A_666 = arith.constant 0 : i32
      %broadcast_in_dim3A_667 = vector.broadcast %jit3A_665 : i32 to vector<1x128xi32>
      %broadcast_in_dim3A_668 = vector.broadcast %jit3A_666 : i32 to vector<1x128xi32>
      %select_n3A_669 = arith.select %ge3A_664, %broadcast_in_dim3A_667, %broadcast_in_dim3A_668 : vector<1x128xi1>, vector<1x128xi32>
      %add3A_670 = arith.addi %broadcast_in_dim3A_654, %select_n3A_669 : vector<1x128xi32>
      %eq3A_671 = arith.constant 1 : i32
      %eq3A_672 = vector.broadcast %eq3A_671 : i32 to vector<1x128xi32>
      %eq3A_673 = arith.cmpi eq, %iota3A_495, %eq3A_672 : vector<1x128xi32>
      %jit3A_674 = arith.constant 0.000000e+00 : f32
      %broadcast_in_dim3A_675 = vector.broadcast %jit3A_674 : f32 to vector<1x128xf32>
      %select_n3A_676 = arith.select %eq3A_673, %add3A_647, %broadcast_in_dim3A_675 : vector<1x128xi1>, vector<1x128xf32>
      %reduce_sum3A_677 = arith.constant dense<0.000000e+00> : vector<1xf32>
      %reduce_sum3A_678 = vector.multi_reduction <add>, %select_n3A_676, %reduce_sum3A_677 [1] : vector<1x128xf32> to vector<1xf32>
      %broadcast_in_dim3A_679 = vector.shape_cast %reduce_sum3A_678 : vector<1xf32> to vector<1x1xf32>
      %ge3A_680 = vector.broadcast %broadcast_in_dim3A_679 : vector<1x1xf32> to vector<1x128xf32>
      %ge3A_681 = arith.cmpf oge, %convert_element_type3A_652, %ge3A_680 : vector<1x128xf32>
      %jit3A_682 = arith.constant 1 : i32
      %jit3A_683 = arith.constant 0 : i32
      %broadcast_in_dim3A_684 = vector.broadcast %jit3A_682 : i32 to vector<1x128xi32>
      %broadcast_in_dim3A_685 = vector.broadcast %jit3A_683 : i32 to vector<1x128xi32>
      %select_n3A_686 = arith.select %ge3A_681, %broadcast_in_dim3A_684, %broadcast_in_dim3A_685 : vector<1x128xi1>, vector<1x128xi32>
      %add3A_687 = arith.addi %add3A_670, %select_n3A_686 : vector<1x128xi32>
      %eq3A_688 = arith.constant 2 : i32
      %eq3A_689 = vector.broadcast %eq3A_688 : i32 to vector<1x128xi32>
      %eq3A_690 = arith.cmpi eq, %iota3A_495, %eq3A_689 : vector<1x128xi32>
      %jit3A_691 = arith.constant 0.000000e+00 : f32
      %broadcast_in_dim3A_692 = vector.broadcast %jit3A_691 : f32 to vector<1x128xf32>
      %select_n3A_693 = arith.select %eq3A_690, %add3A_647, %broadcast_in_dim3A_692 : vector<1x128xi1>, vector<1x128xf32>
      %reduce_sum3A_694 = arith.constant dense<0.000000e+00> : vector<1xf32>
      %reduce_sum3A_695 = vector.multi_reduction <add>, %select_n3A_693, %reduce_sum3A_694 [1] : vector<1x128xf32> to vector<1xf32>
      %broadcast_in_dim3A_696 = vector.shape_cast %reduce_sum3A_695 : vector<1xf32> to vector<1x1xf32>
      %ge3A_697 = vector.broadcast %broadcast_in_dim3A_696 : vector<1x1xf32> to vector<1x128xf32>
      %ge3A_698 = arith.cmpf oge, %convert_element_type3A_652, %ge3A_697 : vector<1x128xf32>
      %jit3A_699 = arith.constant 1 : i32
      %jit3A_700 = arith.constant 0 : i32
      %broadcast_in_dim3A_701 = vector.broadcast %jit3A_699 : i32 to vector<1x128xi32>
      %broadcast_in_dim3A_702 = vector.broadcast %jit3A_700 : i32 to vector<1x128xi32>
      %select_n3A_703 = arith.select %ge3A_698, %broadcast_in_dim3A_701, %broadcast_in_dim3A_702 : vector<1x128xi1>, vector<1x128xi32>
      %add3A_704 = arith.addi %add3A_687, %select_n3A_703 : vector<1x128xi32>
      %eq3A_705 = arith.constant 3 : i32
      %eq3A_706 = vector.broadcast %eq3A_705 : i32 to vector<1x128xi32>
      %eq3A_707 = arith.cmpi eq, %iota3A_495, %eq3A_706 : vector<1x128xi32>
      %jit3A_708 = arith.constant 0.000000e+00 : f32
      %broadcast_in_dim3A_709 = vector.broadcast %jit3A_708 : f32 to vector<1x128xf32>
      %select_n3A_710 = arith.select %eq3A_707, %add3A_647, %broadcast_in_dim3A_709 : vector<1x128xi1>, vector<1x128xf32>
      %reduce_sum3A_711 = arith.constant dense<0.000000e+00> : vector<1xf32>
      %reduce_sum3A_712 = vector.multi_reduction <add>, %select_n3A_710, %reduce_sum3A_711 [1] : vector<1x128xf32> to vector<1xf32>
      %broadcast_in_dim3A_713 = vector.shape_cast %reduce_sum3A_712 : vector<1xf32> to vector<1x1xf32>
      %ge3A_714 = vector.broadcast %broadcast_in_dim3A_713 : vector<1x1xf32> to vector<1x128xf32>
      %ge3A_715 = arith.cmpf oge, %convert_element_type3A_652, %ge3A_714 : vector<1x128xf32>
      %jit3A_716 = arith.constant 1 : i32
      %jit3A_717 = arith.constant 0 : i32
      %broadcast_in_dim3A_718 = vector.broadcast %jit3A_716 : i32 to vector<1x128xi32>
      %broadcast_in_dim3A_719 = vector.broadcast %jit3A_717 : i32 to vector<1x128xi32>
      %select_n3A_720 = arith.select %ge3A_715, %broadcast_in_dim3A_718, %broadcast_in_dim3A_719 : vector<1x128xi1>, vector<1x128xi32>
      %add3A_721 = arith.addi %add3A_704, %select_n3A_720 : vector<1x128xi32>
      %eq3A_722 = arith.constant 4 : i32
      %eq3A_723 = vector.broadcast %eq3A_722 : i32 to vector<1x128xi32>
      %eq3A_724 = arith.cmpi eq, %iota3A_495, %eq3A_723 : vector<1x128xi32>
      %jit3A_725 = arith.constant 0.000000e+00 : f32
      %broadcast_in_dim3A_726 = vector.broadcast %jit3A_725 : f32 to vector<1x128xf32>
      %select_n3A_727 = arith.select %eq3A_724, %add3A_647, %broadcast_in_dim3A_726 : vector<1x128xi1>, vector<1x128xf32>
      %reduce_sum3A_728 = arith.constant dense<0.000000e+00> : vector<1xf32>
      %reduce_sum3A_729 = vector.multi_reduction <add>, %select_n3A_727, %reduce_sum3A_728 [1] : vector<1x128xf32> to vector<1xf32>
      %broadcast_in_dim3A_730 = vector.shape_cast %reduce_sum3A_729 : vector<1xf32> to vector<1x1xf32>
      %ge3A_731 = vector.broadcast %broadcast_in_dim3A_730 : vector<1x1xf32> to vector<1x128xf32>
      %ge3A_732 = arith.cmpf oge, %convert_element_type3A_652, %ge3A_731 : vector<1x128xf32>
      %jit3A_733 = arith.constant 1 : i32
      %jit3A_734 = arith.constant 0 : i32
      %broadcast_in_dim3A_735 = vector.broadcast %jit3A_733 : i32 to vector<1x128xi32>
      %broadcast_in_dim3A_736 = vector.broadcast %jit3A_734 : i32 to vector<1x128xi32>
      %select_n3A_737 = arith.select %ge3A_732, %broadcast_in_dim3A_735, %broadcast_in_dim3A_736 : vector<1x128xi1>, vector<1x128xi32>
      %add3A_738 = arith.addi %add3A_721, %select_n3A_737 : vector<1x128xi32>
      %eq3A_739 = arith.constant 5 : i32
      %eq3A_740 = vector.broadcast %eq3A_739 : i32 to vector<1x128xi32>
      %eq3A_741 = arith.cmpi eq, %iota3A_495, %eq3A_740 : vector<1x128xi32>
      %jit3A_742 = arith.constant 0.000000e+00 : f32
      %broadcast_in_dim3A_743 = vector.broadcast %jit3A_742 : f32 to vector<1x128xf32>
      %select_n3A_744 = arith.select %eq3A_741, %add3A_647, %broadcast_in_dim3A_743 : vector<1x128xi1>, vector<1x128xf32>
      %reduce_sum3A_745 = arith.constant dense<0.000000e+00> : vector<1xf32>
      %reduce_sum3A_746 = vector.multi_reduction <add>, %select_n3A_744, %reduce_sum3A_745 [1] : vector<1x128xf32> to vector<1xf32>
      %broadcast_in_dim3A_747 = vector.shape_cast %reduce_sum3A_746 : vector<1xf32> to vector<1x1xf32>
      %ge3A_748 = vector.broadcast %broadcast_in_dim3A_747 : vector<1x1xf32> to vector<1x128xf32>
      %ge3A_749 = arith.cmpf oge, %convert_element_type3A_652, %ge3A_748 : vector<1x128xf32>
      %jit3A_750 = arith.constant 1 : i32
      %jit3A_751 = arith.constant 0 : i32
      %broadcast_in_dim3A_752 = vector.broadcast %jit3A_750 : i32 to vector<1x128xi32>
      %broadcast_in_dim3A_753 = vector.broadcast %jit3A_751 : i32 to vector<1x128xi32>
      %select_n3A_754 = arith.select %ge3A_749, %broadcast_in_dim3A_752, %broadcast_in_dim3A_753 : vector<1x128xi1>, vector<1x128xi32>
      %add3A_755 = arith.addi %add3A_738, %select_n3A_754 : vector<1x128xi32>
      %eq3A_756 = arith.constant 6 : i32
      %eq3A_757 = vector.broadcast %eq3A_756 : i32 to vector<1x128xi32>
      %eq3A_758 = arith.cmpi eq, %iota3A_495, %eq3A_757 : vector<1x128xi32>
      %jit3A_759 = arith.constant 0.000000e+00 : f32
      %broadcast_in_dim3A_760 = vector.broadcast %jit3A_759 : f32 to vector<1x128xf32>
      %select_n3A_761 = arith.select %eq3A_758, %add3A_647, %broadcast_in_dim3A_760 : vector<1x128xi1>, vector<1x128xf32>
      %reduce_sum3A_762 = arith.constant dense<0.000000e+00> : vector<1xf32>
      %reduce_sum3A_763 = vector.multi_reduction <add>, %select_n3A_761, %reduce_sum3A_762 [1] : vector<1x128xf32> to vector<1xf32>
      %broadcast_in_dim3A_764 = vector.shape_cast %reduce_sum3A_763 : vector<1xf32> to vector<1x1xf32>
      %ge3A_765 = vector.broadcast %broadcast_in_dim3A_764 : vector<1x1xf32> to vector<1x128xf32>
      %ge3A_766 = arith.cmpf oge, %convert_element_type3A_652, %ge3A_765 : vector<1x128xf32>
      %jit3A_767 = arith.constant 1 : i32
      %jit3A_768 = arith.constant 0 : i32
      %broadcast_in_dim3A_769 = vector.broadcast %jit3A_767 : i32 to vector<1x128xi32>
      %broadcast_in_dim3A_770 = vector.broadcast %jit3A_768 : i32 to vector<1x128xi32>
      %select_n3A_771 = arith.select %ge3A_766, %broadcast_in_dim3A_769, %broadcast_in_dim3A_770 : vector<1x128xi1>, vector<1x128xi32>
      %add3A_772 = arith.addi %add3A_755, %select_n3A_771 : vector<1x128xi32>
      %eq3A_773 = arith.constant 7 : i32
      %eq3A_774 = vector.broadcast %eq3A_773 : i32 to vector<1x128xi32>
      %eq3A_775 = arith.cmpi eq, %iota3A_495, %eq3A_774 : vector<1x128xi32>
      %jit3A_776 = arith.constant 0.000000e+00 : f32
      %broadcast_in_dim3A_777 = vector.broadcast %jit3A_776 : f32 to vector<1x128xf32>
      %select_n3A_778 = arith.select %eq3A_775, %add3A_647, %broadcast_in_dim3A_777 : vector<1x128xi1>, vector<1x128xf32>
      %reduce_sum3A_779 = arith.constant dense<0.000000e+00> : vector<1xf32>
      %reduce_sum3A_780 = vector.multi_reduction <add>, %select_n3A_778, %reduce_sum3A_779 [1] : vector<1x128xf32> to vector<1xf32>
      %broadcast_in_dim3A_781 = vector.shape_cast %reduce_sum3A_780 : vector<1xf32> to vector<1x1xf32>
      %ge3A_782 = vector.broadcast %broadcast_in_dim3A_781 : vector<1x1xf32> to vector<1x128xf32>
      %ge3A_783 = arith.cmpf oge, %convert_element_type3A_652, %ge3A_782 : vector<1x128xf32>
      %jit3A_784 = arith.constant 1 : i32
      %jit3A_785 = arith.constant 0 : i32
      %broadcast_in_dim3A_786 = vector.broadcast %jit3A_784 : i32 to vector<1x128xi32>
      %broadcast_in_dim3A_787 = vector.broadcast %jit3A_785 : i32 to vector<1x128xi32>
      %select_n3A_788 = arith.select %ge3A_783, %broadcast_in_dim3A_786, %broadcast_in_dim3A_787 : vector<1x128xi1>, vector<1x128xi32>
      %add3A_789 = arith.addi %add3A_772, %select_n3A_788 : vector<1x128xi32>
      %min3A = arith.constant 7 : i32
      %min3A_790 = vector.broadcast %min3A : i32 to vector<1x128xi32>
      %min3A_791 = arith.minsi %add3A_789, %min3A_790 : vector<1x128xi32>
      %broadcast_in_dim3A_792 = vector.shape_cast %min3A_791 : vector<1x128xi32> to vector<1x128xi32>
      %broadcast_in_dim3A_793 = vector.broadcast %broadcast_in_dim3A_792 : vector<1x128xi32> to vector<8x128xi32>
      %swap3A_794 = arith.constant 0 : index
      %swap3A_795 = arith.constant 0 : index
      %swap3A_796 = vector.load %arg13[%swap3A_794, %swap3A_795] : memref<8x128xi32, #tpu.memory_space<vmem>>, vector<8x128xi32>
      tpu.vector_store %arg13[%swap3A_794, %swap3A_795], %broadcast_in_dim3A_793 {strides = array<i32>} : memref<8x128xi32, #tpu.memory_space<vmem>>, vector<8x128xi32>,
    } else {
    }
    return
  }
  func.func @transform_0(%arg0: i32) -> (i32, i32) {
    %c0_i32 = arith.constant 0 : i32
    %c0_i32_0 = arith.constant 0 : i32
    return %arg0, %c0_i32 : i32, i32
  }
  func.func @transform_1(%arg0: i32) -> (i32, i32) {
    %c0_i32 = arith.constant 0 : i32
    %c0_i32_0 = arith.constant 0 : i32
    return %arg0, %c0_i32 : i32, i32
  }
  func.func @transform_2(%arg0: i32) -> (i32, i32) {
    %c0_i32 = arith.constant 0 : i32
    %c0_i32_0 = arith.constant 0 : i32
    %c0_i32_1 = arith.constant 0 : i32
    return %c0_i32, %c0_i32_0 : i32, i32
  }
  func.func @transform_3(%arg0: i32) -> (i32, i32) {
    %c0_i32 = arith.constant 0 : i32
    %c0_i32_0 = arith.constant 0 : i32
    %c0_i32_1 = arith.constant 0 : i32
    return %c0_i32, %c0_i32_0 : i32, i32
  }
  func.func @transform_4(%arg0: i32) -> (i32, i32) {
    %c0_i32 = arith.constant 0 : i32
    %c0_i32_0 = arith.constant 0 : i32
    %c0_i32_1 = arith.constant 0 : i32
    return %c0_i32, %c0_i32_0 : i32, i32
  }
  func.func @transform_5(%arg0: i32) -> (i32, i32) {
    %c0_i32 = arith.constant 0 : i32
    %c0_i32_0 = arith.constant 0 : i32
    %c0_i32_1 = arith.constant 0 : i32
    return %c0_i32, %c0_i32_0 : i32, i32
  }
  func.func @transform_6(%arg0: i32) -> (i32, i32) {
    %c0_i32 = arith.constant 0 : i32
    %c0_i32_0 = arith.constant 0 : i32
    return %arg0, %c0_i32 : i32, i32
  }
  func.func @transform_7(%arg0: i32) -> (i32, i32) {
    %c0_i32 = arith.constant 0 : i32
    %c0_i32_0 = arith.constant 0 : i32
    return %arg0, %c0_i32 : i32, i32
  }
  func.func @transform_8(%arg0: i32) -> (i32, i32) {
    %c0_i32 = arith.constant 0 : i32
    %c0_i32_0 = arith.constant 0 : i32
    return %arg0, %c0_i32 : i32, i32
  }
  func.func @transform_9(%arg0: i32) -> (i32, i32) {
    %c0_i32 = arith.constant 0 : i32
    %c0_i32_0 = arith.constant 0 : i32
    return %arg0, %c0_i32 : i32, i32
  }
  func.func @transform_10(%arg0: i32) -> (i32, i32) {
    %c0_i32 = arith.constant 0 : i32
    %c0_i32_0 = arith.constant 0 : i32
    %c0_i32_1 = arith.constant 0 : i32
    return %c0_i32, %c0_i32_0 : i32, i32
  }
  func.func @transform_11(%arg0: i32) -> (i32, i32) {
    %c0_i32 = arith.constant 0 : i32
    %c0_i32_0 = arith.constant 0 : i32
    %c0_i32_1 = arith.constant 0 : i32
    return %c0_i32, %c0_i32_0 : i32, i32
  }
  func.func @transform_12(%arg0: i32) -> (i32, i32) {
    %c0_i32 = arith.constant 0 : i32
    %c0_i32_0 = arith.constant 0 : i32
    %c0_i32_1 = arith.constant 0 : i32
    return %c0_i32, %c0_i32_0 : i32, i32
  }
}

module attributes {stable_mosaic.version = 14 : i64} {
  func.func @_route_kernel(%arg0: i32, %arg1: memref<256x128xf32, #tpu.memory_space<vmem>>, %arg2: memref<8x128xf32, #tpu.memory_space<vmem>>, %arg3: memref<256x128xi32, #tpu.memory_space<vmem>>, %arg4: memref<256x128xi32, #tpu.memory_space<vmem>>, %arg5: memref<256x128xf32, #tpu.memory_space<vmem>>, %arg6: memref<256x128xf32, #tpu.memory_space<vmem>>, %arg7: memref<8x128xf32, #tpu.memory_space<vmem>>) attributes {dimension_semantics = [#tpu.dimension_semantics<arbitrary>], iteration_bounds = array<i64: 8>, scalar_prefetch = 0 : i64, scratch_operands = 1 : i64, tpu.core_type = #tpu.core_type<tc>, window_params = [{transform_indices = @transform_0, window_bounds = array<i64: 256, 128>}, {pipeline_mode = #tpu.pipeline_mode<synchronous>, transform_indices = @transform_1, window_bounds = array<i64: 8, 128>}, {transform_indices = @transform_2, window_bounds = array<i64: 256, 128>}, {transform_indices = @transform_3, window_bounds = array<i64: 256, 128>}, {transform_indices = @transform_4, window_bounds = array<i64: 256, 128>}, {transform_indices = @transform_5, window_bounds = array<i64: 256, 128>}]} {
    %get3A = arith.constant 0 : index
    %get3A_0 = arith.constant 0 : index
    %get3A_1 = vector.load %arg1[%get3A, %get3A_0] : memref<256x128xf32, #tpu.memory_space<vmem>>, vector<256x128xf32>
    %iota3A = tpu.iota {dimensions = array<i32: 1>} : vector<256x128xi32>
    %gt3A = arith.constant 0.000000e+00 : f32
    %gt3A_2 = vector.broadcast %gt3A : f32 to vector<256x128xf32>
    %gt3A_3 = arith.cmpf ogt, %get3A_1, %gt3A_2 : vector<256x128xf32>
    %lt3A = arith.constant 8 : i32
    %lt3A_4 = vector.broadcast %lt3A : i32 to vector<256x128xi32>
    %lt3A_5 = arith.cmpi slt, %iota3A, %lt3A_4 : vector<256x128xi32>
    %and3A = arith.andi %gt3A_3, %lt3A_5 : vector<256x128xi1>
    %jit3A = arith.constant 1.000000e+00 : f32
    %jit3A_6 = arith.constant 0.000000e+00 : f32
    %broadcast_in_dim3A = vector.broadcast %jit3A : f32 to vector<256x128xf32>
    %broadcast_in_dim3A_7 = vector.broadcast %jit3A_6 : f32 to vector<256x128xf32>
    %select_n3A = arith.select %and3A, %broadcast_in_dim3A, %broadcast_in_dim3A_7 : vector<256x128xi1>, vector<256x128xf32>
    %eq3A = arith.constant 0 : i32
    %eq3A_8 = arith.cmpi eq, %arg0, %eq3A : i32
    %convert_element_type3A = arith.extui %eq3A_8 : i1 to i32
    %cond3A = arith.constant 0 : i32
    %cond3A_9 = arith.cmpi ne, %convert_element_type3A, %cond3A : i32
    scf.if %cond3A_9 {
      %broadcast_in_dim3A_103 = arith.constant 0.000000e+00 : f32
      %broadcast_in_dim3A_104 = vector.broadcast %broadcast_in_dim3A_103 : f32 to vector<8x128xf32>
      %swap3A_105 = arith.constant 0 : index
      %swap3A_106 = arith.constant 0 : index
      %swap3A_107 = vector.load %arg7[%swap3A_105, %swap3A_106] : memref<8x128xf32, #tpu.memory_space<vmem>>, vector<8x128xf32>
      tpu.vector_store %arg7[%swap3A_105, %swap3A_106], %broadcast_in_dim3A_104 {strides = array<i32>} : memref<8x128xf32, #tpu.memory_space<vmem>>, vector<8x128xf32>,
    } else {
    }
    %get3A_10 = arith.constant 0 : index
    %get3A_11 = arith.constant 0 : index
    %get3A_12 = vector.load %arg7[%get3A_10, %get3A_11] : memref<8x128xf32, #tpu.memory_space<vmem>>, vector<1x128xf32>
    %reduce_sum3A = arith.constant dense<0.000000e+00> : vector<128xf32>
    %reduce_sum3A_13 = vector.multi_reduction <add>, %select_n3A, %reduce_sum3A [0] : vector<256x128xf32> to vector<128xf32>
    %broadcast_in_dim3A_14 = vector.shape_cast %reduce_sum3A_13 : vector<128xf32> to vector<1x128xf32>
    %add3A = arith.addf %get3A_12, %broadcast_in_dim3A_14 : vector<1x128xf32>
    %swap3A = arith.constant 0 : index
    %swap3A_15 = arith.constant 0 : index
    %swap3A_16 = vector.load %arg7[%swap3A, %swap3A_15] : memref<8x128xf32, #tpu.memory_space<vmem>>, vector<1x128xf32>
    tpu.vector_store %arg7[%swap3A, %swap3A_15], %add3A {strides = array<i32>} : memref<8x128xf32, #tpu.memory_space<vmem>>, vector<1x128xf32>,
    %iota3A_17 = tpu.iota {dimensions = array<i32: 0>} : vector<256x256xi32>
    %iota3A_18 = tpu.iota {dimensions = array<i32: 1>} : vector<256x256xi32>
    %gt3A_19 = arith.cmpi sgt, %iota3A_17, %iota3A_18 : vector<256x256xi32>
    %jit3A_20 = arith.constant 1.000000e+00 : f32
    %jit3A_21 = arith.constant 0.000000e+00 : f32
    %broadcast_in_dim3A_22 = vector.broadcast %jit3A_20 : f32 to vector<256x256xf32>
    %broadcast_in_dim3A_23 = vector.broadcast %jit3A_21 : f32 to vector<256x256xf32>
    %select_n3A_24 = arith.select %gt3A_19, %broadcast_in_dim3A_22, %broadcast_in_dim3A_23 : vector<256x256xi1>, vector<256x256xf32>
    %dot_general3A = arith.constant dense<0.000000e+00> : vector<256x128xf32>
    %dot_general3A_25 = tpu.matmul %select_n3A_24, %select_n3A, %dot_general3A {dimension_numbers = #tpu.dot_dimension_numbers<[1], [0], [0], [1], [0, 0, 1, 1], [], []>, transpose_lhs_hint = false} : vector<256x256xf32>, vector<256x128xf32>, vector<256x128xf32> -> vector<256x128xf32>
    %get3A_26 = arith.constant 0 : index
    %get3A_27 = arith.constant 0 : index
    %get3A_28 = vector.load %arg2[%get3A_26, %get3A_27] : memref<8x128xf32, #tpu.memory_space<vmem>>, vector<1x128xf32>
    %add3A_29 = arith.addf %get3A_28, %get3A_12 : vector<1x128xf32>
    %add3A_30 = vector.broadcast %add3A_29 : vector<1x128xf32> to vector<256x128xf32>
    %add3A_31 = arith.addf %add3A_30, %dot_general3A_25 : vector<256x128xf32>
    %jit3A_32 = arith.constant 99 : i32
    %broadcast_in_dim3A_33 = vector.broadcast %jit3A_32 : i32 to vector<256x128xi32>
    %select_n3A_34 = arith.select %and3A, %iota3A, %broadcast_in_dim3A_33 : vector<256x128xi1>, vector<256x128xi32>
    %reduce_min3A = arith.constant dense<2147483647> : vector<256xi32>
    %reduce_min3A_35 = vector.multi_reduction <minsi>, %select_n3A_34, %reduce_min3A [1] : vector<256x128xi32> to vector<256xi32>
    %broadcast_in_dim3A_36 = vector.shape_cast %reduce_min3A_35 : vector<256xi32> to vector<256x1xi32>
    %eq3A_37 = vector.broadcast %broadcast_in_dim3A_36 : vector<256x1xi32> to vector<256x128xi32>
    %eq3A_38 = arith.cmpi eq, %iota3A, %eq3A_37 : vector<256x128xi32>
    %and3A_39 = arith.andi %and3A, %eq3A_38 : vector<256x128xi1>
    %gt3A_40 = vector.broadcast %broadcast_in_dim3A_36 : vector<256x1xi32> to vector<256x128xi32>
    %gt3A_41 = arith.cmpi sgt, %iota3A, %gt3A_40 : vector<256x128xi32>
    %and3A_42 = arith.andi %and3A, %gt3A_41 : vector<256x128xi1>
    %jit3A_43 = arith.constant 99 : i32
    %broadcast_in_dim3A_44 = vector.broadcast %jit3A_43 : i32 to vector<256x128xi32>
    %select_n3A_45 = arith.select %and3A_42, %iota3A, %broadcast_in_dim3A_44 : vector<256x128xi1>, vector<256x128xi32>
    %reduce_min3A_46 = arith.constant dense<2147483647> : vector<256xi32>
    %reduce_min3A_47 = vector.multi_reduction <minsi>, %select_n3A_45, %reduce_min3A_46 [1] : vector<256x128xi32> to vector<256xi32>
    %broadcast_in_dim3A_48 = vector.shape_cast %reduce_min3A_47 : vector<256xi32> to vector<256x1xi32>
    %eq3A_49 = vector.broadcast %broadcast_in_dim3A_48 : vector<256x1xi32> to vector<256x128xi32>
    %eq3A_50 = arith.cmpi eq, %iota3A, %eq3A_49 : vector<256x128xi32>
    %and3A_51 = arith.andi %and3A, %eq3A_50 : vector<256x128xi1>
    %jit3A_52 = arith.constant 0.000000e+00 : f32
    %broadcast_in_dim3A_53 = vector.broadcast %jit3A_52 : f32 to vector<256x128xf32>
    %select_n3A_54 = arith.select %and3A_39, %add3A_31, %broadcast_in_dim3A_53 : vector<256x128xi1>, vector<256x128xf32>
    %reduce_sum3A_55 = arith.constant dense<0.000000e+00> : vector<256xf32>
    %reduce_sum3A_56 = vector.multi_reduction <add>, %select_n3A_54, %reduce_sum3A_55 [1] : vector<256x128xf32> to vector<256xf32>
    %broadcast_in_dim3A_57 = vector.shape_cast %reduce_sum3A_56 : vector<256xf32> to vector<256x1xf32>
    %jit3A_58 = arith.constant 0.000000e+00 : f32
    %broadcast_in_dim3A_59 = vector.broadcast %jit3A_58 : f32 to vector<256x128xf32>
    %select_n3A_60 = arith.select %and3A_39, %get3A_1, %broadcast_in_dim3A_59 : vector<256x128xi1>, vector<256x128xf32>
    %reduce_sum3A_61 = arith.constant dense<0.000000e+00> : vector<256xf32>
    %reduce_sum3A_62 = vector.multi_reduction <add>, %select_n3A_60, %reduce_sum3A_61 [1] : vector<256x128xf32> to vector<256xf32>
    %broadcast_in_dim3A_63 = vector.shape_cast %reduce_sum3A_62 : vector<256xf32> to vector<256x1xf32>
    %jit3A_64 = arith.constant 0.000000e+00 : f32
    %broadcast_in_dim3A_65 = vector.broadcast %jit3A_64 : f32 to vector<256x128xf32>
    %select_n3A_66 = arith.select %and3A_51, %add3A_31, %broadcast_in_dim3A_65 : vector<256x128xi1>, vector<256x128xf32>
    %reduce_sum3A_67 = arith.constant dense<0.000000e+00> : vector<256xf32>
    %reduce_sum3A_68 = vector.multi_reduction <add>, %select_n3A_66, %reduce_sum3A_67 [1] : vector<256x128xf32> to vector<256xf32>
    %broadcast_in_dim3A_69 = vector.shape_cast %reduce_sum3A_68 : vector<256xf32> to vector<256x1xf32>
    %jit3A_70 = arith.constant 0.000000e+00 : f32
    %broadcast_in_dim3A_71 = vector.broadcast %jit3A_70 : f32 to vector<256x128xf32>
    %select_n3A_72 = arith.select %and3A_51, %get3A_1, %broadcast_in_dim3A_71 : vector<256x128xi1>, vector<256x128xf32>
    %reduce_sum3A_73 = arith.constant dense<0.000000e+00> : vector<256xf32>
    %reduce_sum3A_74 = vector.multi_reduction <add>, %select_n3A_72, %reduce_sum3A_73 [1] : vector<256x128xf32> to vector<256xf32>
    %broadcast_in_dim3A_75 = vector.shape_cast %reduce_sum3A_74 : vector<256xf32> to vector<256x1xf32>
    %ge3A = arith.constant 8 : i32
    %ge3A_76 = vector.broadcast %ge3A : i32 to vector<256x1xi32>
    %ge3A_77 = arith.cmpi sge, %broadcast_in_dim3A_48, %ge3A_76 : vector<256x1xi32>
    %jit3A_78 = arith.constant 5.119000e+03 : f32
    %broadcast_in_dim3A_79 = vector.broadcast %jit3A_78 : f32 to vector<256x1xf32>
    %select_n3A_80 = arith.select %ge3A_77, %broadcast_in_dim3A_79, %broadcast_in_dim3A_69 : vector<256x1xi1>, vector<256x1xf32>
    %convert_element_type3A_81 = arith.fptosi %broadcast_in_dim3A_57 : vector<256x1xf32> to vector<256x1xi32>
    %broadcast_in_dim3A_82 = vector.shape_cast %convert_element_type3A_81 : vector<256x1xi32> to vector<256x1xi32>
    %broadcast_in_dim3A_83 = vector.broadcast %broadcast_in_dim3A_82 : vector<256x1xi32> to vector<256x128xi32>
    %swap3A_84 = arith.constant 0 : index
    %swap3A_85 = arith.constant 0 : index
    %swap3A_86 = vector.load %arg3[%swap3A_84, %swap3A_85] : memref<256x128xi32, #tpu.memory_space<vmem>>, vector<256x128xi32>
    tpu.vector_store %arg3[%swap3A_84, %swap3A_85], %broadcast_in_dim3A_83 {strides = array<i32>} : memref<256x128xi32, #tpu.memory_space<vmem>>, vector<256x128xi32>,
    %convert_element_type3A_87 = arith.fptosi %select_n3A_80 : vector<256x1xf32> to vector<256x1xi32>
    %broadcast_in_dim3A_88 = vector.shape_cast %convert_element_type3A_87 : vector<256x1xi32> to vector<256x1xi32>
    %broadcast_in_dim3A_89 = vector.broadcast %broadcast_in_dim3A_88 : vector<256x1xi32> to vector<256x128xi32>
    %swap3A_90 = arith.constant 0 : index
    %swap3A_91 = arith.constant 0 : index
    %swap3A_92 = vector.load %arg4[%swap3A_90, %swap3A_91] : memref<256x128xi32, #tpu.memory_space<vmem>>, vector<256x128xi32>
    tpu.vector_store %arg4[%swap3A_90, %swap3A_91], %broadcast_in_dim3A_89 {strides = array<i32>} : memref<256x128xi32, #tpu.memory_space<vmem>>, vector<256x128xi32>,
    %broadcast_in_dim3A_93 = vector.shape_cast %broadcast_in_dim3A_63 : vector<256x1xf32> to vector<256x1xf32>
    %broadcast_in_dim3A_94 = vector.broadcast %broadcast_in_dim3A_93 : vector<256x1xf32> to vector<256x128xf32>
    %swap3A_95 = arith.constant 0 : index
    %swap3A_96 = arith.constant 0 : index
    %swap3A_97 = vector.load %arg5[%swap3A_95, %swap3A_96] : memref<256x128xf32, #tpu.memory_space<vmem>>, vector<256x128xf32>
    tpu.vector_store %arg5[%swap3A_95, %swap3A_96], %broadcast_in_dim3A_94 {strides = array<i32>} : memref<256x128xf32, #tpu.memory_space<vmem>>, vector<256x128xf32>,
    %broadcast_in_dim3A_98 = vector.shape_cast %broadcast_in_dim3A_75 : vector<256x1xf32> to vector<256x1xf32>
    %broadcast_in_dim3A_99 = vector.broadcast %broadcast_in_dim3A_98 : vector<256x1xf32> to vector<256x128xf32>
    %swap3A_100 = arith.constant 0 : index
    %swap3A_101 = arith.constant 0 : index
    %swap3A_102 = vector.load %arg6[%swap3A_100, %swap3A_101] : memref<256x128xf32, #tpu.memory_space<vmem>>, vector<256x128xf32>
    tpu.vector_store %arg6[%swap3A_100, %swap3A_101], %broadcast_in_dim3A_99 {strides = array<i32>} : memref<256x128xf32, #tpu.memory_space<vmem>>, vector<256x128xf32>,
    return
  }
  func.func @transform_0(%arg0: i32) -> (i32, i32) {
    %c0_i32 = arith.constant 0 : i32
    %c0_i32_0 = arith.constant 0 : i32
    return %arg0, %c0_i32 : i32, i32
  }
  func.func @transform_1(%arg0: i32) -> (i32, i32) {
    %c0_i32 = arith.constant 0 : i32
    %c0_i32_0 = arith.constant 0 : i32
    %c0_i32_1 = arith.constant 0 : i32
    return %c0_i32, %c0_i32_0 : i32, i32
  }
  func.func @transform_2(%arg0: i32) -> (i32, i32) {
    %c0_i32 = arith.constant 0 : i32
    %c0_i32_0 = arith.constant 0 : i32
    return %arg0, %c0_i32 : i32, i32
  }
  func.func @transform_3(%arg0: i32) -> (i32, i32) {
    %c0_i32 = arith.constant 0 : i32
    %c0_i32_0 = arith.constant 0 : i32
    return %arg0, %c0_i32 : i32, i32
  }
  func.func @transform_4(%arg0: i32) -> (i32, i32) {
    %c0_i32 = arith.constant 0 : i32
    %c0_i32_0 = arith.constant 0 : i32
    return %arg0, %c0_i32 : i32, i32
  }
  func.func @transform_5(%arg0: i32) -> (i32, i32) {
    %c0_i32 = arith.constant 0 : i32
    %c0_i32_0 = arith.constant 0 : i32
    return %arg0, %c0_i32 : i32, i32
  }
}

module attributes {stable_mosaic.version = 14 : i64} {
  func.func @_ffn_kernel(%arg0: i32, %arg1: memref<40xi32, #tpu.memory_space<smem>>, %arg2: memref<128x768xbf16, #tpu.memory_space<vmem>>, %arg3: memref<1x3072x768xbf16, #tpu.memory_space<vmem>>, %arg4: memref<1x768x3072xbf16, #tpu.memory_space<vmem>>, %arg5: memref<128x768xbf16, #tpu.memory_space<vmem>>) attributes {dimension_semantics = [#tpu.dimension_semantics<arbitrary>], iteration_bounds = array<i64: 40>, scalar_prefetch = 1 : i64, scratch_operands = 0 : i64, tpu.core_type = #tpu.core_type<tc>, window_params = [{transform_indices = @transform_0, window_bounds = array<i64: 128, 768>}, {transform_indices = @transform_1, window_bounds = array<i64: 1, 3072, 768>}, {transform_indices = @transform_2, window_bounds = array<i64: 1, 768, 3072>}, {transform_indices = @transform_3, window_bounds = array<i64: 128, 768>}]} {
    %get3A = arith.constant 0 : index
    %get3A_0 = arith.constant 0 : index
    %get3A_1 = vector.load %arg2[%get3A, %get3A_0] : memref<128x768xbf16, #tpu.memory_space<vmem>>, vector<128x768xbf16>
    %get3A_2 = arith.constant 0 : index
    %get3A_3 = arith.constant 0 : index
    %get3A_4 = arith.constant 0 : index
    %get3A_5 = vector.load %arg3[%get3A_2, %get3A_3, %get3A_4] : memref<1x3072x768xbf16, #tpu.memory_space<vmem>>, vector<1x3072x768xbf16>
    %get3A_6 = vector.shape_cast %get3A_5 : vector<1x3072x768xbf16> to vector<3072x768xbf16>
    %dot_general3A = arith.constant dense<0.000000e+00> : vector<128x3072xf32>
    %dot_general3A_7 = tpu.matmul %get3A_1, %get3A_6, %dot_general3A {dimension_numbers = #tpu.dot_dimension_numbers<[1], [1], [0], [0], [0, 0, 1, 0], [], []>, transpose_lhs_hint = false} : vector<128x768xbf16>, vector<3072x768xbf16>, vector<128x3072xf32> -> vector<128x3072xf32>
    %mul3A = arith.constant 5.000000e-01 : f32
    %mul3A_8 = vector.broadcast %mul3A : f32 to vector<128x3072xf32>
    %mul3A_9 = arith.mulf %mul3A_8, %dot_general3A_7 : vector<128x3072xf32>
    %mul3A_10 = arith.constant 0.707106769 : f32
    %mul3A_11 = vector.broadcast %mul3A_10 : f32 to vector<128x3072xf32>
    %mul3A_12 = arith.mulf %dot_general3A_7, %mul3A_11 : vector<128x3072xf32>
    %erf3A = math.erf %mul3A_12 : vector<128x3072xf32>
    %add3A = arith.constant 1.000000e+00 : f32
    %add3A_13 = vector.broadcast %add3A : f32 to vector<128x3072xf32>
    %add3A_14 = arith.addf %add3A_13, %erf3A : vector<128x3072xf32>
    %mul3A_15 = arith.mulf %mul3A_9, %add3A_14 : vector<128x3072xf32>
    %convert_element_type3A = arith.truncf %mul3A_15 : vector<128x3072xf32> to vector<128x3072xbf16>
    %get3A_16 = arith.constant 0 : index
    %get3A_17 = arith.constant 0 : index
    %get3A_18 = arith.constant 0 : index
    %get3A_19 = vector.load %arg4[%get3A_16, %get3A_17, %get3A_18] : memref<1x768x3072xbf16, #tpu.memory_space<vmem>>, vector<1x768x3072xbf16>
    %get3A_20 = vector.shape_cast %get3A_19 : vector<1x768x3072xbf16> to vector<768x3072xbf16>
    %dot_general3A_21 = arith.constant dense<0.000000e+00> : vector<128x768xf32>
    %dot_general3A_22 = tpu.matmul %convert_element_type3A, %get3A_20, %dot_general3A_21 {dimension_numbers = #tpu.dot_dimension_numbers<[1], [1], [0], [0], [0, 0, 1, 0], [], []>, transpose_lhs_hint = false} : vector<128x3072xbf16>, vector<768x3072xbf16>, vector<128x768xf32> -> vector<128x768xf32>
    %convert_element_type3A_23 = arith.truncf %dot_general3A_22 : vector<128x768xf32> to vector<128x768xbf16>
    %swap3A = arith.constant 0 : index
    %swap3A_24 = arith.constant 0 : index
    %swap3A_25 = vector.load %arg5[%swap3A, %swap3A_24] : memref<128x768xbf16, #tpu.memory_space<vmem>>, vector<128x768xbf16>
    tpu.vector_store %arg5[%swap3A, %swap3A_24], %convert_element_type3A_23 {strides = array<i32>} : memref<128x768xbf16, #tpu.memory_space<vmem>>, vector<128x768xbf16>,
    return
  }
  func.func @transform_0(%arg0: i32, %arg1: memref<40xi32, #tpu.memory_space<smem>>) -> (i32, i32) {
    %c0_i32 = arith.constant 0 : i32
    %c0_i32_0 = arith.constant 0 : i32
    return %arg0, %c0_i32 : i32, i32
  }
  func.func @transform_1(%arg0: i32, %arg1: memref<40xi32, #tpu.memory_space<smem>>) -> (i32, i32, i32) {
    %get3A = arith.index_cast %arg0 : i32 to index
    %get3A_0 = memref.load %arg1[%get3A] : memref<40xi32, #tpu.memory_space<smem>>
    %c0_i32 = arith.constant 0 : i32
    %c0_i32_1 = arith.constant 0 : i32
    %c0_i32_2 = arith.constant 0 : i32
    return %get3A_0, %c0_i32, %c0_i32_1 : i32, i32, i32
  }
  func.func @transform_2(%arg0: i32, %arg1: memref<40xi32, #tpu.memory_space<smem>>) -> (i32, i32, i32) {
    %get3A = arith.index_cast %arg0 : i32 to index
    %get3A_0 = memref.load %arg1[%get3A] : memref<40xi32, #tpu.memory_space<smem>>
    %c0_i32 = arith.constant 0 : i32
    %c0_i32_1 = arith.constant 0 : i32
    %c0_i32_2 = arith.constant 0 : i32
    return %get3A_0, %c0_i32, %c0_i32_1 : i32, i32, i32
  }
  func.func @transform_3(%arg0: i32, %arg1: memref<40xi32, #tpu.memory_space<smem>>) -> (i32, i32) {
    %c0_i32 = arith.constant 0 : i32
    %c0_i32_0 = arith.constant 0 : i32
    return %arg0, %c0_i32 : i32, i32
  }
}

module attributes {stable_mosaic.version = 14 : i64} {
  func.func @_combine_kernel(%arg0: i32, %arg1: memref<256x768xf32, #tpu.memory_space<vmem>>, %arg2: memref<5120x768xbf16, #tpu.memory_space<vmem>>, %arg3: memref<256x128xi32, #tpu.memory_space<vmem>>, %arg4: memref<256x128xi32, #tpu.memory_space<vmem>>, %arg5: memref<256x128xf32, #tpu.memory_space<vmem>>, %arg6: memref<256x128xf32, #tpu.memory_space<vmem>>, %arg7: memref<256x768xf32, #tpu.memory_space<vmem>>) attributes {dimension_semantics = [#tpu.dimension_semantics<arbitrary>], iteration_bounds = array<i64: 8>, scalar_prefetch = 0 : i64, scratch_operands = 0 : i64, tpu.core_type = #tpu.core_type<tc>, window_params = [{transform_indices = @transform_0, window_bounds = array<i64: 256, 768>}, {pipeline_mode = #tpu.pipeline_mode<synchronous>, transform_indices = @transform_1, window_bounds = array<i64: 5120, 768>}, {transform_indices = @transform_2, window_bounds = array<i64: 256, 128>}, {transform_indices = @transform_3, window_bounds = array<i64: 256, 128>}, {transform_indices = @transform_4, window_bounds = array<i64: 256, 128>}, {transform_indices = @transform_5, window_bounds = array<i64: 256, 128>}, {transform_indices = @transform_6, window_bounds = array<i64: 256, 768>}]} {
    %get3A = arith.constant 0 : index
    %get3A_0 = arith.constant 0 : index
    %get3A_1 = vector.load %arg1[%get3A, %get3A_0] : memref<256x768xf32, #tpu.memory_space<vmem>>, vector<256x768xf32>
    %get3A_2 = arith.constant 0 : index
    %get3A_3 = arith.constant 0 : index
    %get3A_4 = vector.load %arg3[%get3A_2, %get3A_3] : memref<256x128xi32, #tpu.memory_space<vmem>>, vector<256x128xi32>
    %slice3A = vector.extract_strided_slice %get3A_4 {offsets = [0, 0], sizes = [256, 1], strides = [1, 1]} : vector<256x128xi32> to vector<256x1xi32>
    %get3A_5 = arith.constant 0 : index
    %get3A_6 = arith.constant 0 : index
    %get3A_7 = vector.load %arg4[%get3A_5, %get3A_6] : memref<256x128xi32, #tpu.memory_space<vmem>>, vector<256x128xi32>
    %slice3A_8 = vector.extract_strided_slice %get3A_7 {offsets = [0, 0], sizes = [256, 1], strides = [1, 1]} : vector<256x128xi32> to vector<256x1xi32>
    %get3A_9 = arith.constant 0 : index
    %get3A_10 = arith.constant 0 : index
    %get3A_11 = vector.load %arg5[%get3A_9, %get3A_10] : memref<256x128xf32, #tpu.memory_space<vmem>>, vector<256x128xf32>
    %slice3A_12 = vector.extract_strided_slice %get3A_11 {offsets = [0, 0], sizes = [256, 1], strides = [1, 1]} : vector<256x128xf32> to vector<256x1xf32>
    %get3A_13 = arith.constant 0 : index
    %get3A_14 = arith.constant 0 : index
    %get3A_15 = vector.load %arg6[%get3A_13, %get3A_14] : memref<256x128xf32, #tpu.memory_space<vmem>>, vector<256x128xf32>
    %slice3A_16 = vector.extract_strided_slice %get3A_15 {offsets = [0, 0], sizes = [256, 1], strides = [1, 1]} : vector<256x128xf32> to vector<256x1xf32>
    %iota3A = tpu.iota {dimensions = array<i32: 1>} : vector<256x512xi32>
    %add3A = arith.constant 0 : i32
    %add3A_17 = vector.broadcast %add3A : i32 to vector<256x512xi32>
    %add3A_18 = arith.addi %iota3A, %add3A_17 : vector<256x512xi32>
    %eq3A = vector.broadcast %slice3A : vector<256x1xi32> to vector<256x512xi32>
    %eq3A_19 = arith.cmpi eq, %eq3A, %add3A_18 : vector<256x512xi32>
    %jit3A = arith.constant 0.000000e+00 : f32
    %broadcast_in_dim3A = vector.shape_cast %slice3A_12 : vector<256x1xf32> to vector<256x1xf32>
    %broadcast_in_dim3A_20 = vector.broadcast %broadcast_in_dim3A : vector<256x1xf32> to vector<256x512xf32>
    %broadcast_in_dim3A_21 = vector.broadcast %jit3A : f32 to vector<256x512xf32>
    %select_n3A = arith.select %eq3A_19, %broadcast_in_dim3A_20, %broadcast_in_dim3A_21 : vector<256x512xi1>, vector<256x512xf32>
    %eq3A_22 = vector.broadcast %slice3A_8 : vector<256x1xi32> to vector<256x512xi32>
    %eq3A_23 = arith.cmpi eq, %eq3A_22, %add3A_18 : vector<256x512xi32>
    %jit3A_24 = arith.constant 0.000000e+00 : f32
    %broadcast_in_dim3A_25 = vector.shape_cast %slice3A_16 : vector<256x1xf32> to vector<256x1xf32>
    %broadcast_in_dim3A_26 = vector.broadcast %broadcast_in_dim3A_25 : vector<256x1xf32> to vector<256x512xf32>
    %broadcast_in_dim3A_27 = vector.broadcast %jit3A_24 : f32 to vector<256x512xf32>
    %select_n3A_28 = arith.select %eq3A_23, %broadcast_in_dim3A_26, %broadcast_in_dim3A_27 : vector<256x512xi1>, vector<256x512xf32>
    %add3A_29 = arith.addf %select_n3A, %select_n3A_28 : vector<256x512xf32>
    %convert_element_type3A = arith.truncf %add3A_29 : vector<256x512xf32> to vector<256x512xbf16>
    %get3A_30 = arith.constant 0 : index
    %get3A_31 = arith.constant 0 : index
    %get3A_32 = vector.load %arg2[%get3A_30, %get3A_31] : memref<5120x768xbf16, #tpu.memory_space<vmem>>, vector<512x768xbf16>
    %dot_general3A = arith.constant dense<0.000000e+00> : vector<256x768xf32>
    %dot_general3A_33 = tpu.matmul %convert_element_type3A, %get3A_32, %dot_general3A {dimension_numbers = #tpu.dot_dimension_numbers<[1], [0], [0], [1], [0, 0, 1, 1], [], []>, transpose_lhs_hint = false} : vector<256x512xbf16>, vector<512x768xbf16>, vector<256x768xf32> -> vector<256x768xf32>
    %add3A_34 = arith.addf %get3A_1, %dot_general3A_33 : vector<256x768xf32>
    %iota3A_35 = tpu.iota {dimensions = array<i32: 1>} : vector<256x512xi32>
    %add3A_36 = arith.constant 512 : i32
    %add3A_37 = vector.broadcast %add3A_36 : i32 to vector<256x512xi32>
    %add3A_38 = arith.addi %iota3A_35, %add3A_37 : vector<256x512xi32>
    %eq3A_39 = vector.broadcast %slice3A : vector<256x1xi32> to vector<256x512xi32>
    %eq3A_40 = arith.cmpi eq, %eq3A_39, %add3A_38 : vector<256x512xi32>
    %jit3A_41 = arith.constant 0.000000e+00 : f32
    %broadcast_in_dim3A_42 = vector.shape_cast %slice3A_12 : vector<256x1xf32> to vector<256x1xf32>
    %broadcast_in_dim3A_43 = vector.broadcast %broadcast_in_dim3A_42 : vector<256x1xf32> to vector<256x512xf32>
    %broadcast_in_dim3A_44 = vector.broadcast %jit3A_41 : f32 to vector<256x512xf32>
    %select_n3A_45 = arith.select %eq3A_40, %broadcast_in_dim3A_43, %broadcast_in_dim3A_44 : vector<256x512xi1>, vector<256x512xf32>
    %eq3A_46 = vector.broadcast %slice3A_8 : vector<256x1xi32> to vector<256x512xi32>
    %eq3A_47 = arith.cmpi eq, %eq3A_46, %add3A_38 : vector<256x512xi32>
    %jit3A_48 = arith.constant 0.000000e+00 : f32
    %broadcast_in_dim3A_49 = vector.shape_cast %slice3A_16 : vector<256x1xf32> to vector<256x1xf32>
    %broadcast_in_dim3A_50 = vector.broadcast %broadcast_in_dim3A_49 : vector<256x1xf32> to vector<256x512xf32>
    %broadcast_in_dim3A_51 = vector.broadcast %jit3A_48 : f32 to vector<256x512xf32>
    %select_n3A_52 = arith.select %eq3A_47, %broadcast_in_dim3A_50, %broadcast_in_dim3A_51 : vector<256x512xi1>, vector<256x512xf32>
    %add3A_53 = arith.addf %select_n3A_45, %select_n3A_52 : vector<256x512xf32>
    %convert_element_type3A_54 = arith.truncf %add3A_53 : vector<256x512xf32> to vector<256x512xbf16>
    %get3A_55 = arith.constant 512 : index
    %get3A_56 = arith.constant 0 : index
    %get3A_57 = vector.load %arg2[%get3A_55, %get3A_56] : memref<5120x768xbf16, #tpu.memory_space<vmem>>, vector<512x768xbf16>
    %dot_general3A_58 = arith.constant dense<0.000000e+00> : vector<256x768xf32>
    %dot_general3A_59 = tpu.matmul %convert_element_type3A_54, %get3A_57, %dot_general3A_58 {dimension_numbers = #tpu.dot_dimension_numbers<[1], [0], [0], [1], [0, 0, 1, 1], [], []>, transpose_lhs_hint = false} : vector<256x512xbf16>, vector<512x768xbf16>, vector<256x768xf32> -> vector<256x768xf32>
    %add3A_60 = arith.addf %add3A_34, %dot_general3A_59 : vector<256x768xf32>
    %iota3A_61 = tpu.iota {dimensions = array<i32: 1>} : vector<256x512xi32>
    %add3A_62 = arith.constant 1024 : i32
    %add3A_63 = vector.broadcast %add3A_62 : i32 to vector<256x512xi32>
    %add3A_64 = arith.addi %iota3A_61, %add3A_63 : vector<256x512xi32>
    %eq3A_65 = vector.broadcast %slice3A : vector<256x1xi32> to vector<256x512xi32>
    %eq3A_66 = arith.cmpi eq, %eq3A_65, %add3A_64 : vector<256x512xi32>
    %jit3A_67 = arith.constant 0.000000e+00 : f32
    %broadcast_in_dim3A_68 = vector.shape_cast %slice3A_12 : vector<256x1xf32> to vector<256x1xf32>
    %broadcast_in_dim3A_69 = vector.broadcast %broadcast_in_dim3A_68 : vector<256x1xf32> to vector<256x512xf32>
    %broadcast_in_dim3A_70 = vector.broadcast %jit3A_67 : f32 to vector<256x512xf32>
    %select_n3A_71 = arith.select %eq3A_66, %broadcast_in_dim3A_69, %broadcast_in_dim3A_70 : vector<256x512xi1>, vector<256x512xf32>
    %eq3A_72 = vector.broadcast %slice3A_8 : vector<256x1xi32> to vector<256x512xi32>
    %eq3A_73 = arith.cmpi eq, %eq3A_72, %add3A_64 : vector<256x512xi32>
    %jit3A_74 = arith.constant 0.000000e+00 : f32
    %broadcast_in_dim3A_75 = vector.shape_cast %slice3A_16 : vector<256x1xf32> to vector<256x1xf32>
    %broadcast_in_dim3A_76 = vector.broadcast %broadcast_in_dim3A_75 : vector<256x1xf32> to vector<256x512xf32>
    %broadcast_in_dim3A_77 = vector.broadcast %jit3A_74 : f32 to vector<256x512xf32>
    %select_n3A_78 = arith.select %eq3A_73, %broadcast_in_dim3A_76, %broadcast_in_dim3A_77 : vector<256x512xi1>, vector<256x512xf32>
    %add3A_79 = arith.addf %select_n3A_71, %select_n3A_78 : vector<256x512xf32>
    %convert_element_type3A_80 = arith.truncf %add3A_79 : vector<256x512xf32> to vector<256x512xbf16>
    %get3A_81 = arith.constant 1024 : index
    %get3A_82 = arith.constant 0 : index
    %get3A_83 = vector.load %arg2[%get3A_81, %get3A_82] : memref<5120x768xbf16, #tpu.memory_space<vmem>>, vector<512x768xbf16>
    %dot_general3A_84 = arith.constant dense<0.000000e+00> : vector<256x768xf32>
    %dot_general3A_85 = tpu.matmul %convert_element_type3A_80, %get3A_83, %dot_general3A_84 {dimension_numbers = #tpu.dot_dimension_numbers<[1], [0], [0], [1], [0, 0, 1, 1], [], []>, transpose_lhs_hint = false} : vector<256x512xbf16>, vector<512x768xbf16>, vector<256x768xf32> -> vector<256x768xf32>
    %add3A_86 = arith.addf %add3A_60, %dot_general3A_85 : vector<256x768xf32>
    %iota3A_87 = tpu.iota {dimensions = array<i32: 1>} : vector<256x512xi32>
    %add3A_88 = arith.constant 1536 : i32
    %add3A_89 = vector.broadcast %add3A_88 : i32 to vector<256x512xi32>
    %add3A_90 = arith.addi %iota3A_87, %add3A_89 : vector<256x512xi32>
    %eq3A_91 = vector.broadcast %slice3A : vector<256x1xi32> to vector<256x512xi32>
    %eq3A_92 = arith.cmpi eq, %eq3A_91, %add3A_90 : vector<256x512xi32>
    %jit3A_93 = arith.constant 0.000000e+00 : f32
    %broadcast_in_dim3A_94 = vector.shape_cast %slice3A_12 : vector<256x1xf32> to vector<256x1xf32>
    %broadcast_in_dim3A_95 = vector.broadcast %broadcast_in_dim3A_94 : vector<256x1xf32> to vector<256x512xf32>
    %broadcast_in_dim3A_96 = vector.broadcast %jit3A_93 : f32 to vector<256x512xf32>
    %select_n3A_97 = arith.select %eq3A_92, %broadcast_in_dim3A_95, %broadcast_in_dim3A_96 : vector<256x512xi1>, vector<256x512xf32>
    %eq3A_98 = vector.broadcast %slice3A_8 : vector<256x1xi32> to vector<256x512xi32>
    %eq3A_99 = arith.cmpi eq, %eq3A_98, %add3A_90 : vector<256x512xi32>
    %jit3A_100 = arith.constant 0.000000e+00 : f32
    %broadcast_in_dim3A_101 = vector.shape_cast %slice3A_16 : vector<256x1xf32> to vector<256x1xf32>
    %broadcast_in_dim3A_102 = vector.broadcast %broadcast_in_dim3A_101 : vector<256x1xf32> to vector<256x512xf32>
    %broadcast_in_dim3A_103 = vector.broadcast %jit3A_100 : f32 to vector<256x512xf32>
    %select_n3A_104 = arith.select %eq3A_99, %broadcast_in_dim3A_102, %broadcast_in_dim3A_103 : vector<256x512xi1>, vector<256x512xf32>
    %add3A_105 = arith.addf %select_n3A_97, %select_n3A_104 : vector<256x512xf32>
    %convert_element_type3A_106 = arith.truncf %add3A_105 : vector<256x512xf32> to vector<256x512xbf16>
    %get3A_107 = arith.constant 1536 : index
    %get3A_108 = arith.constant 0 : index
    %get3A_109 = vector.load %arg2[%get3A_107, %get3A_108] : memref<5120x768xbf16, #tpu.memory_space<vmem>>, vector<512x768xbf16>
    %dot_general3A_110 = arith.constant dense<0.000000e+00> : vector<256x768xf32>
    %dot_general3A_111 = tpu.matmul %convert_element_type3A_106, %get3A_109, %dot_general3A_110 {dimension_numbers = #tpu.dot_dimension_numbers<[1], [0], [0], [1], [0, 0, 1, 1], [], []>, transpose_lhs_hint = false} : vector<256x512xbf16>, vector<512x768xbf16>, vector<256x768xf32> -> vector<256x768xf32>
    %add3A_112 = arith.addf %add3A_86, %dot_general3A_111 : vector<256x768xf32>
    %iota3A_113 = tpu.iota {dimensions = array<i32: 1>} : vector<256x512xi32>
    %add3A_114 = arith.constant 2048 : i32
    %add3A_115 = vector.broadcast %add3A_114 : i32 to vector<256x512xi32>
    %add3A_116 = arith.addi %iota3A_113, %add3A_115 : vector<256x512xi32>
    %eq3A_117 = vector.broadcast %slice3A : vector<256x1xi32> to vector<256x512xi32>
    %eq3A_118 = arith.cmpi eq, %eq3A_117, %add3A_116 : vector<256x512xi32>
    %jit3A_119 = arith.constant 0.000000e+00 : f32
    %broadcast_in_dim3A_120 = vector.shape_cast %slice3A_12 : vector<256x1xf32> to vector<256x1xf32>
    %broadcast_in_dim3A_121 = vector.broadcast %broadcast_in_dim3A_120 : vector<256x1xf32> to vector<256x512xf32>
    %broadcast_in_dim3A_122 = vector.broadcast %jit3A_119 : f32 to vector<256x512xf32>
    %select_n3A_123 = arith.select %eq3A_118, %broadcast_in_dim3A_121, %broadcast_in_dim3A_122 : vector<256x512xi1>, vector<256x512xf32>
    %eq3A_124 = vector.broadcast %slice3A_8 : vector<256x1xi32> to vector<256x512xi32>
    %eq3A_125 = arith.cmpi eq, %eq3A_124, %add3A_116 : vector<256x512xi32>
    %jit3A_126 = arith.constant 0.000000e+00 : f32
    %broadcast_in_dim3A_127 = vector.shape_cast %slice3A_16 : vector<256x1xf32> to vector<256x1xf32>
    %broadcast_in_dim3A_128 = vector.broadcast %broadcast_in_dim3A_127 : vector<256x1xf32> to vector<256x512xf32>
    %broadcast_in_dim3A_129 = vector.broadcast %jit3A_126 : f32 to vector<256x512xf32>
    %select_n3A_130 = arith.select %eq3A_125, %broadcast_in_dim3A_128, %broadcast_in_dim3A_129 : vector<256x512xi1>, vector<256x512xf32>
    %add3A_131 = arith.addf %select_n3A_123, %select_n3A_130 : vector<256x512xf32>
    %convert_element_type3A_132 = arith.truncf %add3A_131 : vector<256x512xf32> to vector<256x512xbf16>
    %get3A_133 = arith.constant 2048 : index
    %get3A_134 = arith.constant 0 : index
    %get3A_135 = vector.load %arg2[%get3A_133, %get3A_134] : memref<5120x768xbf16, #tpu.memory_space<vmem>>, vector<512x768xbf16>
    %dot_general3A_136 = arith.constant dense<0.000000e+00> : vector<256x768xf32>
    %dot_general3A_137 = tpu.matmul %convert_element_type3A_132, %get3A_135, %dot_general3A_136 {dimension_numbers = #tpu.dot_dimension_numbers<[1], [0], [0], [1], [0, 0, 1, 1], [], []>, transpose_lhs_hint = false} : vector<256x512xbf16>, vector<512x768xbf16>, vector<256x768xf32> -> vector<256x768xf32>
    %add3A_138 = arith.addf %add3A_112, %dot_general3A_137 : vector<256x768xf32>
    %iota3A_139 = tpu.iota {dimensions = array<i32: 1>} : vector<256x512xi32>
    %add3A_140 = arith.constant 2560 : i32
    %add3A_141 = vector.broadcast %add3A_140 : i32 to vector<256x512xi32>
    %add3A_142 = arith.addi %iota3A_139, %add3A_141 : vector<256x512xi32>
    %eq3A_143 = vector.broadcast %slice3A : vector<256x1xi32> to vector<256x512xi32>
    %eq3A_144 = arith.cmpi eq, %eq3A_143, %add3A_142 : vector<256x512xi32>
    %jit3A_145 = arith.constant 0.000000e+00 : f32
    %broadcast_in_dim3A_146 = vector.shape_cast %slice3A_12 : vector<256x1xf32> to vector<256x1xf32>
    %broadcast_in_dim3A_147 = vector.broadcast %broadcast_in_dim3A_146 : vector<256x1xf32> to vector<256x512xf32>
    %broadcast_in_dim3A_148 = vector.broadcast %jit3A_145 : f32 to vector<256x512xf32>
    %select_n3A_149 = arith.select %eq3A_144, %broadcast_in_dim3A_147, %broadcast_in_dim3A_148 : vector<256x512xi1>, vector<256x512xf32>
    %eq3A_150 = vector.broadcast %slice3A_8 : vector<256x1xi32> to vector<256x512xi32>
    %eq3A_151 = arith.cmpi eq, %eq3A_150, %add3A_142 : vector<256x512xi32>
    %jit3A_152 = arith.constant 0.000000e+00 : f32
    %broadcast_in_dim3A_153 = vector.shape_cast %slice3A_16 : vector<256x1xf32> to vector<256x1xf32>
    %broadcast_in_dim3A_154 = vector.broadcast %broadcast_in_dim3A_153 : vector<256x1xf32> to vector<256x512xf32>
    %broadcast_in_dim3A_155 = vector.broadcast %jit3A_152 : f32 to vector<256x512xf32>
    %select_n3A_156 = arith.select %eq3A_151, %broadcast_in_dim3A_154, %broadcast_in_dim3A_155 : vector<256x512xi1>, vector<256x512xf32>
    %add3A_157 = arith.addf %select_n3A_149, %select_n3A_156 : vector<256x512xf32>
    %convert_element_type3A_158 = arith.truncf %add3A_157 : vector<256x512xf32> to vector<256x512xbf16>
    %get3A_159 = arith.constant 2560 : index
    %get3A_160 = arith.constant 0 : index
    %get3A_161 = vector.load %arg2[%get3A_159, %get3A_160] : memref<5120x768xbf16, #tpu.memory_space<vmem>>, vector<512x768xbf16>
    %dot_general3A_162 = arith.constant dense<0.000000e+00> : vector<256x768xf32>
    %dot_general3A_163 = tpu.matmul %convert_element_type3A_158, %get3A_161, %dot_general3A_162 {dimension_numbers = #tpu.dot_dimension_numbers<[1], [0], [0], [1], [0, 0, 1, 1], [], []>, transpose_lhs_hint = false} : vector<256x512xbf16>, vector<512x768xbf16>, vector<256x768xf32> -> vector<256x768xf32>
    %add3A_164 = arith.addf %add3A_138, %dot_general3A_163 : vector<256x768xf32>
    %iota3A_165 = tpu.iota {dimensions = array<i32: 1>} : vector<256x512xi32>
    %add3A_166 = arith.constant 3072 : i32
    %add3A_167 = vector.broadcast %add3A_166 : i32 to vector<256x512xi32>
    %add3A_168 = arith.addi %iota3A_165, %add3A_167 : vector<256x512xi32>
    %eq3A_169 = vector.broadcast %slice3A : vector<256x1xi32> to vector<256x512xi32>
    %eq3A_170 = arith.cmpi eq, %eq3A_169, %add3A_168 : vector<256x512xi32>
    %jit3A_171 = arith.constant 0.000000e+00 : f32
    %broadcast_in_dim3A_172 = vector.shape_cast %slice3A_12 : vector<256x1xf32> to vector<256x1xf32>
    %broadcast_in_dim3A_173 = vector.broadcast %broadcast_in_dim3A_172 : vector<256x1xf32> to vector<256x512xf32>
    %broadcast_in_dim3A_174 = vector.broadcast %jit3A_171 : f32 to vector<256x512xf32>
    %select_n3A_175 = arith.select %eq3A_170, %broadcast_in_dim3A_173, %broadcast_in_dim3A_174 : vector<256x512xi1>, vector<256x512xf32>
    %eq3A_176 = vector.broadcast %slice3A_8 : vector<256x1xi32> to vector<256x512xi32>
    %eq3A_177 = arith.cmpi eq, %eq3A_176, %add3A_168 : vector<256x512xi32>
    %jit3A_178 = arith.constant 0.000000e+00 : f32
    %broadcast_in_dim3A_179 = vector.shape_cast %slice3A_16 : vector<256x1xf32> to vector<256x1xf32>
    %broadcast_in_dim3A_180 = vector.broadcast %broadcast_in_dim3A_179 : vector<256x1xf32> to vector<256x512xf32>
    %broadcast_in_dim3A_181 = vector.broadcast %jit3A_178 : f32 to vector<256x512xf32>
    %select_n3A_182 = arith.select %eq3A_177, %broadcast_in_dim3A_180, %broadcast_in_dim3A_181 : vector<256x512xi1>, vector<256x512xf32>
    %add3A_183 = arith.addf %select_n3A_175, %select_n3A_182 : vector<256x512xf32>
    %convert_element_type3A_184 = arith.truncf %add3A_183 : vector<256x512xf32> to vector<256x512xbf16>
    %get3A_185 = arith.constant 3072 : index
    %get3A_186 = arith.constant 0 : index
    %get3A_187 = vector.load %arg2[%get3A_185, %get3A_186] : memref<5120x768xbf16, #tpu.memory_space<vmem>>, vector<512x768xbf16>
    %dot_general3A_188 = arith.constant dense<0.000000e+00> : vector<256x768xf32>
    %dot_general3A_189 = tpu.matmul %convert_element_type3A_184, %get3A_187, %dot_general3A_188 {dimension_numbers = #tpu.dot_dimension_numbers<[1], [0], [0], [1], [0, 0, 1, 1], [], []>, transpose_lhs_hint = false} : vector<256x512xbf16>, vector<512x768xbf16>, vector<256x768xf32> -> vector<256x768xf32>
    %add3A_190 = arith.addf %add3A_164, %dot_general3A_189 : vector<256x768xf32>
    %iota3A_191 = tpu.iota {dimensions = array<i32: 1>} : vector<256x512xi32>
    %add3A_192 = arith.constant 3584 : i32
    %add3A_193 = vector.broadcast %add3A_192 : i32 to vector<256x512xi32>
    %add3A_194 = arith.addi %iota3A_191, %add3A_193 : vector<256x512xi32>
    %eq3A_195 = vector.broadcast %slice3A : vector<256x1xi32> to vector<256x512xi32>
    %eq3A_196 = arith.cmpi eq, %eq3A_195, %add3A_194 : vector<256x512xi32>
    %jit3A_197 = arith.constant 0.000000e+00 : f32
    %broadcast_in_dim3A_198 = vector.shape_cast %slice3A_12 : vector<256x1xf32> to vector<256x1xf32>
    %broadcast_in_dim3A_199 = vector.broadcast %broadcast_in_dim3A_198 : vector<256x1xf32> to vector<256x512xf32>
    %broadcast_in_dim3A_200 = vector.broadcast %jit3A_197 : f32 to vector<256x512xf32>
    %select_n3A_201 = arith.select %eq3A_196, %broadcast_in_dim3A_199, %broadcast_in_dim3A_200 : vector<256x512xi1>, vector<256x512xf32>
    %eq3A_202 = vector.broadcast %slice3A_8 : vector<256x1xi32> to vector<256x512xi32>
    %eq3A_203 = arith.cmpi eq, %eq3A_202, %add3A_194 : vector<256x512xi32>
    %jit3A_204 = arith.constant 0.000000e+00 : f32
    %broadcast_in_dim3A_205 = vector.shape_cast %slice3A_16 : vector<256x1xf32> to vector<256x1xf32>
    %broadcast_in_dim3A_206 = vector.broadcast %broadcast_in_dim3A_205 : vector<256x1xf32> to vector<256x512xf32>
    %broadcast_in_dim3A_207 = vector.broadcast %jit3A_204 : f32 to vector<256x512xf32>
    %select_n3A_208 = arith.select %eq3A_203, %broadcast_in_dim3A_206, %broadcast_in_dim3A_207 : vector<256x512xi1>, vector<256x512xf32>
    %add3A_209 = arith.addf %select_n3A_201, %select_n3A_208 : vector<256x512xf32>
    %convert_element_type3A_210 = arith.truncf %add3A_209 : vector<256x512xf32> to vector<256x512xbf16>
    %get3A_211 = arith.constant 3584 : index
    %get3A_212 = arith.constant 0 : index
    %get3A_213 = vector.load %arg2[%get3A_211, %get3A_212] : memref<5120x768xbf16, #tpu.memory_space<vmem>>, vector<512x768xbf16>
    %dot_general3A_214 = arith.constant dense<0.000000e+00> : vector<256x768xf32>
    %dot_general3A_215 = tpu.matmul %convert_element_type3A_210, %get3A_213, %dot_general3A_214 {dimension_numbers = #tpu.dot_dimension_numbers<[1], [0], [0], [1], [0, 0, 1, 1], [], []>, transpose_lhs_hint = false} : vector<256x512xbf16>, vector<512x768xbf16>, vector<256x768xf32> -> vector<256x768xf32>
    %add3A_216 = arith.addf %add3A_190, %dot_general3A_215 : vector<256x768xf32>
    %iota3A_217 = tpu.iota {dimensions = array<i32: 1>} : vector<256x512xi32>
    %add3A_218 = arith.constant 4096 : i32
    %add3A_219 = vector.broadcast %add3A_218 : i32 to vector<256x512xi32>
    %add3A_220 = arith.addi %iota3A_217, %add3A_219 : vector<256x512xi32>
    %eq3A_221 = vector.broadcast %slice3A : vector<256x1xi32> to vector<256x512xi32>
    %eq3A_222 = arith.cmpi eq, %eq3A_221, %add3A_220 : vector<256x512xi32>
    %jit3A_223 = arith.constant 0.000000e+00 : f32
    %broadcast_in_dim3A_224 = vector.shape_cast %slice3A_12 : vector<256x1xf32> to vector<256x1xf32>
    %broadcast_in_dim3A_225 = vector.broadcast %broadcast_in_dim3A_224 : vector<256x1xf32> to vector<256x512xf32>
    %broadcast_in_dim3A_226 = vector.broadcast %jit3A_223 : f32 to vector<256x512xf32>
    %select_n3A_227 = arith.select %eq3A_222, %broadcast_in_dim3A_225, %broadcast_in_dim3A_226 : vector<256x512xi1>, vector<256x512xf32>
    %eq3A_228 = vector.broadcast %slice3A_8 : vector<256x1xi32> to vector<256x512xi32>
    %eq3A_229 = arith.cmpi eq, %eq3A_228, %add3A_220 : vector<256x512xi32>
    %jit3A_230 = arith.constant 0.000000e+00 : f32
    %broadcast_in_dim3A_231 = vector.shape_cast %slice3A_16 : vector<256x1xf32> to vector<256x1xf32>
    %broadcast_in_dim3A_232 = vector.broadcast %broadcast_in_dim3A_231 : vector<256x1xf32> to vector<256x512xf32>
    %broadcast_in_dim3A_233 = vector.broadcast %jit3A_230 : f32 to vector<256x512xf32>
    %select_n3A_234 = arith.select %eq3A_229, %broadcast_in_dim3A_232, %broadcast_in_dim3A_233 : vector<256x512xi1>, vector<256x512xf32>
    %add3A_235 = arith.addf %select_n3A_227, %select_n3A_234 : vector<256x512xf32>
    %convert_element_type3A_236 = arith.truncf %add3A_235 : vector<256x512xf32> to vector<256x512xbf16>
    %get3A_237 = arith.constant 4096 : index
    %get3A_238 = arith.constant 0 : index
    %get3A_239 = vector.load %arg2[%get3A_237, %get3A_238] : memref<5120x768xbf16, #tpu.memory_space<vmem>>, vector<512x768xbf16>
    %dot_general3A_240 = arith.constant dense<0.000000e+00> : vector<256x768xf32>
    %dot_general3A_241 = tpu.matmul %convert_element_type3A_236, %get3A_239, %dot_general3A_240 {dimension_numbers = #tpu.dot_dimension_numbers<[1], [0], [0], [1], [0, 0, 1, 1], [], []>, transpose_lhs_hint = false} : vector<256x512xbf16>, vector<512x768xbf16>, vector<256x768xf32> -> vector<256x768xf32>
    %add3A_242 = arith.addf %add3A_216, %dot_general3A_241 : vector<256x768xf32>
    %iota3A_243 = tpu.iota {dimensions = array<i32: 1>} : vector<256x512xi32>
    %add3A_244 = arith.constant 4608 : i32
    %add3A_245 = vector.broadcast %add3A_244 : i32 to vector<256x512xi32>
    %add3A_246 = arith.addi %iota3A_243, %add3A_245 : vector<256x512xi32>
    %eq3A_247 = vector.broadcast %slice3A : vector<256x1xi32> to vector<256x512xi32>
    %eq3A_248 = arith.cmpi eq, %eq3A_247, %add3A_246 : vector<256x512xi32>
    %jit3A_249 = arith.constant 0.000000e+00 : f32
    %broadcast_in_dim3A_250 = vector.shape_cast %slice3A_12 : vector<256x1xf32> to vector<256x1xf32>
    %broadcast_in_dim3A_251 = vector.broadcast %broadcast_in_dim3A_250 : vector<256x1xf32> to vector<256x512xf32>
    %broadcast_in_dim3A_252 = vector.broadcast %jit3A_249 : f32 to vector<256x512xf32>
    %select_n3A_253 = arith.select %eq3A_248, %broadcast_in_dim3A_251, %broadcast_in_dim3A_252 : vector<256x512xi1>, vector<256x512xf32>
    %eq3A_254 = vector.broadcast %slice3A_8 : vector<256x1xi32> to vector<256x512xi32>
    %eq3A_255 = arith.cmpi eq, %eq3A_254, %add3A_246 : vector<256x512xi32>
    %jit3A_256 = arith.constant 0.000000e+00 : f32
    %broadcast_in_dim3A_257 = vector.shape_cast %slice3A_16 : vector<256x1xf32> to vector<256x1xf32>
    %broadcast_in_dim3A_258 = vector.broadcast %broadcast_in_dim3A_257 : vector<256x1xf32> to vector<256x512xf32>
    %broadcast_in_dim3A_259 = vector.broadcast %jit3A_256 : f32 to vector<256x512xf32>
    %select_n3A_260 = arith.select %eq3A_255, %broadcast_in_dim3A_258, %broadcast_in_dim3A_259 : vector<256x512xi1>, vector<256x512xf32>
    %add3A_261 = arith.addf %select_n3A_253, %select_n3A_260 : vector<256x512xf32>
    %convert_element_type3A_262 = arith.truncf %add3A_261 : vector<256x512xf32> to vector<256x512xbf16>
    %get3A_263 = arith.constant 4608 : index
    %get3A_264 = arith.constant 0 : index
    %get3A_265 = vector.load %arg2[%get3A_263, %get3A_264] : memref<5120x768xbf16, #tpu.memory_space<vmem>>, vector<512x768xbf16>
    %dot_general3A_266 = arith.constant dense<0.000000e+00> : vector<256x768xf32>
    %dot_general3A_267 = tpu.matmul %convert_element_type3A_262, %get3A_265, %dot_general3A_266 {dimension_numbers = #tpu.dot_dimension_numbers<[1], [0], [0], [1], [0, 0, 1, 1], [], []>, transpose_lhs_hint = false} : vector<256x512xbf16>, vector<512x768xbf16>, vector<256x768xf32> -> vector<256x768xf32>
    %add3A_268 = arith.addf %add3A_242, %dot_general3A_267 : vector<256x768xf32>
    %swap3A = arith.constant 0 : index
    %swap3A_269 = arith.constant 0 : index
    %swap3A_270 = vector.load %arg7[%swap3A, %swap3A_269] : memref<256x768xf32, #tpu.memory_space<vmem>>, vector<256x768xf32>
    tpu.vector_store %arg7[%swap3A, %swap3A_269], %add3A_268 {strides = array<i32>} : memref<256x768xf32, #tpu.memory_space<vmem>>, vector<256x768xf32>,
    return
  }
  func.func @transform_0(%arg0: i32) -> (i32, i32) {
    %c0_i32 = arith.constant 0 : i32
    %c0_i32_0 = arith.constant 0 : i32
    return %arg0, %c0_i32 : i32, i32
  }
  func.func @transform_1(%arg0: i32) -> (i32, i32) {
    %c0_i32 = arith.constant 0 : i32
    %c0_i32_0 = arith.constant 0 : i32
    %c0_i32_1 = arith.constant 0 : i32
    return %c0_i32, %c0_i32_0 : i32, i32
  }
  func.func @transform_2(%arg0: i32) -> (i32, i32) {
    %c0_i32 = arith.constant 0 : i32
    %c0_i32_0 = arith.constant 0 : i32
    return %arg0, %c0_i32 : i32, i32
  }
  func.func @transform_3(%arg0: i32) -> (i32, i32) {
    %c0_i32 = arith.constant 0 : i32
    %c0_i32_0 = arith.constant 0 : i32
    return %arg0, %c0_i32 : i32, i32
  }
  func.func @transform_4(%arg0: i32) -> (i32, i32) {
    %c0_i32 = arith.constant 0 : i32
    %c0_i32_0 = arith.constant 0 : i32
    return %arg0, %c0_i32 : i32, i32
  }
  func.func @transform_5(%arg0: i32) -> (i32, i32) {
    %c0_i32 = arith.constant 0 : i32
    %c0_i32_0 = arith.constant 0 : i32
    return %arg0, %c0_i32 : i32, i32
  }
  func.func @transform_6(%arg0: i32) -> (i32, i32) {
    %c0_i32 = arith.constant 0 : i32
    %c0_i32_0 = arith.constant 0 : i32
    return %arg0, %c0_i32 : i32, i32
  }
}

</mosaic_0001>

<sc_bundles>
// kernel: kernel.9.cloned.1.call-start
scs
__scs_entry_jumppad:
0x0: {  	(pc) =	sbr.rel $0x88, $3  }
0x1: {  	(tag) =	ssettag $0x0;
	lr =	simm.s32 $0x1  }
0x2: {  	[smem:$0x3F96] =	sst lr;
	_ =	strace $0xD0000000  }
0x3: {  	_ = 	snop  }
0x4: {  	_ = 	snop  }
0x5: {  	_ = 	snop  }
0x6: {  	_ = 	snop  }
0x7: {  	_ = 	snop  }
__scs_overlays_trampoline_lowered:
0x8: {  	[smem:$0x3FA5] =	sst s0  }
0x9: {  	[smem:$0x3FA6] =	sst s1  }
0xa: {  	[smem:$0x3FA7] =	sst s2  }
0xb: {  	[smem:$0x3FA8] =	sst s3  }
0xc: {  	[smem:$0x3FA9] =	sst s4  }
0xd: {  	[smem:$0x3FAA] =	sst s5  }
0xe: {  	[smem:$0x3FAB] =	sst s6  }
0xf: {  	[smem:$0x3FAC] =	sst s7  }
0x10: {  	[smem:$0x3FAD] =	sst s8  }
0x11: {  	[smem:$0x3FAE] =	sst s9;
	s0 =	simm.s32 @!p0 $0x0  }
0x12: {  	s1 =	sld [smem:$0x3F94];
	s0 =	simm.s32 @p0 $0x1  }
0x13: {  	[smem:$0x3FAF] =	sst s0;
	s0 =	simm.s32 @!p1 $0x0  }
0x14: {  	s2 =	sld [smem:$0x3F93];
	s0 =	simm.s32 @p1 $0x1  }
0x15: {  	[smem:$0x3FB0] =	sst s0;
	s0 =	simm.s32 @!p2 $0x0  }
0x16: {  	s3 =	sld [smem:$0x3FDB];
	s0 =	simm.s32 @p2 $0x1  }
0x17: {  	s4 =	simm.s32 $0x1BF5;
	[smem:$0x3FB2] =	sst s0  }
0x18: {  	s0 =	sld [smem:$0x3F95];
	_ =	swait.ge [sflag:s4], $0x0  }
0x19: {  	s7 =	sld [smem:$0x3F96]  }
0x1a: {  	s8 =	sadd.s32 $0xFFFFE003, lr  }
0x1b: {  	s9 =	sadd.s32 $0xFFFFFEF7, lr;
	s5 =	simm.s32 $0xFFFFFFFF;
	p2 =	slt.u32 s8, $0xFFFFF086  }
0x1c: {  	p1 =	slt.u32 s9, $0xF7A;
	s5 =	simm.s32 @!p2 $0x0  }
0x1d: {  	s5 =	simm.s32 @p1 $0x1;
	p0 =	seq.s32 s7, s2  }
0x1e: {  	s7 =	smul.u32 @!p0 $0xF7A, s2;
	p2 =	seq.s32 @!p0 s5, $0x0  }
0x1f: {  	s9 =	smul.u32 $0xF7A, s1;
	s8 =	simm.s32 @!p0 $0x1BF5;
	p2 =	por !p2, p0  }
0x20: {  	[sflag:s8] =	ssyncset.s32 @!p0 $0xFFFFF086;
	s6 =	sadd.s32 @!p0 s3, s7;
	s7 =	simm.s32 @!p0 $0x108  }
0x21: {  	s3 =	sadd.s32 s3, s9;
	s6 =	sadd.s32 @!p0 $0x88, s6;
	s7 =	simm.s32 @p2 $0x1082  }
0x22: {  	[simem:s7], [sflag:s8] =	dma.local @!p0 [hbm:s6], $0xF7A  }
0x23: {  	s9 =	sor.u32 $0xD0000000, s2;
	s6 =	simm.s32 $0x108;
	_ =	swait.ge @!p0 [sflag:s8], $0x0  }
0x24: {  	s3 =	sadd.s32 $0x88, s3;
	s6 =	simm.s32 @!p1 $0x1082;
	[sflag:s4] =	ssyncset.s32 $0xFFFFF086  }
0x25: {  	[simem:s6], [sflag:s4] =	dma.local [hbm:s3], $0xF7A  }
0x26: {  	[smem:$0x3F96] =	sst s1;
	(tag) =	ssettag s2;
	_ =	strace s9  }
0x27: {  	s1 =	sld [smem:$0x3FA6]  }
0x28: {  	s2 =	sld [smem:$0x3FA7]  }
0x29: {  	s4 =	sld [smem:$0x3FA9]  }
0x2a: {  	p0 =	seq.s32 s5, $0x0;
	s5 =	sld [smem:$0x3FAA]  }
0x2b: {  	s6 =	sld [smem:$0x3FAB]  }
0x2c: {  	s7 =	sld [smem:$0x3FAC]  }
0x2d: {  	s3 =	simm.s32 $0x108;
	s8 =	sld [smem:$0x3FAD]  }
0x2e: {  	s3 =	simm.s32 @!p0 $0x1082;
	s9 =	sld [smem:$0x3FAE]  }
0x2f: {  	lr =	sadd.s32 s0, s3;
	s0 =	sld [smem:$0x3FA5]  }
0x30: {  	s3 =	sld [smem:$0x3FA8]  }
0x31: {  	[smem:$0x3FB1] =	sst s10  }
0x32: {  	s10 =	sld [smem:$0x3FAF];
	_ =	sdelay $0x3  }
0x33: {  	p0 =	seq.s32 s10, $0x1;
	s10 =	sld [smem:$0x3FB1];
	_ =	sdelay $0x3  }
0x34: {  	[smem:$0x3FB1] =	sst s10  }
0x35: {  	s10 =	sld [smem:$0x3FB0];
	_ =	sdelay $0x3  }
0x36: {  	p1 =	seq.s32 s10, $0x1;
	s10 =	sld [smem:$0x3FB1];
	_ =	sdelay $0x3  }
0x37: {  	[smem:$0x3FB1] =	sst s10  }
0x38: {  	s10 =	sld [smem:$0x3FB2]  }
0x39: {  	_ = 	snop;
	(pc) =	sbr.ind lr, $3  }
0x3a: {  	_ = 	snop  }
0x3b: {  	_ = 	snop  }
0x3c: {  	p2 =	seq.s32 s10, $0x1;
	s10 =	sld [smem:$0x3FB1]  }
0x3d: {  	_ =	shalt  }
0x3e: {  	_ =	shalt  }
0x3f: {  	_ =	shalt  }
0x40: {  	_ =	shalt  }
0x41: {  	_ =	shalt  }
0x42: {  	_ =	shalt  }
0x43: {  	_ =	shalt  }
0x44: {  	_ =	shalt  }
0x45: {  	_ =	shalt  }
0x46: {  	_ =	shalt  }
0x47: {  	_ =	shalt  }
0x48: {  	_ =	shalt  }
0x49: {  	_ =	shalt  }
0x4a: {  	_ =	shalt  }
0x4b: {  	_ =	shalt  }
0x4c: {  	_ =	shalt  }
0x4d: {  	_ =	shalt  }
0x4e: {  	_ =	shalt  }
0x4f: {  	_ =	shalt  }
0x50: {  	_ =	shalt  }
0x51: {  	_ =	shalt  }
0x52: {  	_ =	shalt  }
0x53: {  	_ =	shalt  }
0x54: {  	_ =	shalt  }
0x55: {  	_ =	shalt  }
0x56: {  	_ =	shalt  }
0x57: {  	_ =	shalt  }
0x58: {  	_ =	shalt  }
0x59: {  	_ =	shalt  }
0x5a: {  	_ =	shalt  }
0x5b: {  	_ =	shalt  }
0x5c: {  	_ =	shalt  }
0x5d: {  	_ =	shalt  }
0x5e: {  	_ =	shalt  }
0x5f: {  	_ =	shalt  }
0x60: {  	_ =	shalt  }
0x61: {  	_ =	shalt  }
0x62: {  	_ =	shalt  }
0x63: {  	_ =	shalt  }
0x64: {  	_ =	shalt  }
0x65: {  	_ =	shalt  }
0x66: {  	_ =	shalt  }
0x67: {  	_ =	shalt  }
0x68: {  	_ =	shalt  }
0x69: {  	_ =	shalt  }
0x6a: {  	_ =	shalt  }
0x6b: {  	_ =	shalt  }
0x6c: {  	_ =	shalt  }
0x6d: {  	_ =	shalt  }
0x6e: {  	_ =	shalt  }
0x6f: {  	_ =	shalt  }
0x70: {  	_ =	shalt  }
0x71: {  	_ =	shalt  }
0x72: {  	_ =	shalt  }
0x73: {  	_ =	shalt  }
0x74: {  	_ =	shalt  }
0x75: {  	_ =	shalt  }
0x76: {  	_ =	shalt  }
0x77: {  	_ =	shalt  }
0x78: {  	_ =	shalt  }
0x79: {  	_ =	shalt  }
0x7a: {  	_ =	shalt  }
0x7b: {  	_ =	shalt  }
0x7c: {  	_ =	shalt  }
0x7d: {  	_ =	shalt  }
0x7e: {  	_ =	shalt  }
0x7f: {  	_ =	shalt  }
0x80: {  	_ =	shalt  }
0x81: {  	_ =	shalt  }
0x82: {  	_ =	shalt  }
0x83: {  	_ =	shalt  }
0x84: {  	_ =	shalt  }
0x85: {  	_ =	shalt  }
0x86: {  	_ =	shalt  }
0x87: {  	_ =	shalt  }
.Lfunc_end0:
.L_simem_size_0:
called_computation_lowered:
.L_overlay_start_0:
0x88: {  	s2 =	sld [smem:$0x3FD9]  }
0x89: {  	s3 =	sld [smem:$0x3FFE];
	_ =	sdelay $0x1  }
0x8a: {  	s1 =	srdreg.scid  }
0x8b: {  	s0 =	sand.u32 $0x1, s1  }
0x8c: {  	s16 =	sshll.u32 s0, $0xA;
	s2 =	sadd.s32 s3, s2  }
0x8d: {  	s2 =	sadd.s32 s2, s16  }
0x8e: {  	[smem:$0x3FBD] =	sst s2  }
0x8f: {  	_ = 	snop  }
0x90: {  	(tm) =	ssettm $0x1  }
0x91: {  	s17 =	sld [smem:$0x3FFB];
	_ =	sdelay $0x3  }
0x92: {  	_ =	strace s17  }
0x93: {  	s2 =	sld [smem:$0x3FFC];
	_ =	sdelay $0x3  }
0x94: {  	_ =	strace s2  }
0x95: {  	s2 =	sld [smem:$0x3FFD];
	_ =	sdelay $0x3  }
0x96: {  	_ =	strace s2  }
0x97: {  	_ =	strace $0x8FFFFFFF  }
0x98: {  	s18 =	sld [smem:$0x3FDB];
	_ =	sdelay $0x1  }
0x99: {  	s19 =	simm.s32 $_scs_section_size  }
0x9a: {  	s4 =	simm.s32 $_size__tile_overlayer_lowered;
	s5 =	simm.s32 $_tile_overlayer_lowered  }
0x9b: {  	s22 =	simm.s32 $0x1BFF;
	s21 =	sshll.u32 s5, $0x1;
	s2 =	sadd.s32 s19, s18  }
0x9c: {  	s6 =	simm.s32 $0x0;
	s20 =	sshll.u32 s4, $0x1;
	s4 =	sadd.s32 s21, s2  }
0x9d: {  	[timem:s6], [sflag:s22] =	dma.local [hbm:s4], s20  }
0x9e: {  	_ =	swait.ge [sflag:s22], s20  }
0x9f: {  	s3 =	ssub.s32 $0x0, s20;
	[sflag:s22] =	ssyncset.done $0x0  }
0xa0: {  	[sflag:s22] =	ssyncadd.s32 s3;
	_ =	sdelay $0x1  }
0xa1: {  	s23 =	simm.s32 $0x1B8B  }
0xa2: {  	_ =	swait.ge [sflag:s23], $0x1  }
0xa3: {  	[sflag:s23] =	ssyncset.done $0x0  }
0xa4: {  	s25 =	simm.s32 $0x1B8E;
	s24 =	sld [smem:$0x3FFE];
	[sflag:s23] =	ssyncadd.s32 $0xFFFFFFFF  }
0xa5: {  	s26 =	simm.s32 $execute0_lowered;
	[smem:$0x3FD2] =	sst s25  }
0xa6: {  	s4 =	sshll.u32 s26, $0x1;
	_ =	strace $0x80000046;
	[dreg:$0x1] =	wrdreg $0xFFFFFFFF  }
0xa7: {  	s28 =	simm.s32 $_size_execute0_lowered;
	s2 =	sadd.s32 s2, s4;
	[dreg:$0x0] =	wrdreg $0x0  }
0xa8: {  	s4 =	sshll.u32 s28, $0x1;
	[dreg:$0x2] =	wrdreg s2  }
0xa9: {  	[dreg:$0x3] =	wrdreg s4  }
0xaa: {  	[dreg:$0x4] =	wrdreg $0xC0  }
0xab: {  	_ =	task [dreg:s6], $0x5FFFF  }
0xac: {  	[dreg:$0x1] =	wrdreg $0xFFFFFFFF  }
0xad: {  	[dreg:$0x0] =	wrdreg $0x60  }
0xae: {  	[dreg:$0x2] =	wrdreg s24  }
0xaf: {  	[dreg:$0x3] =	wrdreg $0x9  }
0xb0: {  	_ =	task.clear_ibuf [dreg:s6], $0x4FFFF;
	_ =	strace $0x90000046  }
0xb1: {  	s29 =	simm.s32 $0x9;
	_ =	strace $0x8000004C  }
0xb2: {  	_ =	swait.ge [sflag:s29], $0x1  }
0xb3: {  	[sflag:s29] =	ssyncadd.s32 $0xFFFFFFFF  }
0xb4: {  	_ =	strace $0x9000004C  }
0xb5: {  	_ =	sfence  }
0xb6: {  	s30 =	sld [smem:$0x0];
	_ =	sdelay $0x2  }
0xb7: {  	s31 =	sshll.u32 s1, $0xD;
	s1 =	sshrl.u32 s1, $0x2  }
0xb8: {  	s3 =	sand.u32 $0x4000, s31;
	s1 =	sadd.s32 s1, s30  }
0xb9: {  	s0 =	sor.u32 s3, s0;
	s1 =	sshll.u32 s1, $0x11  }
0xba: {  	s0 =	sor.u32 s1, s0  }
0xbb: {  	s0 =	sadd.s32 $0x8F2B, s0  }
0xbc: {  	[sflag:s0] =	ssyncadd.remote.s32 $0x1  }
0xbd: {  	_ =	sfence.sel $0xFFFF  }
0xbe: {  	[dreg:$0x0] =	wrdreg $0xFFFFFFFF;
	(pc) =	sbr.abs _section_cstart, $3  }
0xbf: {  	[dreg:$0x1] =	wrdreg $0xFFFFFFFF  }
0xc0: {  	_ =	task.clear_ibuf [dreg:s6], $0x2FFFF;
	_ =	strace $0x9FFFFFFF  }
0xc1: {  	(tm) =	ssettm $0x7FFFFFFF  }
tec
execute0_lowered:
.L_overlay_start_1:
0x0: {  	(tag) =	ssettag $0x1  }
0x1: {  	s0 =	rddreg [dreg:$0x0];
	s1 =	stileid.u32  }
0x2: {  	s2 =	simm.s32 $0x0;
	s4 =	srdreg.scid;
	s17 =	simm.s32 $0x18000  }
0x3: {  	s18 =	simm.s32 $0x800;
	s19 =	simm.s32 $0xC00;
	s20 =	simm.s32 $0x1400  }
0x4: {  	s21 =	simm.s32 $0x1800;
	s23 =	simm.s32 $0x2000;
	s24 =	simm.s32 $0x2400  }
0x5: {  	s25 =	simm.s32 $0x2C00;
	s26 =	simm.s32 $0x3000;
	[smem:$0x7FF] =	sst s2  }
0x6: {  	s7 =	simm.s32 $0x3;
	_ =	strace $0x80000047;
	[dreg:$0x4] =	wrdreg s17  }
0x7: {  	s10 =	simm.s32 $0x4400;
	s11 =	simm.s32 $0x4800;
	[dreg:$0x5] =	wrdreg s18  }
0x8: {  	s12 =	simm.s32 $0x5000;
	s13 =	simm.s32 $0x5400;
	[dreg:$0x6] =	wrdreg s19  }
0x9: {  	s14 =	simm.s32 $0x5C00;
	s15 =	simm.s32 $0x6000;
	[dreg:$0x7] =	wrdreg s20  }
0xa: {  	s28 =	simm.s32 $0xA800;
	s29 =	simm.s32 $0xB000;
	[dreg:$0x8] =	wrdreg s21  }
0xb: {  	s30 =	simm.s32 $0xB400;
	s31 =	simm.s32 $0xBC00;
	[dreg:$0x9] =	wrdreg s23  }
0xc: {  	s3 =	smul.u32 $0x1800, s1;
	s5 =	sshll.u32 s1, $0x4;
	[dreg:$0xa] =	wrdreg s24  }
0xd: {  	s4 =	sand.u32 $0x1, s4;
	s5 =	sadd.s32 s5, s0;
	[dreg:$0xb] =	wrdreg s25  }
0xe: {  	s6 =	sshll.u32 s4, $0x8;
	s4 =	ssub.s32 $0x2, s4;
	[dreg:$0xc] =	wrdreg s26  }
0xf: {  	s17 =	simm.s32 $0x6C00;
	s18 =	simm.s32 $0x7400;
	s19 =	simm.s32 $0x7800  }
0x10: {  	s20 =	simm.s32 $0x8000;
	s21 =	simm.s32 $0x8400;
	s23 =	simm.s32 $0x9000  }
0x11: {  	s24 =	simm.s32 $0x9800;
	s25 =	simm.s32 $0x9C00;
	s26 =	simm.s32 $0xA400  }
0x12: {  	s3 =	sadd.s32 s3, s0;
	s5 =	sadd.s32 s6, s5;
	s22 =	sshrl.u32 s4, $0x1  }
0x13: {  	s3 =	sadd.s32 $0x1E00, s3;
	s16 =	sadd.s32 $0x19E00, s5;
	s6 =	ssub.s32 s4, s22  }
0x14: {  	v2 =	vlaneseq.u32;
	s4 =	sadd.s32 $0x1A100, s0;
	s22 =	simm.s32 $0x8C00;
	[dreg:$0x2] =	wrdreg s3  }
0x15: {  	vm0 =	vmmov $0xffff;
	vm1 =	vmmov $0xff;
	v1 =	vshrl.u32 v2, $0x3;
	[dreg:$0x3] =	wrdreg s16;
	s3 =	sadd.s32 $0x1A000, s0;
	s5 =	smax.u32 s6, $0x1  }
0x16: {  	v0 =	vand.u32 $0x7, v2;
	v2 =	vor.u32 $0x8, v2;
	v1 =	vmul.u32 $0x8, v1;
	s6 =	simm.s32 $0x1;
	s16 =	simm.s32 $0x6800;
	s0 =	simm.s32 $0x5  }
.LBB2_1:
0x17: {  	_ =	strace $0x80000048  }
0x18: {  	s1 =	rddreg [dreg:$0x2]  }
0x19: {  	s8 =	rddreg [dreg:$0x3]  }
0x1a: {  	[tilespmem:s2], [sflag:$0x1] =	stream.linear.gather [hbm4b:s1+s2], $0xC000, $0x200038;
	[tilespmem:$0x18100] =	vst v63  }
0x1b: {  	s9 =	rddreg [dreg:$0x4]  }
0x1c: {  	[tilespmem:s9], [sflag:$0x3] =	stream.linear.gather [hbm4b:s8+s2], $0x80, $0x200038;
	[tilespmem:$0x18100] =	vst v63  }
0x1d: {  	_ =	strace $0x90000048  }
0x1e: {  	_ =	strace $0x80000049  }
0x1f: {  	_ =	swait.ge [sflag:s6], $0xC000  }
0x20: {  	[sflag:s6] =	ssyncset.done $0x0  }
0x21: {  	[sflag:s6] =	ssyncadd.s32 $0xFFFF4000  }
0x22: {  	_ =	strace $0x90000049  }
0x23: {  	_ =	strace $0x8000004A  }
0x24: {  	_ =	swait.ge [sflag:s7], $0x80  }
0x25: {  	[sflag:s7] =	ssyncset.done $0x0  }
0x26: {  	[sflag:s7] =	ssyncadd.s32 $0xFFFFFF80  }
0x27: {  	_ =	strace $0x9000004A  }
0x28: {  	_ =	strace $0x8000004B  }
0x29: {  	v3 =	vld [tilespmem:$0x18000];
	_ =	sdelay $0x4  }
0x2a: {  	v4 =	vshrl.u32 v3, $0x3  }
0x2b: {  	v4 =	vmul.u32 $0x18, v4  }
0x2c: {  	v3 =	vand.u32 $0x7, v3  }
0x2d: {  	v3 =	vor.u32 v3, v4  }
0x2e: {  	v4 =	vperm.xlane v3, v0;
	_ =	sdelay $0x1  }
0x2f: {  	v4 =	vadd.s32 v1, v4;
	_ =	sdelay $0x1  }
0x30: {  	v3 =	vperm.xlane v3, v2;
	_ =	sdelay $0x1  }
0x31: {  	v3 =	vadd.s32 v1, v3  }
0x32: {  	[hbm4b:s3+s2] =	stream.indirect_vreg.scatter [tilespmem:s2], [sflag:$0x5], $0x80, v4, vm0, $0x2000b8;
	[tilespmem:$0x18100] =	vst v63  }
0x33: {  	s9 =	rddreg [dreg:$0x5]  }
0x34: {  	[hbm4b:s4+s2] =	stream.indirect_vreg.scatter [tilespmem:s9], [sflag:$0x5], $0x80, v4, vm1, $0x2000b8;
	[tilespmem:$0x18100] =	vst v63  }
0x35: {  	s8 =	rddreg [dreg:$0x6]  }
0x36: {  	[hbm4b:s3+s2] =	stream.indirect_vreg.scatter [tilespmem:s8], [sflag:$0x5], $0x80, v3, vm0, $0x2000b8;
	[tilespmem:$0x18100] =	vst v63  }
0x37: {  	s9 =	rddreg [dreg:$0x7]  }
0x38: {  	[hbm4b:s4+s2] =	stream.indirect_vreg.scatter [tilespmem:s9], [sflag:$0x5], $0x80, v3, vm1, $0x2000b8;
	[tilespmem:$0x18100] =	vst v63  }
0x39: {  	v3 =	vld [tilespmem:$0x18010];
	_ =	sdelay $0x4  }
0x3a: {  	v57 =	vshrl.u32 v3, $0x3  }
0x3b: {  	v4 =	vmul.u32 $0x18, v57  }
0x3c: {  	v3 =	vand.u32 $0x7, v3  }
0x3d: {  	v3 =	vor.u32 v3, v4  }
0x3e: {  	v4 =	vperm.xlane v3, v0;
	_ =	sdelay $0x1  }
0x3f: {  	v4 =	vadd.s32 v1, v4;
	_ =	sdelay $0x1  }
0x40: {  	v3 =	vperm.xlane v3, v2;
	_ =	sdelay $0x1  }
0x41: {  	s8 =	rddreg [dreg:$0x8];
	v3 =	vadd.s32 v1, v3  }
0x42: {  	[hbm4b:s3+s2] =	stream.indirect_vreg.scatter [tilespmem:s8], [sflag:$0x5], $0x80, v4, vm0, $0x2000b8;
	[tilespmem:$0x18100] =	vst v63  }
0x43: {  	s9 =	rddreg [dreg:$0x9]  }
0x44: {  	[hbm4b:s4+s2] =	stream.indirect_vreg.scatter [tilespmem:s9], [sflag:$0x5], $0x80, v4, vm1, $0x2000b8;
	[tilespmem:$0x18100] =	vst v63  }
0x45: {  	s1 =	rddreg [dreg:$0xa]  }
0x46: {  	[hbm4b:s3+s2] =	stream.indirect_vreg.scatter [tilespmem:s1], [sflag:$0x5], $0x80, v3, vm0, $0x2000b8;
	[tilespmem:$0x18100] =	vst v63  }
0x47: {  	s9 =	rddreg [dreg:$0xb]  }
0x48: {  	[hbm4b:s4+s2] =	stream.indirect_vreg.scatter [tilespmem:s9], [sflag:$0x5], $0x80, v3, vm1, $0x2000b8;
	[tilespmem:$0x18100] =	vst v63  }
0x49: {  	v3 =	vld [tilespmem:$0x18020];
	_ =	sdelay $0x4  }
0x4a: {  	v58 =	vshrl.u32 v3, $0x3  }
0x4b: {  	v4 =	vmul.u32 $0x18, v58  }
0x4c: {  	v3 =	vand.u32 $0x7, v3  }
0x4d: {  	v3 =	vor.u32 v3, v4  }
0x4e: {  	v4 =	vperm.xlane v3, v0;
	_ =	sdelay $0x1  }
0x4f: {  	v4 =	vadd.s32 v1, v4;
	_ =	sdelay $0x1  }
0x50: {  	v3 =	vperm.xlane v3, v2;
	_ =	sdelay $0x1  }
0x51: {  	s9 =	rddreg [dreg:$0xc];
	v3 =	vadd.s32 v1, v3  }
0x52: {  	[hbm4b:s3+s2] =	stream.indirect_vreg.scatter [tilespmem:s9], [sflag:$0x5], $0x80, v4, vm0, $0x2000b8;
	[tilespmem:$0x18100] =	vst v63  }
0x53: {  	s8 =	simm.s32 $0x3800  }
0x54: {  	[hbm4b:s4+s2] =	stream.indirect_vreg.scatter [tilespmem:s8], [sflag:$0x5], $0x80, v4, vm1, $0x2000b8;
	[tilespmem:$0x18100] =	vst v63  }
0x55: {  	s9 =	simm.s32 $0x3C00  }
0x56: {  	[hbm4b:s3+s2] =	stream.indirect_vreg.scatter [tilespmem:s9], [sflag:$0x5], $0x80, v3, vm0, $0x2000b8;
	[tilespmem:$0x18100] =	vst v63  }
0x57: {  	_ = 	snop  }
0x58: {  	[hbm4b:s4+s2] =	stream.indirect_vreg.scatter [tilespmem:s10], [sflag:$0x5], $0x80, v3, vm1, $0x2000b8;
	[tilespmem:$0x18100] =	vst v63  }
0x59: {  	v3 =	vld [tilespmem:$0x18030];
	_ =	sdelay $0x4  }
0x5a: {  	v59 =	vshrl.u32 v3, $0x3  }
0x5b: {  	v4 =	vmul.u32 $0x18, v59  }
0x5c: {  	v3 =	vand.u32 $0x7, v3  }
0x5d: {  	v3 =	vor.u32 v3, v4  }
0x5e: {  	v4 =	vperm.xlane v3, v0;
	_ =	sdelay $0x1  }
0x5f: {  	v4 =	vadd.s32 v1, v4;
	_ =	sdelay $0x1  }
0x60: {  	v3 =	vperm.xlane v3, v2;
	_ =	sdelay $0x1  }
0x61: {  	v3 =	vadd.s32 v1, v3  }
0x62: {  	[hbm4b:s3+s2] =	stream.indirect_vreg.scatter [tilespmem:s11], [sflag:$0x5], $0x80, v4, vm0, $0x2000b8;
	[tilespmem:$0x18100] =	vst v63  }
0x63: {  	_ = 	snop  }
0x64: {  	[hbm4b:s4+s2] =	stream.indirect_vreg.scatter [tilespmem:s12], [sflag:$0x5], $0x80, v4, vm1, $0x2000b8;
	[tilespmem:$0x18100] =	vst v63  }
0x65: {  	_ = 	snop  }
0x66: {  	[hbm4b:s3+s2] =	stream.indirect_vreg.scatter [tilespmem:s13], [sflag:$0x5], $0x80, v3, vm0, $0x2000b8;
	[tilespmem:$0x18100] =	vst v63  }
0x67: {  	_ = 	snop  }
0x68: {  	[hbm4b:s4+s2] =	stream.indirect_vreg.scatter [tilespmem:s14], [sflag:$0x5], $0x80, v3, vm1, $0x2000b8;
	[tilespmem:$0x18100] =	vst v63  }
0x69: {  	v3 =	vld [tilespmem:$0x18040];
	_ =	sdelay $0x4  }
0x6a: {  	v60 =	vshrl.u32 v3, $0x3  }
0x6b: {  	v4 =	vmul.u32 $0x18, v60  }
0x6c: {  	v3 =	vand.u32 $0x7, v3  }
0x6d: {  	v3 =	vor.u32 v3, v4  }
0x6e: {  	v4 =	vperm.xlane v3, v0;
	_ =	sdelay $0x1  }
0x6f: {  	v4 =	vadd.s32 v1, v4;
	_ =	sdelay $0x1  }
0x70: {  	v3 =	vperm.xlane v3, v2;
	_ =	sdelay $0x1  }
0x71: {  	v3 =	vadd.s32 v1, v3  }
0x72: {  	[hbm4b:s3+s2] =	stream.indirect_vreg.scatter [tilespmem:s15], [sflag:$0x5], $0x80, v4, vm0, $0x2000b8;
	[tilespmem:$0x18100] =	vst v63  }
0x73: {  	_ = 	snop  }
0x74: {  	[hbm4b:s4+s2] =	stream.indirect_vreg.scatter [tilespmem:s16], [sflag:$0x5], $0x80, v4, vm1, $0x2000b8;
	[tilespmem:$0x18100] =	vst v63  }
0x75: {  	_ = 	snop  }
0x76: {  	[hbm4b:s3+s2] =	stream.indirect_vreg.scatter [tilespmem:s17], [sflag:$0x5], $0x80, v3, vm0, $0x2000b8;
	[tilespmem:$0x18100] =	vst v63  }
0x77: {  	_ = 	snop  }
0x78: {  	[hbm4b:s4+s2] =	stream.indirect_vreg.scatter [tilespmem:s18], [sflag:$0x5], $0x80, v3, vm1, $0x2000b8;
	[tilespmem:$0x18100] =	vst v63  }
0x79: {  	v3 =	vld [tilespmem:$0x18050];
	_ =	sdelay $0x4  }
0x7a: {  	v61 =	vshrl.u32 v3, $0x3  }
0x7b: {  	v4 =	vmul.u32 $0x18, v61  }
0x7c: {  	v3 =	vand.u32 $0x7, v3  }
0x7d: {  	v3 =	vor.u32 v3, v4  }
0x7e: {  	v4 =	vperm.xlane v3, v0;
	_ =	sdelay $0x1  }
0x7f: {  	v4 =	vadd.s32 v1, v4;
	_ =	sdelay $0x1  }
0x80: {  	v3 =	vperm.xlane v3, v2;
	_ =	sdelay $0x1  }
0x81: {  	v3 =	vadd.s32 v1, v3  }
0x82: {  	[hbm4b:s3+s2] =	stream.indirect_vreg.scatter [tilespmem:s19], [sflag:$0x5], $0x80, v4, vm0, $0x2000b8;
	[tilespmem:$0x18100] =	vst v63  }
0x83: {  	_ = 	snop  }
0x84: {  	[hbm4b:s4+s2] =	stream.indirect_vreg.scatter [tilespmem:s20], [sflag:$0x5], $0x80, v4, vm1, $0x2000b8;
	[tilespmem:$0x18100] =	vst v63  }
0x85: {  	_ = 	snop  }
0x86: {  	[hbm4b:s3+s2] =	stream.indirect_vreg.scatter [tilespmem:s21], [sflag:$0x5], $0x80, v3, vm0, $0x2000b8;
	[tilespmem:$0x18100] =	vst v63  }
0x87: {  	_ = 	snop  }
0x88: {  	[hbm4b:s4+s2] =	stream.indirect_vreg.scatter [tilespmem:s22], [sflag:$0x5], $0x80, v3, vm1, $0x2000b8;
	[tilespmem:$0x18100] =	vst v63  }
0x89: {  	v3 =	vld [tilespmem:$0x18060];
	_ =	sdelay $0x4  }
0x8a: {  	v62 =	vshrl.u32 v3, $0x3  }
0x8b: {  	v4 =	vmul.u32 $0x18, v62  }
0x8c: {  	v3 =	vand.u32 $0x7, v3  }
0x8d: {  	v3 =	vor.u32 v3, v4  }
0x8e: {  	v4 =	vperm.xlane v3, v0;
	_ =	sdelay $0x1  }
0x8f: {  	v4 =	vadd.s32 v1, v4;
	_ =	sdelay $0x1  }
0x90: {  	v3 =	vperm.xlane v3, v2;
	_ =	sdelay $0x1  }
0x91: {  	v3 =	vadd.s32 v1, v3  }
0x92: {  	[hbm4b:s3+s2] =	stream.indirect_vreg.scatter [tilespmem:s23], [sflag:$0x5], $0x80, v4, vm0, $0x2000b8;
	[tilespmem:$0x18100] =	vst v63  }
0x93: {  	_ = 	snop  }
0x94: {  	[hbm4b:s4+s2] =	stream.indirect_vreg.scatter [tilespmem:s24], [sflag:$0x5], $0x80, v4, vm1, $0x2000b8;
	[tilespmem:$0x18100] =	vst v63  }
0x95: {  	_ = 	snop  }
0x96: {  	[hbm4b:s3+s2] =	stream.indirect_vreg.scatter [tilespmem:s25], [sflag:$0x5], $0x80, v3, vm0, $0x2000b8;
	[tilespmem:$0x18100] =	vst v63  }
0x97: {  	_ = 	snop  }
0x98: {  	[hbm4b:s4+s2] =	stream.indirect_vreg.scatter [tilespmem:s26], [sflag:$0x5], $0x80, v3, vm1, $0x2000b8;
	[tilespmem:$0x18100] =	vst v63  }
0x99: {  	v3 =	vld [tilespmem:$0x18070];
	_ =	sdelay $0x4  }
0x9a: {  	v63 =	vshrl.u32 v3, $0x3  }
0x9b: {  	v4 =	vmul.u32 $0x18, v63  }
0x9c: {  	v3 =	vand.u32 $0x7, v3  }
0x9d: {  	v3 =	vor.u32 v3, v4  }
0x9e: {  	v4 =	vperm.xlane v3, v0;
	_ =	sdelay $0x1  }
0x9f: {  	v4 =	vadd.s32 v1, v4;
	_ =	sdelay $0x1  }
0xa0: {  	v3 =	vperm.xlane v3, v2;
	_ =	sdelay $0x1  }
0xa1: {  	v3 =	vadd.s32 v1, v3  }
0xa2: {  	[hbm4b:s3+s2] =	stream.indirect_vreg.scatter [tilespmem:s28], [sflag:$0x5], $0x80, v4, vm0, $0x2000b8;
	[tilespmem:$0x18100] =	vst v63  }
0xa3: {  	_ = 	snop  }
0xa4: {  	[hbm4b:s4+s2] =	stream.indirect_vreg.scatter [tilespmem:s29], [sflag:$0x5], $0x80, v4, vm1, $0x2000b8;
	[tilespmem:$0x18100] =	vst v63  }
0xa5: {  	_ = 	snop  }
0xa6: {  	[hbm4b:s3+s2] =	stream.indirect_vreg.scatter [tilespmem:s30], [sflag:$0x5], $0x80, v3, vm0, $0x2000b8;
	[tilespmem:$0x18100] =	vst v63  }
0xa7: {  	p0 =	sne.s32 s5, $0x1  }
0xa8: {  	[hbm4b:s4+s2] =	stream.indirect_vreg.scatter [tilespmem:s31], [sflag:$0x5], $0x80, v3, vm1, $0x2000b8;
	[tilespmem:$0x18100] =	vst v63  }
.Ltmp0:
0xa9: {  	_ = 	snop;
	(pc) =	sbr.rel @p0 .LBB2_1-.Ltmp0, $4  }
0xaa: {  	_ =	swait.ge [sflag:s0], $0xC000  }
0xab: {  	[sflag:s0] =	ssyncset.done $0x0  }
0xac: {  	[sflag:s0] =	ssyncadd.s32 $0xFFFF4000  }
0xad: {  	s5 =	sadd.s32 $0xFFFFFFFF, s5;
	_ =	strace $0x9000004B  }
0xae: {  	_ =	sfence.sel $0x180000  }
0xaf: {  	[bflag:$0x0] =	sbarrier.arrive $0xFFFF  }
0xb0: {  	_ =	strace $0x90000047  }
0xb1: {  	s0 =	stileid.u32;
	[bflag:$0x2] =	sbarrier.arrive $0xFFFF  }
0xb2: {  	p0 =	sne.s32 s0, $0x0;
	s0 =	rddreg [dreg:$0x1]  }
0xb3: {  	s0 =	sadd.s32 @!p0 $0x100000, s0  }
0xb4: {  	[sflag:s0] =	ssyncadd.tile.s32 @!p0 $0x1;
	_ =	shalt  }
.Lfunc_end2:
_tile_overlayer_lowered:
.L_overlay_start_2:
0xb5: {  	(tag) =	ssettag $0x2  }
0xb6: {  	s0 =	rddreg [dreg:$0x0];
	s2 =	stileid.u32  }
0xb7: {  	s1 =	rddreg [dreg:$0x1];
	p0 =	sne.s32 s2, $0x0  }
0xb8: {  	s3 =	rddreg [dreg:$0x2];
	[bflag:$0x3] =	sbarrier.arrive $0xFFFF;
	s2 =	simm.s32 @!p0 $0x1C01  }
0xb9: {  	[timem:s3], [sflag:s2] =	dma.local @!p0 [hbm:s0], s1  }
0xba: {  	s0 =	simm.s32 @!p0 $0x1  }
0xbb: {  	_ =	swait.ge @!p0 [sflag:s0], s1  }
0xbc: {  	s1 =	ssub.s32 @!p0 $0x0, s1;
	[sflag:s0] =	ssyncset.done @!p0 $0x0  }
0xbd: {  	[sflag:s0] =	ssyncadd.s32 @!p0 s1  }
0xbe: {  	[bflag:$0x3] =	sbarrier.arrive $0xFFFF  }
0xbf: {  	_ =	shalt  }

</sc_bundles>
